<compile_context>
chip_gen: v7x
topology: tpu7x:2x2x1
jax: 0.10.2.dev20260603
libtpu: 0.0.44.dev20260713+nightly
codegen_flags: <defaults>
</compile_context>

<pallas_src>
import functools

import jax
import jax.numpy as jnp
from jax import lax
from jax.experimental import pallas as pl
import jax.experimental.pallas.tpu as pltpu
from jax.experimental.pallas import tpu_sc as plsc

N = 50000
NP = 50048
E = 800000
F_IN = 50
HID = 256
OUT = 121

NC = 2
NS = 16
CHUNK = 128
K = 2
NSLOT = 3
NCHUNK = 6336
E_PAD = NCHUNK * CHUNK
NITER_AGG = NCHUNK // NS // K
NITER_DEG = NCHUNK // (NC * NS) // K
ROWS_PER_TILE = NP // NS
RB = 1088
GRID = NP // RB

_mesh = plsc.VectorSubcoreMesh(core_axis_name="c", subcore_axis_name="s")
_sc_params = pltpu.CompilerParams(use_tc_tiling_on_sc=False)


def _deg_body(edge_hbm, ones_hbm, out_hbm, acc, idxb, onesb, sem_s):
  c = lax.axis_index("c")
  t = lax.axis_index("s")
  w = c * NS + t
  pltpu.sync_copy(ones_hbm.at[pl.ds(t * ROWS_PER_TILE, ROWS_PER_TILE)],
                  acc.at[pl.ds(t * ROWS_PER_TILE, ROWS_PER_TILE)])
  pltpu.sync_copy(ones_hbm.at[pl.ds(0, CHUNK)], onesb)
  plsc.subcore_barrier()

  start = w * (NITER_DEG * K)

  def stage(i, slot):
    pltpu.sync_copy(edge_hbm.at[1, pl.ds(start + i * K, K), :], idxb.at[slot])

  def scat(slot):
    for j in range(K):
      pltpu.async_copy(onesb, acc.at[idxb.at[slot, j]], sem_s, add=True)

  def wait_scat(slot):
    for j in range(K):
      pltpu.make_async_copy(onesb, acc.at[idxb.at[slot, j]], sem_s).wait()

  stage(0, 0)

  def body(i, carry):
    s0, s1 = carry

    @pl.when(i >= NSLOT - 1)
    def _():
      wait_scat(s1)

    @pl.when(i + 1 < NITER_DEG)
    def _():
      stage(i + 1, s1)

    scat(s0)
    return s1, jnp.where(s1 == NSLOT - 1, 0, s1 + 1)

  lax.fori_loop(0, NITER_DEG, body,
                (jnp.int32(0), jnp.int32(1)))
  for d in range(1, NSLOT):
    wait_scat((NITER_DEG - d) % NSLOT)
  plsc.subcore_barrier()
  pltpu.sync_copy(acc.at[pl.ds(t * ROWS_PER_TILE, ROWS_PER_TILE)],
                  out_hbm.at[c, pl.ds(t * ROWS_PER_TILE, ROWS_PER_TILE)])


_deg_call = pl.kernel(
    _deg_body,
    out_type=jax.ShapeDtypeStruct((NC, NP, 8), jnp.float32),
    mesh=_mesh,
    compiler_params=_sc_params,
    scratch_types=[
        pltpu.VMEM_SHARED((NP, 8), jnp.float32),
        pltpu.VMEM((NSLOT, K, CHUNK), jnp.int32),
        pltpu.VMEM((CHUNK, 8), jnp.float32),
        pltpu.SemaphoreType.DMA,
    ],
)


def _agg_body(nchunks, table_hbm, edge_hbm, out_hbm,
              acc, idxb, rows, sem_g, sem_s):
  c = lax.axis_index("c")
  t = lax.axis_index("s")
  start = t * (NITER_AGG * K)

  for k in range(nchunks // NC):
    p = c + NC * k
    pbase = p * NP
    tview = table_hbm.at[pl.ds(pbase, NP)]

    def stage(i, slot):
      pltpu.sync_copy(edge_hbm.at[:, pl.ds(start + i * K, K), :], idxb.at[slot])

    def gath(slot):
      for j in range(K):
        pltpu.async_copy(tview.at[idxb.at[slot, 0, j]], rows.at[slot, j], sem_g)

    def wait_gath(slot):
      for j in range(K):
        pltpu.make_async_copy(tview.at[idxb.at[slot, 0, j]],
                              rows.at[slot, j], sem_g).wait()

    def scat(slot):
      for j in range(K):
        pltpu.async_copy(rows.at[slot, j], acc.at[idxb.at[slot, 1, j]],
                         sem_s, add=True)

    def wait_scat(slot):
      for j in range(K):
        pltpu.make_async_copy(rows.at[slot, j],
                              acc.at[idxb.at[slot, 1, j]], sem_s).wait()

    seed = pltpu.async_copy(
        table_hbm.at[pl.ds(pbase + t * ROWS_PER_TILE, ROWS_PER_TILE)],
        acc.at[pl.ds(t * ROWS_PER_TILE, ROWS_PER_TILE)], sem_g)
    stage(0, 0)
    gath(0)
    seed.wait()
    plsc.subcore_barrier()

    def body(i, carry):
      s0, s1 = carry

      @pl.when(i >= NSLOT - 1)
      def _():
        wait_scat(s1)

      @pl.when(i + 1 < NITER_AGG)
      def _():
        stage(i + 1, s1)
        gath(s1)

      wait_gath(s0)
      scat(s0)
      return s1, jnp.where(s1 == NSLOT - 1, 0, s1 + 1)

    lax.fori_loop(0, NITER_AGG, body,
                  (jnp.int32(0), jnp.int32(1)))
    for d in range(1, NSLOT):
      wait_scat((NITER_AGG - d) % NSLOT)
    plsc.subcore_barrier()
    pltpu.sync_copy(
        acc.at[pl.ds(t * ROWS_PER_TILE, ROWS_PER_TILE)],
        out_hbm.at[pl.ds(pbase + t * ROWS_PER_TILE, ROWS_PER_TILE)])
    plsc.subcore_barrier()


def _make_agg(nchunks):
  return pl.kernel(
      functools.partial(_agg_body, nchunks),
      out_type=jax.ShapeDtypeStruct((nchunks * NP, 32), jnp.float32),
      mesh=_mesh,
      compiler_params=_sc_params,
      scratch_types=[
          pltpu.VMEM_SHARED((NP, 32), jnp.float32),
          pltpu.VMEM((NSLOT, 2, K, CHUNK), jnp.int32),
          pltpu.VMEM((NSLOT, K, CHUNK, 32), jnp.float32),
          pltpu.SemaphoreType.DMA,
          pltpu.SemaphoreType.DMA,
      ],
  )


_agg2_call = _make_agg(2)
_agg4_call = _make_agg(4)


def _prep_body(degp_ref, x_ref, xp_ref, dinv_ref):
  d = degp_ref[0, :, 0:1] + degp_ref[1, :, 0:1] - 1.0
  d = jnp.maximum(d, 1.0)
  dinv = lax.rsqrt(d)
  dinv_ref[...] = jnp.broadcast_to(dinv, (RB, 16))
  xv = x_ref[...] * dinv
  xp_ref[0] = xv[:, :32]
  xp_ref[1] = jnp.concatenate(
      [xv[:, 32:F_IN], jnp.zeros((RB, 64 - F_IN), jnp.float32)], axis=1)


def _mid_body(agg1_ref, dinv_ref, w1_ref, w2_ref, b1_ref, zp_ref):
  dinv = dinv_ref[:, 0:1]
  a = jnp.concatenate([agg1_ref[0], agg1_ref[1]], axis=1) * dinv
  h = lax.dot_general(a, w1_ref[...], (((1,), (0,)), ((), ())),
                      precision=lax.Precision.HIGHEST,
                      preferred_element_type=jnp.float32) + b1_ref[...]
  h = jnp.where(h >= 0, h, 0.01 * h)
  z = lax.dot_general(h, w2_ref[...], (((1,), (0,)), ((), ())),
                      precision=lax.Precision.HIGHEST,
                      preferred_element_type=jnp.float32) * dinv
  for p in range(4):
    zp_ref[p] = z[:, 32 * p:32 * (p + 1)]


def _final_body(agg2_ref, dinv_ref, b2_ref, out_ref):
  dinv = dinv_ref[:, 0:1]
  z = jnp.concatenate([agg2_ref[p] for p in range(4)], axis=1)
  z = z * dinv + b2_ref[...]
  lane = lax.broadcasted_iota(jnp.int32, (RB, 128), 1)
  zm = jnp.where(lane >= OUT, -jnp.inf, z)
  m = jnp.max(zm, axis=1, keepdims=True)
  lse = jnp.log(jnp.sum(jnp.exp(zm - m), axis=1, keepdims=True)) + m
  out_ref[...] = (z - lse)[:, :OUT]


def kernel(x, edge_index, W1, b1, W2, b2):
  ones16 = jnp.ones((NP, 8), jnp.float32)
  xpad = jnp.zeros((NP, F_IN), jnp.float32).at[:N].set(x)

  padrow = N + jnp.arange(E_PAD - E, dtype=jnp.int32) % (NP - N)
  edge3 = jnp.concatenate(
      [edge_index, jnp.broadcast_to(padrow, (2, E_PAD - E))],
      axis=1).reshape(2, NCHUNK, CHUNK)

  degp = _deg_call(edge3, ones16)

  xp, dinv2d = pl.pallas_call(
      _prep_body,
      grid=(GRID,),
      in_specs=[
          pl.BlockSpec((2, RB, 8), lambda i: (0, i, 0)),
          pl.BlockSpec((RB, F_IN), lambda i: (i, 0)),
      ],
      out_specs=[
          pl.BlockSpec((2, RB, 32), lambda i: (0, i, 0)),
          pl.BlockSpec((RB, 16), lambda i: (i, 0)),
      ],
      out_shape=[
          jax.ShapeDtypeStruct((2, NP, 32), jnp.float32),
          jax.ShapeDtypeStruct((NP, 16), jnp.float32),
      ],
  )(degp, xpad)

  agg1 = _agg2_call(xp.reshape(2 * NP, 32), edge3)

  w1p = jnp.zeros((64, HID), jnp.float32).at[:F_IN].set(W1)
  w2p = jnp.zeros((HID, 128), jnp.float32).at[:, :OUT].set(W2)
  b2p = jnp.zeros((1, 128), jnp.float32).at[0, :OUT].set(b2)

  zp = pl.pallas_call(
      _mid_body,
      grid=(GRID,),
      in_specs=[
          pl.BlockSpec((2, RB, 32), lambda i: (0, i, 0)),
          pl.BlockSpec((RB, 16), lambda i: (i, 0)),
          pl.BlockSpec((64, HID), lambda i: (0, 0)),
          pl.BlockSpec((HID, 128), lambda i: (0, 0)),
          pl.BlockSpec((1, HID), lambda i: (0, 0)),
      ],
      out_specs=pl.BlockSpec((4, RB, 32), lambda i: (0, i, 0)),
      out_shape=jax.ShapeDtypeStruct((4, NP, 32), jnp.float32),
  )(agg1.reshape(2, NP, 32), dinv2d, w1p, w2p, b1.reshape(1, HID))

  agg2 = _agg4_call(zp.reshape(4 * NP, 32), edge3)

  out = pl.pallas_call(
      _final_body,
      grid=(GRID,),
      in_specs=[
          pl.BlockSpec((4, RB, 32), lambda i: (0, i, 0)),
          pl.BlockSpec((RB, 16), lambda i: (i, 0)),
          pl.BlockSpec((1, 128), lambda i: (0, 0)),
      ],
      out_specs=pl.BlockSpec((RB, OUT), lambda i: (i, 0)),
      out_shape=jax.ShapeDtypeStruct((N, OUT), jnp.float32),
  )(agg2.reshape(4, NP, 32), dinv2d, b2p)

  return out

# --- scband reference (transcript-rebuilt; emitter-appended) ---
"""Pipeline reference for scband-test-net-11132555231766 (READ-ONLY COPY).

The authoritative reference and input builder live on the scoring server;
editing this copy changes nothing except your own understanding.
"""

import jax, jax.numpy as jnp
import numpy as np

N = 50000
E = 800000
F_IN = 50
HID = 256
OUT = 121


def gcn_conv(x, edge_index, W, b):
    # GCNConv: D^{-1/2} (A + I) D^{-1/2} X W + b
    xw = x @ W
    src = edge_index[0]
    dst = edge_index[1]
    loop = jnp.arange(x.shape[0], dtype=src.dtype)
    src = jnp.concatenate([src, loop])
    dst = jnp.concatenate([dst, loop])
    deg = jnp.zeros((x.shape[0],), dtype=x.dtype).at[dst].add(1.0)
    dinv = jnp.where(deg > 0, deg ** -0.5, 0.0)
    norm = dinv[src] * dinv[dst]
    msg = xw[src] * norm[:, None]
    out = jnp.zeros((x.shape[0], W.shape[1]), dtype=x.dtype).at[dst].add(msg)
    return out + b


def setup_inputs(seed: int = 0) -> dict:
    key = jax.random.key(seed)
    ks = jax.random.split(key, 6)
    x = jax.random.normal(ks[0], (N, F_IN), dtype=jnp.float32)
    edge_index = jax.random.randint(ks[1], (2, E), 0, N, dtype=jnp.int32)
    W1 = jax.random.normal(ks[2], (F_IN, HID), dtype=jnp.float32) * (1.0 / np.sqrt(F_IN))
    b1 = jnp.zeros((HID,), dtype=jnp.float32)
    W2 = jax.random.normal(ks[3], (HID, OUT), dtype=jnp.float32) * (1.0 / np.sqrt(HID))
    b2 = jnp.zeros((OUT,), dtype=jnp.float32)
    return {"x": x, "edge_index": edge_index, "W1": W1, "b1": b1, "W2": W2, "b2": b2}


def reference(x, edge_index, W1, b1, W2, b2):
    h = gcn_conv(x, edge_index, W1, b1)
    h = jax.nn.leaky_relu(h, negative_slope=0.01)
    # dropout in eval/reference mode: identity
    h = gcn_conv(h, edge_index, W2, b2)
    return jax.nn.log_softmax(h, axis=1)

if __name__ == "__main__":
    import jax
    _d = setup_inputs()
    print(jax.jit(kernel)(*tuple(_d.values())))

</pallas_src>

<mosaic_0001>
#map = affine_map<(d0, d1) -> (0, 0)>
#map1 = affine_map<(d0, d1) -> (0, 0, 0)>
module attributes {stable_mosaic.version = 14 : i64} {
  func.func @_agg_body(%arg0: i32, %arg1: i32, %arg2: memref<200192x32xf32, #tpu.memory_space<hbm>>, %arg3: memref<2x6336x128xi32, #tpu.memory_space<hbm>>, %arg4: memref<200192x32xf32, #tpu.memory_space<hbm>>, %arg5: memref<50048x32xf32, #tpu.memory_space<vmem_shared>>, %arg6: memref<3x2x2x128xi32, #tpu.memory_space<vmem>>, %arg7: memref<3x2x128x32xf32, #tpu.memory_space<vmem>>, %arg8: memref<!tpu.dma_semaphore, #tpu.memory_space<semaphore_mem>>, %arg9: memref<!tpu.dma_semaphore, #tpu.memory_space<semaphore_mem>>) attributes {dimension_semantics = [#tpu.dimension_semantics<core_parallel>, #tpu.dimension_semantics<subcore_parallel>], iteration_bounds = array<i64: 2, 16>, scalar_prefetch = 0 : i64, scratch_operands = 5 : i64, tpu.core_type = #tpu.core_type<sc_vector_subcore>, window_params = [{transform_indices = #map}, {transform_indices = #map1}, {transform_indices = #map}]} {
    %mul3A = arith.constant 396 : i32
    %mul3A_0 = arith.muli %arg1, %mul3A : i32
    %add3A = arith.constant 0 : i32
    %add3A_1 = arith.addi %arg0, %add3A : i32
    %mul3A_2 = arith.constant 50048 : i32
    %mul3A_3 = arith.muli %add3A_1, %mul3A_2 : i32
    %mul3A_4 = arith.constant 3128 : i32
    %mul3A_5 = arith.muli %arg1, %mul3A_4 : i32
    %add3A_6 = arith.addi %mul3A_3, %mul3A_5 : i32
    %mul3A_7 = arith.constant 3128 : i32
    %mul3A_8 = arith.muli %arg1, %mul3A_7 : i32
    %dma_start3A = arith.constant 0 : i32
    %dma_start3A_9 = tpu.memref_slice %arg5[%mul3A_8, %dma_start3A] : memref<50048x32xf32, #tpu.memory_space<vmem_shared>> -> memref<3128x32xf32, #tpu.memory_space<vmem_shared>>
    %dma_start3A_10 = arith.constant 0 : i32
    %dma_start3A_11 = tpu.memref_slice %arg2[%add3A_6, %dma_start3A_10] : memref<200192x32xf32, #tpu.memory_space<hbm>> -> memref<3128x32xf32, #tpu.memory_space<hbm>>
    tpu.enqueue_dma source(%dma_start3A_11 : memref<3128x32xf32, #tpu.memory_space<hbm>>) target(%dma_start3A_9 : memref<3128x32xf32, #tpu.memory_space<vmem_shared>>) target_semaphore(%arg8 : memref<!tpu.dma_semaphore, #tpu.memory_space<semaphore_mem>>)
    %add3A_12 = arith.constant 0 : i32
    %add3A_13 = arith.addi %mul3A_0, %add3A_12 : i32
    %run_scoped3A = arith.constant 0 : i32
    "tpu.region"() ({
      %run_scoped3A_255 = tpu.sem_alloc : memref<!tpu.dma_semaphore, #tpu.memory_space<semaphore_mem>>
      %dma_start3A_256 = arith.constant 0 : i32
      %dma_start3A_257 = arith.constant 0 : i32
      %dma_start3A_258 = arith.constant 0 : i32
      %dma_start3A_259 = tpu.memref_slice %arg6[%run_scoped3A, %dma_start3A_256, %dma_start3A_257, %dma_start3A_258] : memref<3x2x2x128xi32, #tpu.memory_space<vmem>> -> memref<1x2x2x128xi32, #tpu.memory_space<vmem>>
      %dma_start3A_260 = tpu.memref_squeeze %dma_start3A_259 : memref<1x2x2x128xi32, #tpu.memory_space<vmem>> -> memref<2x2x128xi32, #tpu.memory_space<vmem>>
      %dma_start3A_261 = arith.constant 0 : i32
      %dma_start3A_262 = arith.constant 0 : i32
      %dma_start3A_263 = tpu.memref_slice %arg3[%dma_start3A_261, %add3A_13, %dma_start3A_262] : memref<2x6336x128xi32, #tpu.memory_space<hbm>> -> memref<2x2x128xi32, #tpu.memory_space<hbm>>
      %dma_start3A_264 = arith.constant 0 : i32
      %dma_start3A_265 = arith.constant 0 : i32
      %dma_start3A_266 = arith.constant 0 : i32
      %dma_start3A_267 = tpu.memref_slice %arg6[%run_scoped3A, %dma_start3A_264, %dma_start3A_265, %dma_start3A_266] : memref<3x2x2x128xi32, #tpu.memory_space<vmem>> -> memref<1x2x2x128xi32, #tpu.memory_space<vmem>>
      %dma_start3A_268 = tpu.memref_squeeze %dma_start3A_267 : memref<1x2x2x128xi32, #tpu.memory_space<vmem>> -> memref<2x2x128xi32, #tpu.memory_space<vmem>>
      %dma_start3A_269 = arith.constant 0 : i32
      %dma_start3A_270 = arith.constant 0 : i32
      %dma_start3A_271 = tpu.memref_slice %arg3[%dma_start3A_269, %add3A_13, %dma_start3A_270] : memref<2x6336x128xi32, #tpu.memory_space<hbm>> -> memref<2x2x128xi32, #tpu.memory_space<hbm>>
      tpu.enqueue_dma source(%dma_start3A_271 : memref<2x2x128xi32, #tpu.memory_space<hbm>>) target(%dma_start3A_268 : memref<2x2x128xi32, #tpu.memory_space<vmem>>) target_semaphore(%run_scoped3A_255 : memref<!tpu.dma_semaphore, #tpu.memory_space<semaphore_mem>>)
      %dma_wait3A_272 = arith.constant 0 : i32
      %dma_wait3A_273 = arith.constant 0 : i32
      %dma_wait3A_274 = arith.constant 0 : i32
      %dma_wait3A_275 = tpu.memref_slice %arg6[%run_scoped3A, %dma_wait3A_272, %dma_wait3A_273, %dma_wait3A_274] : memref<3x2x2x128xi32, #tpu.memory_space<vmem>> -> memref<1x2x2x128xi32, #tpu.memory_space<vmem>>
      %dma_wait3A_276 = tpu.memref_squeeze %dma_wait3A_275 : memref<1x2x2x128xi32, #tpu.memory_space<vmem>> -> memref<2x2x128xi32, #tpu.memory_space<vmem>>
      %dma_wait3A_277 = arith.constant 0 : i32
      %dma_wait3A_278 = arith.constant 0 : i32
      %dma_wait3A_279 = tpu.memref_slice %arg3[%dma_wait3A_277, %add3A_13, %dma_wait3A_278] : memref<2x6336x128xi32, #tpu.memory_space<hbm>> -> memref<2x2x128xi32, #tpu.memory_space<hbm>>
      %dma_wait3A_280 = arith.constant 0 : i32
      %dma_wait3A_281 = arith.constant 0 : i32
      %dma_wait3A_282 = arith.constant 0 : i32
      %dma_wait3A_283 = tpu.memref_slice %arg6[%run_scoped3A, %dma_wait3A_280, %dma_wait3A_281, %dma_wait3A_282] : memref<3x2x2x128xi32, #tpu.memory_space<vmem>> -> memref<1x2x2x128xi32, #tpu.memory_space<vmem>>
      %dma_wait3A_284 = tpu.memref_squeeze %dma_wait3A_283 : memref<1x2x2x128xi32, #tpu.memory_space<vmem>> -> memref<2x2x128xi32, #tpu.memory_space<vmem>>
      %dma_wait3A_285 = arith.constant 0 : i32
      %dma_wait3A_286 = arith.constant 0 : i32
      %dma_wait3A_287 = tpu.memref_slice %arg3[%dma_wait3A_285, %add3A_13, %dma_wait3A_286] : memref<2x6336x128xi32, #tpu.memory_space<hbm>> -> memref<2x2x128xi32, #tpu.memory_space<hbm>>
      tpu.wait_dma2 semaphore(%run_scoped3A_255 : memref<!tpu.dma_semaphore, #tpu.memory_space<semaphore_mem>>) src(%dma_wait3A_287 : memref<2x2x128xi32, #tpu.memory_space<hbm>>) dst(%dma_wait3A_284 : memref<2x2x128xi32, #tpu.memory_space<vmem>>)
      tpu.yield
    }) : () -> ()
    %dma_start3A_14 = arith.constant 0 : i32
    %dma_start3A_15 = arith.constant 0 : i32
    %dma_start3A_16 = arith.constant 0 : i32
    %dma_start3A_17 = arith.constant 0 : i32
    %dma_start3A_18 = arith.constant 0 : i32
    %dma_start3A_19 = arith.constant 0 : i32
    %dma_start3A_20 = arith.constant 0 : i32
    %dma_start3A_21 = tpu.memref_slice %arg7[%dma_start3A_17, %dma_start3A_18, %dma_start3A_19, %dma_start3A_20] : memref<3x2x128x32xf32, #tpu.memory_space<vmem>> -> memref<1x1x128x32xf32, #tpu.memory_space<vmem>>
    %dma_start3A_22 = tpu.memref_squeeze %dma_start3A_21 : memref<1x1x128x32xf32, #tpu.memory_space<vmem>> -> memref<128x32xf32, #tpu.memory_space<vmem>>
    %dma_start3A_23 = arith.constant 0 : i32
    %dma_start3A_24 = tpu.memref_slice %arg6[%dma_start3A_14, %dma_start3A_15, %dma_start3A_16, %dma_start3A_23] : memref<3x2x2x128xi32, #tpu.memory_space<vmem>> -> memref<1x1x1x128xi32, #tpu.memory_space<vmem>>
    %dma_start3A_25 = tpu.memref_squeeze %dma_start3A_24 : memref<1x1x1x128xi32, #tpu.memory_space<vmem>> -> memref<128xi32, #tpu.memory_space<vmem>>
    %dma_start3A_26 = arith.constant 0 : i32
    %dma_start3A_27 = tpu.memref_slice %arg2[%mul3A_3, %dma_start3A_26] : memref<200192x32xf32, #tpu.memory_space<hbm>> -> memref<50048x32xf32, #tpu.memory_space<hbm>>
    %dma_start3A_28 = arith.constant 0 : i32
    %dma_start3A_29 = arith.constant 0 : i32
    %dma_start3A_30 = tpu.memref_slice %dma_start3A_27[%dma_start3A_28, %dma_start3A_29] : memref<50048x32xf32, #tpu.memory_space<hbm>> -> memref<50048x32xf32, #tpu.memory_space<hbm>>
    tpu.enqueue_indirect_dma source(%dma_start3A_30 : memref<50048x32xf32, #tpu.memory_space<hbm>>) target(%dma_start3A_22 : memref<128x32xf32, #tpu.memory_space<vmem>>) offsets(%dma_start3A_25 : memref<128xi32, #tpu.memory_space<vmem>>) semaphore(%arg8 : memref<!tpu.dma_semaphore, #tpu.memory_space<semaphore_mem>>)
    %dma_start3A_31 = arith.constant 0 : i32
    %dma_start3A_32 = arith.constant 0 : i32
    %dma_start3A_33 = arith.constant 1 : i32
    %dma_start3A_34 = arith.constant 0 : i32
    %dma_start3A_35 = arith.constant 1 : i32
    %dma_start3A_36 = arith.constant 0 : i32
    %dma_start3A_37 = arith.constant 0 : i32
    %dma_start3A_38 = tpu.memref_slice %arg7[%dma_start3A_34, %dma_start3A_35, %dma_start3A_36, %dma_start3A_37] : memref<3x2x128x32xf32, #tpu.memory_space<vmem>> -> memref<1x1x128x32xf32, #tpu.memory_space<vmem>>
    %dma_start3A_39 = tpu.memref_squeeze %dma_start3A_38 : memref<1x1x128x32xf32, #tpu.memory_space<vmem>> -> memref<128x32xf32, #tpu.memory_space<vmem>>
    %dma_start3A_40 = arith.constant 0 : i32
    %dma_start3A_41 = tpu.memref_slice %arg6[%dma_start3A_31, %dma_start3A_32, %dma_start3A_33, %dma_start3A_40] : memref<3x2x2x128xi32, #tpu.memory_space<vmem>> -> memref<1x1x1x128xi32, #tpu.memory_space<vmem>>
    %dma_start3A_42 = tpu.memref_squeeze %dma_start3A_41 : memref<1x1x1x128xi32, #tpu.memory_space<vmem>> -> memref<128xi32, #tpu.memory_space<vmem>>
    %dma_start3A_43 = arith.constant 0 : i32
    %dma_start3A_44 = tpu.memref_slice %arg2[%mul3A_3, %dma_start3A_43] : memref<200192x32xf32, #tpu.memory_space<hbm>> -> memref<50048x32xf32, #tpu.memory_space<hbm>>
    %dma_start3A_45 = arith.constant 0 : i32
    %dma_start3A_46 = arith.constant 0 : i32
    %dma_start3A_47 = tpu.memref_slice %dma_start3A_44[%dma_start3A_45, %dma_start3A_46] : memref<50048x32xf32, #tpu.memory_space<hbm>> -> memref<50048x32xf32, #tpu.memory_space<hbm>>
    tpu.enqueue_indirect_dma source(%dma_start3A_47 : memref<50048x32xf32, #tpu.memory_space<hbm>>) target(%dma_start3A_39 : memref<128x32xf32, #tpu.memory_space<vmem>>) offsets(%dma_start3A_42 : memref<128xi32, #tpu.memory_space<vmem>>) semaphore(%arg8 : memref<!tpu.dma_semaphore, #tpu.memory_space<semaphore_mem>>)
    %dma_wait3A = arith.constant 0 : i32
    %dma_wait3A_48 = tpu.memref_slice %arg5[%mul3A_8, %dma_wait3A] : memref<50048x32xf32, #tpu.memory_space<vmem_shared>> -> memref<3128x32xf32, #tpu.memory_space<vmem_shared>>
    %dma_wait3A_49 = arith.constant 0 : i32
    %dma_wait3A_50 = tpu.memref_slice %arg2[%add3A_6, %dma_wait3A_49] : memref<200192x32xf32, #tpu.memory_space<hbm>> -> memref<3128x32xf32, #tpu.memory_space<hbm>>
    tpu.wait_dma2 semaphore(%arg8 : memref<!tpu.dma_semaphore, #tpu.memory_space<semaphore_mem>>) src(%dma_wait3A_50 : memref<3128x32xf32, #tpu.memory_space<hbm>>) dst(%dma_wait3A_48 : memref<3128x32xf32, #tpu.memory_space<vmem_shared>>)
    %barrier3A = arith.constant 0 : index
    tpu.barrier barrier_id(%barrier3A)
    %scan3A = arith.constant 0 : i32
    %scan3A_51 = arith.constant 1 : i32
    %scan3A_52 = arith.constant 0 : i32
    %scan3A_53 = arith.constant 198 : i32
    %scan3A_54 = arith.addi %scan3A_52, %scan3A_53 : i32
    %scan3A_55 = arith.constant 1 : i32
    %scan3A_56:2 = scf.for %scan3A_255 = %scan3A_52 to %scan3A_54 step %scan3A_55 iter_args(%scan3A_256 = %scan3A, %scan3A_257 = %scan3A_51) -> (i32, i32)  : i32 {
      %ge3A = arith.constant 2 : i32
      %ge3A_258 = arith.cmpi sge, %scan3A_255, %ge3A : i32
      %convert_element_type3A = arith.extui %ge3A_258 : i1 to i32
      %cond3A = arith.constant 0 : i32
      %cond3A_259 = arith.cmpi ne, %convert_element_type3A, %cond3A : i32
      scf.if %cond3A_259 {
        %dma_wait3A_325 = arith.constant 0 : i32
        %dma_wait3A_326 = arith.constant 1 : i32
        %dma_wait3A_327 = arith.constant 0 : i32
        %dma_wait3A_328 = arith.constant 0 : i32
        %dma_wait3A_329 = arith.constant 0 : i32
        %dma_wait3A_330 = tpu.memref_slice %arg7[%scan3A_257, %dma_wait3A_325, %dma_wait3A_328, %dma_wait3A_329] : memref<3x2x128x32xf32, #tpu.memory_space<vmem>> -> memref<1x1x128x32xf32, #tpu.memory_space<vmem>>
        %dma_wait3A_331 = tpu.memref_squeeze %dma_wait3A_330 : memref<1x1x128x32xf32, #tpu.memory_space<vmem>> -> memref<128x32xf32, #tpu.memory_space<vmem>>
        %dma_wait3A_332 = arith.constant 0 : i32
        %dma_wait3A_333 = tpu.memref_slice %arg6[%scan3A_257, %dma_wait3A_326, %dma_wait3A_327, %dma_wait3A_332] : memref<3x2x2x128xi32, #tpu.memory_space<vmem>> -> memref<1x1x1x128xi32, #tpu.memory_space<vmem>>
        %dma_wait3A_334 = tpu.memref_squeeze %dma_wait3A_333 : memref<1x1x1x128xi32, #tpu.memory_space<vmem>> -> memref<128xi32, #tpu.memory_space<vmem>>
        %dma_wait3A_335 = arith.constant 0 : i32
        %dma_wait3A_336 = arith.constant 0 : i32
        %dma_wait3A_337 = tpu.memref_slice %arg5[%dma_wait3A_335, %dma_wait3A_336] : memref<50048x32xf32, #tpu.memory_space<vmem_shared>> -> memref<50048x32xf32, #tpu.memory_space<vmem_shared>>
        tpu.wait_indirect_dma semaphore(%arg9 : memref<!tpu.dma_semaphore, #tpu.memory_space<semaphore_mem>>) src(%dma_wait3A_331 : memref<128x32xf32, #tpu.memory_space<vmem>>) dst(%dma_wait3A_337 : memref<50048x32xf32, #tpu.memory_space<vmem_shared>>)
        %dma_wait3A_338 = arith.constant 1 : i32
        %dma_wait3A_339 = arith.constant 1 : i32
        %dma_wait3A_340 = arith.constant 1 : i32
        %dma_wait3A_341 = arith.constant 0 : i32
        %dma_wait3A_342 = arith.constant 0 : i32
        %dma_wait3A_343 = tpu.memref_slice %arg7[%scan3A_257, %dma_wait3A_338, %dma_wait3A_341, %dma_wait3A_342] : memref<3x2x128x32xf32, #tpu.memory_space<vmem>> -> memref<1x1x128x32xf32, #tpu.memory_space<vmem>>
        %dma_wait3A_344 = tpu.memref_squeeze %dma_wait3A_343 : memref<1x1x128x32xf32, #tpu.memory_space<vmem>> -> memref<128x32xf32, #tpu.memory_space<vmem>>
        %dma_wait3A_345 = arith.constant 0 : i32
        %dma_wait3A_346 = tpu.memref_slice %arg6[%scan3A_257, %dma_wait3A_339, %dma_wait3A_340, %dma_wait3A_345] : memref<3x2x2x128xi32, #tpu.memory_space<vmem>> -> memref<1x1x1x128xi32, #tpu.memory_space<vmem>>
        %dma_wait3A_347 = tpu.memref_squeeze %dma_wait3A_346 : memref<1x1x1x128xi32, #tpu.memory_space<vmem>> -> memref<128xi32, #tpu.memory_space<vmem>>
        %dma_wait3A_348 = arith.constant 0 : i32
        %dma_wait3A_349 = arith.constant 0 : i32
        %dma_wait3A_350 = tpu.memref_slice %arg5[%dma_wait3A_348, %dma_wait3A_349] : memref<50048x32xf32, #tpu.memory_space<vmem_shared>> -> memref<50048x32xf32, #tpu.memory_space<vmem_shared>>
        tpu.wait_indirect_dma semaphore(%arg9 : memref<!tpu.dma_semaphore, #tpu.memory_space<semaphore_mem>>) src(%dma_wait3A_344 : memref<128x32xf32, #tpu.memory_space<vmem>>) dst(%dma_wait3A_350 : memref<50048x32xf32, #tpu.memory_space<vmem_shared>>)
      } else {
      }
      %add3A_260 = arith.constant 1 : i32
      %add3A_261 = arith.addi %scan3A_255, %add3A_260 : i32
      %lt3A = arith.constant 198 : i32
      %lt3A_262 = arith.cmpi slt, %add3A_261, %lt3A : i32
      %convert_element_type3A_263 = arith.extui %lt3A_262 : i1 to i32
      %cond3A_264 = arith.constant 0 : i32
      %cond3A_265 = arith.cmpi ne, %convert_element_type3A_263, %cond3A_264 : i32
      scf.if %cond3A_265 {
        %add3A_325 = arith.constant 1 : i32
        %add3A_326 = arith.addi %scan3A_255, %add3A_325 : i32
        %mul3A_327 = arith.constant 2 : i32
        %mul3A_328 = arith.muli %add3A_326, %mul3A_327 : i32
        %add3A_329 = arith.addi %mul3A_0, %mul3A_328 : i32
        "tpu.region"() ({
          %run_scoped3A_360 = tpu.sem_alloc : memref<!tpu.dma_semaphore, #tpu.memory_space<semaphore_mem>>
          %dma_start3A_361 = arith.constant 0 : i32
          %dma_start3A_362 = arith.constant 0 : i32
          %dma_start3A_363 = arith.constant 0 : i32
          %dma_start3A_364 = tpu.memref_slice %arg6[%scan3A_257, %dma_start3A_361, %dma_start3A_362, %dma_start3A_363] : memref<3x2x2x128xi32, #tpu.memory_space<vmem>> -> memref<1x2x2x128xi32, #tpu.memory_space<vmem>>
          %dma_start3A_365 = tpu.memref_squeeze %dma_start3A_364 : memref<1x2x2x128xi32, #tpu.memory_space<vmem>> -> memref<2x2x128xi32, #tpu.memory_space<vmem>>
          %dma_start3A_366 = arith.constant 0 : i32
          %dma_start3A_367 = arith.constant 0 : i32
          %dma_start3A_368 = tpu.memref_slice %arg3[%dma_start3A_366, %add3A_329, %dma_start3A_367] : memref<2x6336x128xi32, #tpu.memory_space<hbm>> -> memref<2x2x128xi32, #tpu.memory_space<hbm>>
          %dma_start3A_369 = arith.constant 0 : i32
          %dma_start3A_370 = arith.constant 0 : i32
          %dma_start3A_371 = arith.constant 0 : i32
          %dma_start3A_372 = tpu.memref_slice %arg6[%scan3A_257, %dma_start3A_369, %dma_start3A_370, %dma_start3A_371] : memref<3x2x2x128xi32, #tpu.memory_space<vmem>> -> memref<1x2x2x128xi32, #tpu.memory_space<vmem>>
          %dma_start3A_373 = tpu.memref_squeeze %dma_start3A_372 : memref<1x2x2x128xi32, #tpu.memory_space<vmem>> -> memref<2x2x128xi32, #tpu.memory_space<vmem>>
          %dma_start3A_374 = arith.constant 0 : i32
          %dma_start3A_375 = arith.constant 0 : i32
          %dma_start3A_376 = tpu.memref_slice %arg3[%dma_start3A_374, %add3A_329, %dma_start3A_375] : memref<2x6336x128xi32, #tpu.memory_space<hbm>> -> memref<2x2x128xi32, #tpu.memory_space<hbm>>
          tpu.enqueue_dma source(%dma_start3A_376 : memref<2x2x128xi32, #tpu.memory_space<hbm>>) target(%dma_start3A_373 : memref<2x2x128xi32, #tpu.memory_space<vmem>>) target_semaphore(%run_scoped3A_360 : memref<!tpu.dma_semaphore, #tpu.memory_space<semaphore_mem>>)
          %dma_wait3A_377 = arith.constant 0 : i32
          %dma_wait3A_378 = arith.constant 0 : i32
          %dma_wait3A_379 = arith.constant 0 : i32
          %dma_wait3A_380 = tpu.memref_slice %arg6[%scan3A_257, %dma_wait3A_377, %dma_wait3A_378, %dma_wait3A_379] : memref<3x2x2x128xi32, #tpu.memory_space<vmem>> -> memref<1x2x2x128xi32, #tpu.memory_space<vmem>>
          %dma_wait3A_381 = tpu.memref_squeeze %dma_wait3A_380 : memref<1x2x2x128xi32, #tpu.memory_space<vmem>> -> memref<2x2x128xi32, #tpu.memory_space<vmem>>
          %dma_wait3A_382 = arith.constant 0 : i32
          %dma_wait3A_383 = arith.constant 0 : i32
          %dma_wait3A_384 = tpu.memref_slice %arg3[%dma_wait3A_382, %add3A_329, %dma_wait3A_383] : memref<2x6336x128xi32, #tpu.memory_space<hbm>> -> memref<2x2x128xi32, #tpu.memory_space<hbm>>
          %dma_wait3A_385 = arith.constant 0 : i32
          %dma_wait3A_386 = arith.constant 0 : i32
          %dma_wait3A_387 = arith.constant 0 : i32
          %dma_wait3A_388 = tpu.memref_slice %arg6[%scan3A_257, %dma_wait3A_385, %dma_wait3A_386, %dma_wait3A_387] : memref<3x2x2x128xi32, #tpu.memory_space<vmem>> -> memref<1x2x2x128xi32, #tpu.memory_space<vmem>>
          %dma_wait3A_389 = tpu.memref_squeeze %dma_wait3A_388 : memref<1x2x2x128xi32, #tpu.memory_space<vmem>> -> memref<2x2x128xi32, #tpu.memory_space<vmem>>
          %dma_wait3A_390 = arith.constant 0 : i32
          %dma_wait3A_391 = arith.constant 0 : i32
          %dma_wait3A_392 = tpu.memref_slice %arg3[%dma_wait3A_390, %add3A_329, %dma_wait3A_391] : memref<2x6336x128xi32, #tpu.memory_space<hbm>> -> memref<2x2x128xi32, #tpu.memory_space<hbm>>
          tpu.wait_dma2 semaphore(%run_scoped3A_360 : memref<!tpu.dma_semaphore, #tpu.memory_space<semaphore_mem>>) src(%dma_wait3A_392 : memref<2x2x128xi32, #tpu.memory_space<hbm>>) dst(%dma_wait3A_389 : memref<2x2x128xi32, #tpu.memory_space<vmem>>)
          tpu.yield
        }) : () -> ()
        %dma_start3A_330 = arith.constant 0 : i32
        %dma_start3A_331 = arith.constant 0 : i32
        %dma_start3A_332 = arith.constant 0 : i32
        %dma_start3A_333 = arith.constant 0 : i32
        %dma_start3A_334 = arith.constant 0 : i32
        %dma_start3A_335 = tpu.memref_slice %arg7[%scan3A_257, %dma_start3A_332, %dma_start3A_333, %dma_start3A_334] : memref<3x2x128x32xf32, #tpu.memory_space<vmem>> -> memref<1x1x128x32xf32, #tpu.memory_space<vmem>>
        %dma_start3A_336 = tpu.memref_squeeze %dma_start3A_335 : memref<1x1x128x32xf32, #tpu.memory_space<vmem>> -> memref<128x32xf32, #tpu.memory_space<vmem>>
        %dma_start3A_337 = arith.constant 0 : i32
        %dma_start3A_338 = tpu.memref_slice %arg6[%scan3A_257, %dma_start3A_330, %dma_start3A_331, %dma_start3A_337] : memref<3x2x2x128xi32, #tpu.memory_space<vmem>> -> memref<1x1x1x128xi32, #tpu.memory_space<vmem>>
        %dma_start3A_339 = tpu.memref_squeeze %dma_start3A_338 : memref<1x1x1x128xi32, #tpu.memory_space<vmem>> -> memref<128xi32, #tpu.memory_space<vmem>>
        %dma_start3A_340 = arith.constant 0 : i32
        %dma_start3A_341 = tpu.memref_slice %arg2[%mul3A_3, %dma_start3A_340] : memref<200192x32xf32, #tpu.memory_space<hbm>> -> memref<50048x32xf32, #tpu.memory_space<hbm>>
        %dma_start3A_342 = arith.constant 0 : i32
        %dma_start3A_343 = arith.constant 0 : i32
        %dma_start3A_344 = tpu.memref_slice %dma_start3A_341[%dma_start3A_342, %dma_start3A_343] : memref<50048x32xf32, #tpu.memory_space<hbm>> -> memref<50048x32xf32, #tpu.memory_space<hbm>>
        tpu.enqueue_indirect_dma source(%dma_start3A_344 : memref<50048x32xf32, #tpu.memory_space<hbm>>) target(%dma_start3A_336 : memref<128x32xf32, #tpu.memory_space<vmem>>) offsets(%dma_start3A_339 : memref<128xi32, #tpu.memory_space<vmem>>) semaphore(%arg8 : memref<!tpu.dma_semaphore, #tpu.memory_space<semaphore_mem>>)
        %dma_start3A_345 = arith.constant 0 : i32
        %dma_start3A_346 = arith.constant 1 : i32
        %dma_start3A_347 = arith.constant 1 : i32
        %dma_start3A_348 = arith.constant 0 : i32
        %dma_start3A_349 = arith.constant 0 : i32
        %dma_start3A_350 = tpu.memref_slice %arg7[%scan3A_257, %dma_start3A_347, %dma_start3A_348, %dma_start3A_349] : memref<3x2x128x32xf32, #tpu.memory_space<vmem>> -> memref<1x1x128x32xf32, #tpu.memory_space<vmem>>
        %dma_start3A_351 = tpu.memref_squeeze %dma_start3A_350 : memref<1x1x128x32xf32, #tpu.memory_space<vmem>> -> memref<128x32xf32, #tpu.memory_space<vmem>>
        %dma_start3A_352 = arith.constant 0 : i32
        %dma_start3A_353 = tpu.memref_slice %arg6[%scan3A_257, %dma_start3A_345, %dma_start3A_346, %dma_start3A_352] : memref<3x2x2x128xi32, #tpu.memory_space<vmem>> -> memref<1x1x1x128xi32, #tpu.memory_space<vmem>>
        %dma_start3A_354 = tpu.memref_squeeze %dma_start3A_353 : memref<1x1x1x128xi32, #tpu.memory_space<vmem>> -> memref<128xi32, #tpu.memory_space<vmem>>
        %dma_start3A_355 = arith.constant 0 : i32
        %dma_start3A_356 = tpu.memref_slice %arg2[%mul3A_3, %dma_start3A_355] : memref<200192x32xf32, #tpu.memory_space<hbm>> -> memref<50048x32xf32, #tpu.memory_space<hbm>>
        %dma_start3A_357 = arith.constant 0 : i32
        %dma_start3A_358 = arith.constant 0 : i32
        %dma_start3A_359 = tpu.memref_slice %dma_start3A_356[%dma_start3A_357, %dma_start3A_358] : memref<50048x32xf32, #tpu.memory_space<hbm>> -> memref<50048x32xf32, #tpu.memory_space<hbm>>
        tpu.enqueue_indirect_dma source(%dma_start3A_359 : memref<50048x32xf32, #tpu.memory_space<hbm>>) target(%dma_start3A_351 : memref<128x32xf32, #tpu.memory_space<vmem>>) offsets(%dma_start3A_354 : memref<128xi32, #tpu.memory_space<vmem>>) semaphore(%arg8 : memref<!tpu.dma_semaphore, #tpu.memory_space<semaphore_mem>>)
      } else {
      }
      %dma_wait3A_266 = arith.constant 0 : i32
      %dma_wait3A_267 = arith.constant 0 : i32
      %dma_wait3A_268 = arith.constant 0 : i32
      %dma_wait3A_269 = arith.constant 0 : i32
      %dma_wait3A_270 = arith.constant 0 : i32
      %dma_wait3A_271 = tpu.memref_slice %arg7[%scan3A_256, %dma_wait3A_268, %dma_wait3A_269, %dma_wait3A_270] : memref<3x2x128x32xf32, #tpu.memory_space<vmem>> -> memref<1x1x128x32xf32, #tpu.memory_space<vmem>>
      %dma_wait3A_272 = tpu.memref_squeeze %dma_wait3A_271 : memref<1x1x128x32xf32, #tpu.memory_space<vmem>> -> memref<128x32xf32, #tpu.memory_space<vmem>>
      %dma_wait3A_273 = arith.constant 0 : i32
      %dma_wait3A_274 = tpu.memref_slice %arg6[%scan3A_256, %dma_wait3A_266, %dma_wait3A_267, %dma_wait3A_273] : memref<3x2x2x128xi32, #tpu.memory_space<vmem>> -> memref<1x1x1x128xi32, #tpu.memory_space<vmem>>
      %dma_wait3A_275 = tpu.memref_squeeze %dma_wait3A_274 : memref<1x1x1x128xi32, #tpu.memory_space<vmem>> -> memref<128xi32, #tpu.memory_space<vmem>>
      %dma_wait3A_276 = arith.constant 0 : i32
      %dma_wait3A_277 = tpu.memref_slice %arg2[%mul3A_3, %dma_wait3A_276] : memref<200192x32xf32, #tpu.memory_space<hbm>> -> memref<50048x32xf32, #tpu.memory_space<hbm>>
      %dma_wait3A_278 = arith.constant 0 : i32
      %dma_wait3A_279 = arith.constant 0 : i32
      %dma_wait3A_280 = tpu.memref_slice %dma_wait3A_277[%dma_wait3A_278, %dma_wait3A_279] : memref<50048x32xf32, #tpu.memory_space<hbm>> -> memref<50048x32xf32, #tpu.memory_space<hbm>>
      tpu.wait_indirect_dma semaphore(%arg8 : memref<!tpu.dma_semaphore, #tpu.memory_space<semaphore_mem>>) src(%dma_wait3A_280 : memref<50048x32xf32, #tpu.memory_space<hbm>>) dst(%dma_wait3A_272 : memref<128x32xf32, #tpu.memory_space<vmem>>)
      %dma_wait3A_281 = arith.constant 0 : i32
      %dma_wait3A_282 = arith.constant 1 : i32
      %dma_wait3A_283 = arith.constant 1 : i32
      %dma_wait3A_284 = arith.constant 0 : i32
      %dma_wait3A_285 = arith.constant 0 : i32
      %dma_wait3A_286 = tpu.memref_slice %arg7[%scan3A_256, %dma_wait3A_283, %dma_wait3A_284, %dma_wait3A_285] : memref<3x2x128x32xf32, #tpu.memory_space<vmem>> -> memref<1x1x128x32xf32, #tpu.memory_space<vmem>>
      %dma_wait3A_287 = tpu.memref_squeeze %dma_wait3A_286 : memref<1x1x128x32xf32, #tpu.memory_space<vmem>> -> memref<128x32xf32, #tpu.memory_space<vmem>>
      %dma_wait3A_288 = arith.constant 0 : i32
      %dma_wait3A_289 = tpu.memref_slice %arg6[%scan3A_256, %dma_wait3A_281, %dma_wait3A_282, %dma_wait3A_288] : memref<3x2x2x128xi32, #tpu.memory_space<vmem>> -> memref<1x1x1x128xi32, #tpu.memory_space<vmem>>
      %dma_wait3A_290 = tpu.memref_squeeze %dma_wait3A_289 : memref<1x1x1x128xi32, #tpu.memory_space<vmem>> -> memref<128xi32, #tpu.memory_space<vmem>>
      %dma_wait3A_291 = arith.constant 0 : i32
      %dma_wait3A_292 = tpu.memref_slice %arg2[%mul3A_3, %dma_wait3A_291] : memref<200192x32xf32, #tpu.memory_space<hbm>> -> memref<50048x32xf32, #tpu.memory_space<hbm>>
      %dma_wait3A_293 = arith.constant 0 : i32
      %dma_wait3A_294 = arith.constant 0 : i32
      %dma_wait3A_295 = tpu.memref_slice %dma_wait3A_292[%dma_wait3A_293, %dma_wait3A_294] : memref<50048x32xf32, #tpu.memory_space<hbm>> -> memref<50048x32xf32, #tpu.memory_space<hbm>>
      tpu.wait_indirect_dma semaphore(%arg8 : memref<!tpu.dma_semaphore, #tpu.memory_space<semaphore_mem>>) src(%dma_wait3A_295 : memref<50048x32xf32, #tpu.memory_space<hbm>>) dst(%dma_wait3A_287 : memref<128x32xf32, #tpu.memory_space<vmem>>)
      %dma_start3A_296 = arith.constant 0 : i32
      %dma_start3A_297 = arith.constant 1 : i32
      %dma_start3A_298 = arith.constant 0 : i32
      %dma_start3A_299 = arith.constant 0 : i32
      %dma_start3A_300 = arith.constant 0 : i32
      %dma_start3A_301 = tpu.memref_slice %arg7[%scan3A_256, %dma_start3A_296, %dma_start3A_299, %dma_start3A_300] : memref<3x2x128x32xf32, #tpu.memory_space<vmem>> -> memref<1x1x128x32xf32, #tpu.memory_space<vmem>>
      %dma_start3A_302 = tpu.memref_squeeze %dma_start3A_301 : memref<1x1x128x32xf32, #tpu.memory_space<vmem>> -> memref<128x32xf32, #tpu.memory_space<vmem>>
      %dma_start3A_303 = arith.constant 0 : i32
      %dma_start3A_304 = tpu.memref_slice %arg6[%scan3A_256, %dma_start3A_297, %dma_start3A_298, %dma_start3A_303] : memref<3x2x2x128xi32, #tpu.memory_space<vmem>> -> memref<1x1x1x128xi32, #tpu.memory_space<vmem>>
      %dma_start3A_305 = tpu.memref_squeeze %dma_start3A_304 : memref<1x1x1x128xi32, #tpu.memory_space<vmem>> -> memref<128xi32, #tpu.memory_space<vmem>>
      %dma_start3A_306 = arith.constant 0 : i32
      %dma_start3A_307 = arith.constant 0 : i32
      %dma_start3A_308 = tpu.memref_slice %arg5[%dma_start3A_306, %dma_start3A_307] : memref<50048x32xf32, #tpu.memory_space<vmem_shared>> -> memref<50048x32xf32, #tpu.memory_space<vmem_shared>>
      tpu.enqueue_indirect_dma source(%dma_start3A_302 : memref<128x32xf32, #tpu.memory_space<vmem>>) target(%dma_start3A_308 : memref<50048x32xf32, #tpu.memory_space<vmem_shared>>) offsets(%dma_start3A_305 : memref<128xi32, #tpu.memory_space<vmem>>) semaphore(%arg9 : memref<!tpu.dma_semaphore, #tpu.memory_space<semaphore_mem>>) {add = true}
      %dma_start3A_309 = arith.constant 1 : i32
      %dma_start3A_310 = arith.constant 1 : i32
      %dma_start3A_311 = arith.constant 1 : i32
      %dma_start3A_312 = arith.constant 0 : i32
      %dma_start3A_313 = arith.constant 0 : i32
      %dma_start3A_314 = tpu.memref_slice %arg7[%scan3A_256, %dma_start3A_309, %dma_start3A_312, %dma_start3A_313] : memref<3x2x128x32xf32, #tpu.memory_space<vmem>> -> memref<1x1x128x32xf32, #tpu.memory_space<vmem>>
      %dma_start3A_315 = tpu.memref_squeeze %dma_start3A_314 : memref<1x1x128x32xf32, #tpu.memory_space<vmem>> -> memref<128x32xf32, #tpu.memory_space<vmem>>
      %dma_start3A_316 = arith.constant 0 : i32
      %dma_start3A_317 = tpu.memref_slice %arg6[%scan3A_256, %dma_start3A_310, %dma_start3A_311, %dma_start3A_316] : memref<3x2x2x128xi32, #tpu.memory_space<vmem>> -> memref<1x1x1x128xi32, #tpu.memory_space<vmem>>
      %dma_start3A_318 = tpu.memref_squeeze %dma_start3A_317 : memref<1x1x1x128xi32, #tpu.memory_space<vmem>> -> memref<128xi32, #tpu.memory_space<vmem>>
      %dma_start3A_319 = arith.constant 0 : i32
      %dma_start3A_320 = arith.constant 0 : i32
      %dma_start3A_321 = tpu.memref_slice %arg5[%dma_start3A_319, %dma_start3A_320] : memref<50048x32xf32, #tpu.memory_space<vmem_shared>> -> memref<50048x32xf32, #tpu.memory_space<vmem_shared>>
      tpu.enqueue_indirect_dma source(%dma_start3A_315 : memref<128x32xf32, #tpu.memory_space<vmem>>) target(%dma_start3A_321 : memref<50048x32xf32, #tpu.memory_space<vmem_shared>>) offsets(%dma_start3A_318 : memref<128xi32, #tpu.memory_space<vmem>>) semaphore(%arg9 : memref<!tpu.dma_semaphore, #tpu.memory_space<semaphore_mem>>) {add = true}
      %eq3A = arith.constant 2 : i32
      %eq3A_322 = arith.cmpi eq, %scan3A_257, %eq3A : i32
      %add3A_323 = arith.constant 1 : i32
      %add3A_324 = arith.addi %scan3A_257, %add3A_323 : i32
      %jit3A = arith.constant 0 : i32
      %select_n3A = arith.select %eq3A_322, %jit3A, %add3A_324 : i32
      scf.yield %scan3A_257, %select_n3A : i32, i32
    }
    %scan3A_57 = arith.constant 198 : i32
    %dma_wait3A_58 = arith.constant 2 : i32
    %dma_wait3A_59 = arith.constant 0 : i32
    %dma_wait3A_60 = arith.constant 2 : i32
    %dma_wait3A_61 = arith.constant 1 : i32
    %dma_wait3A_62 = arith.constant 0 : i32
    %dma_wait3A_63 = arith.constant 0 : i32
    %dma_wait3A_64 = arith.constant 0 : i32
    %dma_wait3A_65 = tpu.memref_slice %arg7[%dma_wait3A_58, %dma_wait3A_59, %dma_wait3A_63, %dma_wait3A_64] : memref<3x2x128x32xf32, #tpu.memory_space<vmem>> -> memref<1x1x128x32xf32, #tpu.memory_space<vmem>>
    %dma_wait3A_66 = tpu.memref_squeeze %dma_wait3A_65 : memref<1x1x128x32xf32, #tpu.memory_space<vmem>> -> memref<128x32xf32, #tpu.memory_space<vmem>>
    %dma_wait3A_67 = arith.constant 0 : i32
    %dma_wait3A_68 = tpu.memref_slice %arg6[%dma_wait3A_60, %dma_wait3A_61, %dma_wait3A_62, %dma_wait3A_67] : memref<3x2x2x128xi32, #tpu.memory_space<vmem>> -> memref<1x1x1x128xi32, #tpu.memory_space<vmem>>
    %dma_wait3A_69 = tpu.memref_squeeze %dma_wait3A_68 : memref<1x1x1x128xi32, #tpu.memory_space<vmem>> -> memref<128xi32, #tpu.memory_space<vmem>>
    %dma_wait3A_70 = arith.constant 0 : i32
    %dma_wait3A_71 = arith.constant 0 : i32
    %dma_wait3A_72 = tpu.memref_slice %arg5[%dma_wait3A_70, %dma_wait3A_71] : memref<50048x32xf32, #tpu.memory_space<vmem_shared>> -> memref<50048x32xf32, #tpu.memory_space<vmem_shared>>
    tpu.wait_indirect_dma semaphore(%arg9 : memref<!tpu.dma_semaphore, #tpu.memory_space<semaphore_mem>>) src(%dma_wait3A_66 : memref<128x32xf32, #tpu.memory_space<vmem>>) dst(%dma_wait3A_72 : memref<50048x32xf32, #tpu.memory_space<vmem_shared>>)
    %dma_wait3A_73 = arith.constant 2 : i32
    %dma_wait3A_74 = arith.constant 1 : i32
    %dma_wait3A_75 = arith.constant 2 : i32
    %dma_wait3A_76 = arith.constant 1 : i32
    %dma_wait3A_77 = arith.constant 1 : i32
    %dma_wait3A_78 = arith.constant 0 : i32
    %dma_wait3A_79 = arith.constant 0 : i32
    %dma_wait3A_80 = tpu.memref_slice %arg7[%dma_wait3A_73, %dma_wait3A_74, %dma_wait3A_78, %dma_wait3A_79] : memref<3x2x128x32xf32, #tpu.memory_space<vmem>> -> memref<1x1x128x32xf32, #tpu.memory_space<vmem>>
    %dma_wait3A_81 = tpu.memref_squeeze %dma_wait3A_80 : memref<1x1x128x32xf32, #tpu.memory_space<vmem>> -> memref<128x32xf32, #tpu.memory_space<vmem>>
    %dma_wait3A_82 = arith.constant 0 : i32
    %dma_wait3A_83 = tpu.memref_slice %arg6[%dma_wait3A_75, %dma_wait3A_76, %dma_wait3A_77, %dma_wait3A_82] : memref<3x2x2x128xi32, #tpu.memory_space<vmem>> -> memref<1x1x1x128xi32, #tpu.memory_space<vmem>>
    %dma_wait3A_84 = tpu.memref_squeeze %dma_wait3A_83 : memref<1x1x1x128xi32, #tpu.memory_space<vmem>> -> memref<128xi32, #tpu.memory_space<vmem>>
    %dma_wait3A_85 = arith.constant 0 : i32
    %dma_wait3A_86 = arith.constant 0 : i32
    %dma_wait3A_87 = tpu.memref_slice %arg5[%dma_wait3A_85, %dma_wait3A_86] : memref<50048x32xf32, #tpu.memory_space<vmem_shared>> -> memref<50048x32xf32, #tpu.memory_space<vmem_shared>>
    tpu.wait_indirect_dma semaphore(%arg9 : memref<!tpu.dma_semaphore, #tpu.memory_space<semaphore_mem>>) src(%dma_wait3A_81 : memref<128x32xf32, #tpu.memory_space<vmem>>) dst(%dma_wait3A_87 : memref<50048x32xf32, #tpu.memory_space<vmem_shared>>)
    %dma_wait3A_88 = arith.constant 1 : i32
    %dma_wait3A_89 = arith.constant 0 : i32
    %dma_wait3A_90 = arith.constant 1 : i32
    %dma_wait3A_91 = arith.constant 1 : i32
    %dma_wait3A_92 = arith.constant 0 : i32
    %dma_wait3A_93 = arith.constant 0 : i32
    %dma_wait3A_94 = arith.constant 0 : i32
    %dma_wait3A_95 = tpu.memref_slice %arg7[%dma_wait3A_88, %dma_wait3A_89, %dma_wait3A_93, %dma_wait3A_94] : memref<3x2x128x32xf32, #tpu.memory_space<vmem>> -> memref<1x1x128x32xf32, #tpu.memory_space<vmem>>
    %dma_wait3A_96 = tpu.memref_squeeze %dma_wait3A_95 : memref<1x1x128x32xf32, #tpu.memory_space<vmem>> -> memref<128x32xf32, #tpu.memory_space<vmem>>
    %dma_wait3A_97 = arith.constant 0 : i32
    %dma_wait3A_98 = tpu.memref_slice %arg6[%dma_wait3A_90, %dma_wait3A_91, %dma_wait3A_92, %dma_wait3A_97] : memref<3x2x2x128xi32, #tpu.memory_space<vmem>> -> memref<1x1x1x128xi32, #tpu.memory_space<vmem>>
    %dma_wait3A_99 = tpu.memref_squeeze %dma_wait3A_98 : memref<1x1x1x128xi32, #tpu.memory_space<vmem>> -> memref<128xi32, #tpu.memory_space<vmem>>
    %dma_wait3A_100 = arith.constant 0 : i32
    %dma_wait3A_101 = arith.constant 0 : i32
    %dma_wait3A_102 = tpu.memref_slice %arg5[%dma_wait3A_100, %dma_wait3A_101] : memref<50048x32xf32, #tpu.memory_space<vmem_shared>> -> memref<50048x32xf32, #tpu.memory_space<vmem_shared>>
    tpu.wait_indirect_dma semaphore(%arg9 : memref<!tpu.dma_semaphore, #tpu.memory_space<semaphore_mem>>) src(%dma_wait3A_96 : memref<128x32xf32, #tpu.memory_space<vmem>>) dst(%dma_wait3A_102 : memref<50048x32xf32, #tpu.memory_space<vmem_shared>>)
    %dma_wait3A_103 = arith.constant 1 : i32
    %dma_wait3A_104 = arith.constant 1 : i32
    %dma_wait3A_105 = arith.constant 1 : i32
    %dma_wait3A_106 = arith.constant 1 : i32
    %dma_wait3A_107 = arith.constant 1 : i32
    %dma_wait3A_108 = arith.constant 0 : i32
    %dma_wait3A_109 = arith.constant 0 : i32
    %dma_wait3A_110 = tpu.memref_slice %arg7[%dma_wait3A_103, %dma_wait3A_104, %dma_wait3A_108, %dma_wait3A_109] : memref<3x2x128x32xf32, #tpu.memory_space<vmem>> -> memref<1x1x128x32xf32, #tpu.memory_space<vmem>>
    %dma_wait3A_111 = tpu.memref_squeeze %dma_wait3A_110 : memref<1x1x128x32xf32, #tpu.memory_space<vmem>> -> memref<128x32xf32, #tpu.memory_space<vmem>>
    %dma_wait3A_112 = arith.constant 0 : i32
    %dma_wait3A_113 = tpu.memref_slice %arg6[%dma_wait3A_105, %dma_wait3A_106, %dma_wait3A_107, %dma_wait3A_112] : memref<3x2x2x128xi32, #tpu.memory_space<vmem>> -> memref<1x1x1x128xi32, #tpu.memory_space<vmem>>
    %dma_wait3A_114 = tpu.memref_squeeze %dma_wait3A_113 : memref<1x1x1x128xi32, #tpu.memory_space<vmem>> -> memref<128xi32, #tpu.memory_space<vmem>>
    %dma_wait3A_115 = arith.constant 0 : i32
    %dma_wait3A_116 = arith.constant 0 : i32
    %dma_wait3A_117 = tpu.memref_slice %arg5[%dma_wait3A_115, %dma_wait3A_116] : memref<50048x32xf32, #tpu.memory_space<vmem_shared>> -> memref<50048x32xf32, #tpu.memory_space<vmem_shared>>
    tpu.wait_indirect_dma semaphore(%arg9 : memref<!tpu.dma_semaphore, #tpu.memory_space<semaphore_mem>>) src(%dma_wait3A_111 : memref<128x32xf32, #tpu.memory_space<vmem>>) dst(%dma_wait3A_117 : memref<50048x32xf32, #tpu.memory_space<vmem_shared>>)
    %barrier3A_118 = arith.constant 0 : index
    tpu.barrier barrier_id(%barrier3A_118)
    %mul3A_119 = arith.constant 3128 : i32
    %mul3A_120 = arith.muli %arg1, %mul3A_119 : i32
    %mul3A_121 = arith.constant 3128 : i32
    %mul3A_122 = arith.muli %arg1, %mul3A_121 : i32
    %add3A_123 = arith.addi %mul3A_3, %mul3A_122 : i32
    "tpu.region"() ({
      %run_scoped3A_255 = tpu.sem_alloc : memref<!tpu.dma_semaphore, #tpu.memory_space<semaphore_mem>>
      %dma_start3A_256 = arith.constant 0 : i32
      %dma_start3A_257 = tpu.memref_slice %arg4[%add3A_123, %dma_start3A_256] : memref<200192x32xf32, #tpu.memory_space<hbm>> -> memref<3128x32xf32, #tpu.memory_space<hbm>>
      %dma_start3A_258 = arith.constant 0 : i32
      %dma_start3A_259 = tpu.memref_slice %arg5[%mul3A_120, %dma_start3A_258] : memref<50048x32xf32, #tpu.memory_space<vmem_shared>> -> memref<3128x32xf32, #tpu.memory_space<vmem_shared>>
      tpu.enqueue_dma source(%dma_start3A_259 : memref<3128x32xf32, #tpu.memory_space<vmem_shared>>) target(%dma_start3A_257 : memref<3128x32xf32, #tpu.memory_space<hbm>>) target_semaphore(%run_scoped3A_255 : memref<!tpu.dma_semaphore, #tpu.memory_space<semaphore_mem>>)
      %dma_wait3A_260 = arith.constant 0 : i32
      %dma_wait3A_261 = tpu.memref_slice %arg4[%add3A_123, %dma_wait3A_260] : memref<200192x32xf32, #tpu.memory_space<hbm>> -> memref<3128x32xf32, #tpu.memory_space<hbm>>
      %dma_wait3A_262 = arith.constant 0 : i32
      %dma_wait3A_263 = tpu.memref_slice %arg5[%mul3A_120, %dma_wait3A_262] : memref<50048x32xf32, #tpu.memory_space<vmem_shared>> -> memref<3128x32xf32, #tpu.memory_space<vmem_shared>>
      tpu.wait_dma2 semaphore(%run_scoped3A_255 : memref<!tpu.dma_semaphore, #tpu.memory_space<semaphore_mem>>) src(%dma_wait3A_263 : memref<3128x32xf32, #tpu.memory_space<vmem_shared>>) dst(%dma_wait3A_261 : memref<3128x32xf32, #tpu.memory_space<hbm>>)
      tpu.yield
    }) : () -> ()
    %barrier3A_124 = arith.constant 0 : index
    tpu.barrier barrier_id(%barrier3A_124)
    %add3A_125 = arith.constant 2 : i32
    %add3A_126 = arith.addi %arg0, %add3A_125 : i32
    %mul3A_127 = arith.constant 50048 : i32
    %mul3A_128 = arith.muli %add3A_126, %mul3A_127 : i32
    %mul3A_129 = arith.constant 3128 : i32
    %mul3A_130 = arith.muli %arg1, %mul3A_129 : i32
    %add3A_131 = arith.addi %mul3A_128, %mul3A_130 : i32
    %mul3A_132 = arith.constant 3128 : i32
    %mul3A_133 = arith.muli %arg1, %mul3A_132 : i32
    %dma_start3A_134 = arith.constant 0 : i32
    %dma_start3A_135 = tpu.memref_slice %arg5[%mul3A_133, %dma_start3A_134] : memref<50048x32xf32, #tpu.memory_space<vmem_shared>> -> memref<3128x32xf32, #tpu.memory_space<vmem_shared>>
    %dma_start3A_136 = arith.constant 0 : i32
    %dma_start3A_137 = tpu.memref_slice %arg2[%add3A_131, %dma_start3A_136] : memref<200192x32xf32, #tpu.memory_space<hbm>> -> memref<3128x32xf32, #tpu.memory_space<hbm>>
    tpu.enqueue_dma source(%dma_start3A_137 : memref<3128x32xf32, #tpu.memory_space<hbm>>) target(%dma_start3A_135 : memref<3128x32xf32, #tpu.memory_space<vmem_shared>>) target_semaphore(%arg8 : memref<!tpu.dma_semaphore, #tpu.memory_space<semaphore_mem>>)
    %add3A_138 = arith.constant 0 : i32
    %add3A_139 = arith.addi %mul3A_0, %add3A_138 : i32
    %run_scoped3A_140 = arith.constant 0 : i32
    "tpu.region"() ({
      %run_scoped3A_255 = tpu.sem_alloc : memref<!tpu.dma_semaphore, #tpu.memory_space<semaphore_mem>>
      %dma_start3A_256 = arith.constant 0 : i32
      %dma_start3A_257 = arith.constant 0 : i32
      %dma_start3A_258 = arith.constant 0 : i32
      %dma_start3A_259 = tpu.memref_slice %arg6[%run_scoped3A_140, %dma_start3A_256, %dma_start3A_257, %dma_start3A_258] : memref<3x2x2x128xi32, #tpu.memory_space<vmem>> -> memref<1x2x2x128xi32, #tpu.memory_space<vmem>>
      %dma_start3A_260 = tpu.memref_squeeze %dma_start3A_259 : memref<1x2x2x128xi32, #tpu.memory_space<vmem>> -> memref<2x2x128xi32, #tpu.memory_space<vmem>>
      %dma_start3A_261 = arith.constant 0 : i32
      %dma_start3A_262 = arith.constant 0 : i32
      %dma_start3A_263 = tpu.memref_slice %arg3[%dma_start3A_261, %add3A_139, %dma_start3A_262] : memref<2x6336x128xi32, #tpu.memory_space<hbm>> -> memref<2x2x128xi32, #tpu.memory_space<hbm>>
      %dma_start3A_264 = arith.constant 0 : i32
      %dma_start3A_265 = arith.constant 0 : i32
      %dma_start3A_266 = arith.constant 0 : i32
      %dma_start3A_267 = tpu.memref_slice %arg6[%run_scoped3A_140, %dma_start3A_264, %dma_start3A_265, %dma_start3A_266] : memref<3x2x2x128xi32, #tpu.memory_space<vmem>> -> memref<1x2x2x128xi32, #tpu.memory_space<vmem>>
      %dma_start3A_268 = tpu.memref_squeeze %dma_start3A_267 : memref<1x2x2x128xi32, #tpu.memory_space<vmem>> -> memref<2x2x128xi32, #tpu.memory_space<vmem>>
      %dma_start3A_269 = arith.constant 0 : i32
      %dma_start3A_270 = arith.constant 0 : i32
      %dma_start3A_271 = tpu.memref_slice %arg3[%dma_start3A_269, %add3A_139, %dma_start3A_270] : memref<2x6336x128xi32, #tpu.memory_space<hbm>> -> memref<2x2x128xi32, #tpu.memory_space<hbm>>
      tpu.enqueue_dma source(%dma_start3A_271 : memref<2x2x128xi32, #tpu.memory_space<hbm>>) target(%dma_start3A_268 : memref<2x2x128xi32, #tpu.memory_space<vmem>>) target_semaphore(%run_scoped3A_255 : memref<!tpu.dma_semaphore, #tpu.memory_space<semaphore_mem>>)
      %dma_wait3A_272 = arith.constant 0 : i32
      %dma_wait3A_273 = arith.constant 0 : i32
      %dma_wait3A_274 = arith.constant 0 : i32
      %dma_wait3A_275 = tpu.memref_slice %arg6[%run_scoped3A_140, %dma_wait3A_272, %dma_wait3A_273, %dma_wait3A_274] : memref<3x2x2x128xi32, #tpu.memory_space<vmem>> -> memref<1x2x2x128xi32, #tpu.memory_space<vmem>>
      %dma_wait3A_276 = tpu.memref_squeeze %dma_wait3A_275 : memref<1x2x2x128xi32, #tpu.memory_space<vmem>> -> memref<2x2x128xi32, #tpu.memory_space<vmem>>
      %dma_wait3A_277 = arith.constant 0 : i32
      %dma_wait3A_278 = arith.constant 0 : i32
      %dma_wait3A_279 = tpu.memref_slice %arg3[%dma_wait3A_277, %add3A_139, %dma_wait3A_278] : memref<2x6336x128xi32, #tpu.memory_space<hbm>> -> memref<2x2x128xi32, #tpu.memory_space<hbm>>
      %dma_wait3A_280 = arith.constant 0 : i32
      %dma_wait3A_281 = arith.constant 0 : i32
      %dma_wait3A_282 = arith.constant 0 : i32
      %dma_wait3A_283 = tpu.memref_slice %arg6[%run_scoped3A_140, %dma_wait3A_280, %dma_wait3A_281, %dma_wait3A_282] : memref<3x2x2x128xi32, #tpu.memory_space<vmem>> -> memref<1x2x2x128xi32, #tpu.memory_space<vmem>>
      %dma_wait3A_284 = tpu.memref_squeeze %dma_wait3A_283 : memref<1x2x2x128xi32, #tpu.memory_space<vmem>> -> memref<2x2x128xi32, #tpu.memory_space<vmem>>
      %dma_wait3A_285 = arith.constant 0 : i32
      %dma_wait3A_286 = arith.constant 0 : i32
      %dma_wait3A_287 = tpu.memref_slice %arg3[%dma_wait3A_285, %add3A_139, %dma_wait3A_286] : memref<2x6336x128xi32, #tpu.memory_space<hbm>> -> memref<2x2x128xi32, #tpu.memory_space<hbm>>
      tpu.wait_dma2 semaphore(%run_scoped3A_255 : memref<!tpu.dma_semaphore, #tpu.memory_space<semaphore_mem>>) src(%dma_wait3A_287 : memref<2x2x128xi32, #tpu.memory_space<hbm>>) dst(%dma_wait3A_284 : memref<2x2x128xi32, #tpu.memory_space<vmem>>)
      tpu.yield
    }) : () -> ()
    %dma_start3A_141 = arith.constant 0 : i32
    %dma_start3A_142 = arith.constant 0 : i32
    %dma_start3A_143 = arith.constant 0 : i32
    %dma_start3A_144 = arith.constant 0 : i32
    %dma_start3A_145 = arith.constant 0 : i32
    %dma_start3A_146 = arith.constant 0 : i32
    %dma_start3A_147 = arith.constant 0 : i32
    %dma_start3A_148 = tpu.memref_slice %arg7[%dma_start3A_144, %dma_start3A_145, %dma_start3A_146, %dma_start3A_147] : memref<3x2x128x32xf32, #tpu.memory_space<vmem>> -> memref<1x1x128x32xf32, #tpu.memory_space<vmem>>
    %dma_start3A_149 = tpu.memref_squeeze %dma_start3A_148 : memref<1x1x128x32xf32, #tpu.memory_space<vmem>> -> memref<128x32xf32, #tpu.memory_space<vmem>>
    %dma_start3A_150 = arith.constant 0 : i32
    %dma_start3A_151 = tpu.memref_slice %arg6[%dma_start3A_141, %dma_start3A_142, %dma_start3A_143, %dma_start3A_150] : memref<3x2x2x128xi32, #tpu.memory_space<vmem>> -> memref<1x1x1x128xi32, #tpu.memory_space<vmem>>
    %dma_start3A_152 = tpu.memref_squeeze %dma_start3A_151 : memref<1x1x1x128xi32, #tpu.memory_space<vmem>> -> memref<128xi32, #tpu.memory_space<vmem>>
    %dma_start3A_153 = arith.constant 0 : i32
    %dma_start3A_154 = tpu.memref_slice %arg2[%mul3A_128, %dma_start3A_153] : memref<200192x32xf32, #tpu.memory_space<hbm>> -> memref<50048x32xf32, #tpu.memory_space<hbm>>
    %dma_start3A_155 = arith.constant 0 : i32
    %dma_start3A_156 = arith.constant 0 : i32
    %dma_start3A_157 = tpu.memref_slice %dma_start3A_154[%dma_start3A_155, %dma_start3A_156] : memref<50048x32xf32, #tpu.memory_space<hbm>> -> memref<50048x32xf32, #tpu.memory_space<hbm>>
    tpu.enqueue_indirect_dma source(%dma_start3A_157 : memref<50048x32xf32, #tpu.memory_space<hbm>>) target(%dma_start3A_149 : memref<128x32xf32, #tpu.memory_space<vmem>>) offsets(%dma_start3A_152 : memref<128xi32, #tpu.memory_space<vmem>>) semaphore(%arg8 : memref<!tpu.dma_semaphore, #tpu.memory_space<semaphore_mem>>)
    %dma_start3A_158 = arith.constant 0 : i32
    %dma_start3A_159 = arith.constant 0 : i32
    %dma_start3A_160 = arith.constant 1 : i32
    %dma_start3A_161 = arith.constant 0 : i32
    %dma_start3A_162 = arith.constant 1 : i32
    %dma_start3A_163 = arith.constant 0 : i32
    %dma_start3A_164 = arith.constant 0 : i32
    %dma_start3A_165 = tpu.memref_slice %arg7[%dma_start3A_161, %dma_start3A_162, %dma_start3A_163, %dma_start3A_164] : memref<3x2x128x32xf32, #tpu.memory_space<vmem>> -> memref<1x1x128x32xf32, #tpu.memory_space<vmem>>
    %dma_start3A_166 = tpu.memref_squeeze %dma_start3A_165 : memref<1x1x128x32xf32, #tpu.memory_space<vmem>> -> memref<128x32xf32, #tpu.memory_space<vmem>>
    %dma_start3A_167 = arith.constant 0 : i32
    %dma_start3A_168 = tpu.memref_slice %arg6[%dma_start3A_158, %dma_start3A_159, %dma_start3A_160, %dma_start3A_167] : memref<3x2x2x128xi32, #tpu.memory_space<vmem>> -> memref<1x1x1x128xi32, #tpu.memory_space<vmem>>
    %dma_start3A_169 = tpu.memref_squeeze %dma_start3A_168 : memref<1x1x1x128xi32, #tpu.memory_space<vmem>> -> memref<128xi32, #tpu.memory_space<vmem>>
    %dma_start3A_170 = arith.constant 0 : i32
    %dma_start3A_171 = tpu.memref_slice %arg2[%mul3A_128, %dma_start3A_170] : memref<200192x32xf32, #tpu.memory_space<hbm>> -> memref<50048x32xf32, #tpu.memory_space<hbm>>
    %dma_start3A_172 = arith.constant 0 : i32
    %dma_start3A_173 = arith.constant 0 : i32
    %dma_start3A_174 = tpu.memref_slice %dma_start3A_171[%dma_start3A_172, %dma_start3A_173] : memref<50048x32xf32, #tpu.memory_space<hbm>> -> memref<50048x32xf32, #tpu.memory_space<hbm>>
    tpu.enqueue_indirect_dma source(%dma_start3A_174 : memref<50048x32xf32, #tpu.memory_space<hbm>>) target(%dma_start3A_166 : memref<128x32xf32, #tpu.memory_space<vmem>>) offsets(%dma_start3A_169 : memref<128xi32, #tpu.memory_space<vmem>>) semaphore(%arg8 : memref<!tpu.dma_semaphore, #tpu.memory_space<semaphore_mem>>)
    %dma_wait3A_175 = arith.constant 0 : i32
    %dma_wait3A_176 = tpu.memref_slice %arg5[%mul3A_133, %dma_wait3A_175] : memref<50048x32xf32, #tpu.memory_space<vmem_shared>> -> memref<3128x32xf32, #tpu.memory_space<vmem_shared>>
    %dma_wait3A_177 = arith.constant 0 : i32
    %dma_wait3A_178 = tpu.memref_slice %arg2[%add3A_131, %dma_wait3A_177] : memref<200192x32xf32, #tpu.memory_space<hbm>> -> memref<3128x32xf32, #tpu.memory_space<hbm>>
    tpu.wait_dma2 semaphore(%arg8 : memref<!tpu.dma_semaphore, #tpu.memory_space<semaphore_mem>>) src(%dma_wait3A_178 : memref<3128x32xf32, #tpu.memory_space<hbm>>) dst(%dma_wait3A_176 : memref<3128x32xf32, #tpu.memory_space<vmem_shared>>)
    %barrier3A_179 = arith.constant 0 : index
    tpu.barrier barrier_id(%barrier3A_179)
    %scan3A_180 = arith.constant 0 : i32
    %scan3A_181 = arith.constant 1 : i32
    %scan3A_182 = arith.constant 0 : i32
    %scan3A_183 = arith.constant 198 : i32
    %scan3A_184 = arith.addi %scan3A_182, %scan3A_183 : i32
    %scan3A_185 = arith.constant 1 : i32
    %scan3A_186:2 = scf.for %scan3A_255 = %scan3A_182 to %scan3A_184 step %scan3A_185 iter_args(%scan3A_256 = %scan3A_180, %scan3A_257 = %scan3A_181) -> (i32, i32)  : i32 {
      %ge3A = arith.constant 2 : i32
      %ge3A_258 = arith.cmpi sge, %scan3A_255, %ge3A : i32
      %convert_element_type3A = arith.extui %ge3A_258 : i1 to i32
      %cond3A = arith.constant 0 : i32
      %cond3A_259 = arith.cmpi ne, %convert_element_type3A, %cond3A : i32
      scf.if %cond3A_259 {
        %dma_wait3A_325 = arith.constant 0 : i32
        %dma_wait3A_326 = arith.constant 1 : i32
        %dma_wait3A_327 = arith.constant 0 : i32
        %dma_wait3A_328 = arith.constant 0 : i32
        %dma_wait3A_329 = arith.constant 0 : i32
        %dma_wait3A_330 = tpu.memref_slice %arg7[%scan3A_257, %dma_wait3A_325, %dma_wait3A_328, %dma_wait3A_329] : memref<3x2x128x32xf32, #tpu.memory_space<vmem>> -> memref<1x1x128x32xf32, #tpu.memory_space<vmem>>
        %dma_wait3A_331 = tpu.memref_squeeze %dma_wait3A_330 : memref<1x1x128x32xf32, #tpu.memory_space<vmem>> -> memref<128x32xf32, #tpu.memory_space<vmem>>
        %dma_wait3A_332 = arith.constant 0 : i32
        %dma_wait3A_333 = tpu.memref_slice %arg6[%scan3A_257, %dma_wait3A_326, %dma_wait3A_327, %dma_wait3A_332] : memref<3x2x2x128xi32, #tpu.memory_space<vmem>> -> memref<1x1x1x128xi32, #tpu.memory_space<vmem>>
        %dma_wait3A_334 = tpu.memref_squeeze %dma_wait3A_333 : memref<1x1x1x128xi32, #tpu.memory_space<vmem>> -> memref<128xi32, #tpu.memory_space<vmem>>
        %dma_wait3A_335 = arith.constant 0 : i32
        %dma_wait3A_336 = arith.constant 0 : i32
        %dma_wait3A_337 = tpu.memref_slice %arg5[%dma_wait3A_335, %dma_wait3A_336] : memref<50048x32xf32, #tpu.memory_space<vmem_shared>> -> memref<50048x32xf32, #tpu.memory_space<vmem_shared>>
        tpu.wait_indirect_dma semaphore(%arg9 : memref<!tpu.dma_semaphore, #tpu.memory_space<semaphore_mem>>) src(%dma_wait3A_331 : memref<128x32xf32, #tpu.memory_space<vmem>>) dst(%dma_wait3A_337 : memref<50048x32xf32, #tpu.memory_space<vmem_shared>>)
        %dma_wait3A_338 = arith.constant 1 : i32
        %dma_wait3A_339 = arith.constant 1 : i32
        %dma_wait3A_340 = arith.constant 1 : i32
        %dma_wait3A_341 = arith.constant 0 : i32
        %dma_wait3A_342 = arith.constant 0 : i32
        %dma_wait3A_343 = tpu.memref_slice %arg7[%scan3A_257, %dma_wait3A_338, %dma_wait3A_341, %dma_wait3A_342] : memref<3x2x128x32xf32, #tpu.memory_space<vmem>> -> memref<1x1x128x32xf32, #tpu.memory_space<vmem>>
        %dma_wait3A_344 = tpu.memref_squeeze %dma_wait3A_343 : memref<1x1x128x32xf32, #tpu.memory_space<vmem>> -> memref<128x32xf32, #tpu.memory_space<vmem>>
        %dma_wait3A_345 = arith.constant 0 : i32
        %dma_wait3A_346 = tpu.memref_slice %arg6[%scan3A_257, %dma_wait3A_339, %dma_wait3A_340, %dma_wait3A_345] : memref<3x2x2x128xi32, #tpu.memory_space<vmem>> -> memref<1x1x1x128xi32, #tpu.memory_space<vmem>>
        %dma_wait3A_347 = tpu.memref_squeeze %dma_wait3A_346 : memref<1x1x1x128xi32, #tpu.memory_space<vmem>> -> memref<128xi32, #tpu.memory_space<vmem>>
        %dma_wait3A_348 = arith.constant 0 : i32
        %dma_wait3A_349 = arith.constant 0 : i32
        %dma_wait3A_350 = tpu.memref_slice %arg5[%dma_wait3A_348, %dma_wait3A_349] : memref<50048x32xf32, #tpu.memory_space<vmem_shared>> -> memref<50048x32xf32, #tpu.memory_space<vmem_shared>>
        tpu.wait_indirect_dma semaphore(%arg9 : memref<!tpu.dma_semaphore, #tpu.memory_space<semaphore_mem>>) src(%dma_wait3A_344 : memref<128x32xf32, #tpu.memory_space<vmem>>) dst(%dma_wait3A_350 : memref<50048x32xf32, #tpu.memory_space<vmem_shared>>)
      } else {
      }
      %add3A_260 = arith.constant 1 : i32
      %add3A_261 = arith.addi %scan3A_255, %add3A_260 : i32
      %lt3A = arith.constant 198 : i32
      %lt3A_262 = arith.cmpi slt, %add3A_261, %lt3A : i32
      %convert_element_type3A_263 = arith.extui %lt3A_262 : i1 to i32
      %cond3A_264 = arith.constant 0 : i32
      %cond3A_265 = arith.cmpi ne, %convert_element_type3A_263, %cond3A_264 : i32
      scf.if %cond3A_265 {
        %add3A_325 = arith.constant 1 : i32
        %add3A_326 = arith.addi %scan3A_255, %add3A_325 : i32
        %mul3A_327 = arith.constant 2 : i32
        %mul3A_328 = arith.muli %add3A_326, %mul3A_327 : i32
        %add3A_329 = arith.addi %mul3A_0, %mul3A_328 : i32
        "tpu.region"() ({
          %run_scoped3A_360 = tpu.sem_alloc : memref<!tpu.dma_semaphore, #tpu.memory_space<semaphore_mem>>
          %dma_start3A_361 = arith.constant 0 : i32
          %dma_start3A_362 = arith.constant 0 : i32
          %dma_start3A_363 = arith.constant 0 : i32
          %dma_start3A_364 = tpu.memref_slice %arg6[%scan3A_257, %dma_start3A_361, %dma_start3A_362, %dma_start3A_363] : memref<3x2x2x128xi32, #tpu.memory_space<vmem>> -> memref<1x2x2x128xi32, #tpu.memory_space<vmem>>
          %dma_start3A_365 = tpu.memref_squeeze %dma_start3A_364 : memref<1x2x2x128xi32, #tpu.memory_space<vmem>> -> memref<2x2x128xi32, #tpu.memory_space<vmem>>
          %dma_start3A_366 = arith.constant 0 : i32
          %dma_start3A_367 = arith.constant 0 : i32
          %dma_start3A_368 = tpu.memref_slice %arg3[%dma_start3A_366, %add3A_329, %dma_start3A_367] : memref<2x6336x128xi32, #tpu.memory_space<hbm>> -> memref<2x2x128xi32, #tpu.memory_space<hbm>>
          %dma_start3A_369 = arith.constant 0 : i32
          %dma_start3A_370 = arith.constant 0 : i32
          %dma_start3A_371 = arith.constant 0 : i32
          %dma_start3A_372 = tpu.memref_slice %arg6[%scan3A_257, %dma_start3A_369, %dma_start3A_370, %dma_start3A_371] : memref<3x2x2x128xi32, #tpu.memory_space<vmem>> -> memref<1x2x2x128xi32, #tpu.memory_space<vmem>>
          %dma_start3A_373 = tpu.memref_squeeze %dma_start3A_372 : memref<1x2x2x128xi32, #tpu.memory_space<vmem>> -> memref<2x2x128xi32, #tpu.memory_space<vmem>>
          %dma_start3A_374 = arith.constant 0 : i32
          %dma_start3A_375 = arith.constant 0 : i32
          %dma_start3A_376 = tpu.memref_slice %arg3[%dma_start3A_374, %add3A_329, %dma_start3A_375] : memref<2x6336x128xi32, #tpu.memory_space<hbm>> -> memref<2x2x128xi32, #tpu.memory_space<hbm>>
          tpu.enqueue_dma source(%dma_start3A_376 : memref<2x2x128xi32, #tpu.memory_space<hbm>>) target(%dma_start3A_373 : memref<2x2x128xi32, #tpu.memory_space<vmem>>) target_semaphore(%run_scoped3A_360 : memref<!tpu.dma_semaphore, #tpu.memory_space<semaphore_mem>>)
          %dma_wait3A_377 = arith.constant 0 : i32
          %dma_wait3A_378 = arith.constant 0 : i32
          %dma_wait3A_379 = arith.constant 0 : i32
          %dma_wait3A_380 = tpu.memref_slice %arg6[%scan3A_257, %dma_wait3A_377, %dma_wait3A_378, %dma_wait3A_379] : memref<3x2x2x128xi32, #tpu.memory_space<vmem>> -> memref<1x2x2x128xi32, #tpu.memory_space<vmem>>
          %dma_wait3A_381 = tpu.memref_squeeze %dma_wait3A_380 : memref<1x2x2x128xi32, #tpu.memory_space<vmem>> -> memref<2x2x128xi32, #tpu.memory_space<vmem>>
          %dma_wait3A_382 = arith.constant 0 : i32
          %dma_wait3A_383 = arith.constant 0 : i32
          %dma_wait3A_384 = tpu.memref_slice %arg3[%dma_wait3A_382, %add3A_329, %dma_wait3A_383] : memref<2x6336x128xi32, #tpu.memory_space<hbm>> -> memref<2x2x128xi32, #tpu.memory_space<hbm>>
          %dma_wait3A_385 = arith.constant 0 : i32
          %dma_wait3A_386 = arith.constant 0 : i32
          %dma_wait3A_387 = arith.constant 0 : i32
          %dma_wait3A_388 = tpu.memref_slice %arg6[%scan3A_257, %dma_wait3A_385, %dma_wait3A_386, %dma_wait3A_387] : memref<3x2x2x128xi32, #tpu.memory_space<vmem>> -> memref<1x2x2x128xi32, #tpu.memory_space<vmem>>
          %dma_wait3A_389 = tpu.memref_squeeze %dma_wait3A_388 : memref<1x2x2x128xi32, #tpu.memory_space<vmem>> -> memref<2x2x128xi32, #tpu.memory_space<vmem>>
          %dma_wait3A_390 = arith.constant 0 : i32
          %dma_wait3A_391 = arith.constant 0 : i32
          %dma_wait3A_392 = tpu.memref_slice %arg3[%dma_wait3A_390, %add3A_329, %dma_wait3A_391] : memref<2x6336x128xi32, #tpu.memory_space<hbm>> -> memref<2x2x128xi32, #tpu.memory_space<hbm>>
          tpu.wait_dma2 semaphore(%run_scoped3A_360 : memref<!tpu.dma_semaphore, #tpu.memory_space<semaphore_mem>>) src(%dma_wait3A_392 : memref<2x2x128xi32, #tpu.memory_space<hbm>>) dst(%dma_wait3A_389 : memref<2x2x128xi32, #tpu.memory_space<vmem>>)
          tpu.yield
        }) : () -> ()
        %dma_start3A_330 = arith.constant 0 : i32
        %dma_start3A_331 = arith.constant 0 : i32
        %dma_start3A_332 = arith.constant 0 : i32
        %dma_start3A_333 = arith.constant 0 : i32
        %dma_start3A_334 = arith.constant 0 : i32
        %dma_start3A_335 = tpu.memref_slice %arg7[%scan3A_257, %dma_start3A_332, %dma_start3A_333, %dma_start3A_334] : memref<3x2x128x32xf32, #tpu.memory_space<vmem>> -> memref<1x1x128x32xf32, #tpu.memory_space<vmem>>
        %dma_start3A_336 = tpu.memref_squeeze %dma_start3A_335 : memref<1x1x128x32xf32, #tpu.memory_space<vmem>> -> memref<128x32xf32, #tpu.memory_space<vmem>>
        %dma_start3A_337 = arith.constant 0 : i32
        %dma_start3A_338 = tpu.memref_slice %arg6[%scan3A_257, %dma_start3A_330, %dma_start3A_331, %dma_start3A_337] : memref<3x2x2x128xi32, #tpu.memory_space<vmem>> -> memref<1x1x1x128xi32, #tpu.memory_space<vmem>>
        %dma_start3A_339 = tpu.memref_squeeze %dma_start3A_338 : memref<1x1x1x128xi32, #tpu.memory_space<vmem>> -> memref<128xi32, #tpu.memory_space<vmem>>
        %dma_start3A_340 = arith.constant 0 : i32
        %dma_start3A_341 = tpu.memref_slice %arg2[%mul3A_128, %dma_start3A_340] : memref<200192x32xf32, #tpu.memory_space<hbm>> -> memref<50048x32xf32, #tpu.memory_space<hbm>>
        %dma_start3A_342 = arith.constant 0 : i32
        %dma_start3A_343 = arith.constant 0 : i32
        %dma_start3A_344 = tpu.memref_slice %dma_start3A_341[%dma_start3A_342, %dma_start3A_343] : memref<50048x32xf32, #tpu.memory_space<hbm>> -> memref<50048x32xf32, #tpu.memory_space<hbm>>
        tpu.enqueue_indirect_dma source(%dma_start3A_344 : memref<50048x32xf32, #tpu.memory_space<hbm>>) target(%dma_start3A_336 : memref<128x32xf32, #tpu.memory_space<vmem>>) offsets(%dma_start3A_339 : memref<128xi32, #tpu.memory_space<vmem>>) semaphore(%arg8 : memref<!tpu.dma_semaphore, #tpu.memory_space<semaphore_mem>>)
        %dma_start3A_345 = arith.constant 0 : i32
        %dma_start3A_346 = arith.constant 1 : i32
        %dma_start3A_347 = arith.constant 1 : i32
        %dma_start3A_348 = arith.constant 0 : i32
        %dma_start3A_349 = arith.constant 0 : i32
        %dma_start3A_350 = tpu.memref_slice %arg7[%scan3A_257, %dma_start3A_347, %dma_start3A_348, %dma_start3A_349] : memref<3x2x128x32xf32, #tpu.memory_space<vmem>> -> memref<1x1x128x32xf32, #tpu.memory_space<vmem>>
        %dma_start3A_351 = tpu.memref_squeeze %dma_start3A_350 : memref<1x1x128x32xf32, #tpu.memory_space<vmem>> -> memref<128x32xf32, #tpu.memory_space<vmem>>
        %dma_start3A_352 = arith.constant 0 : i32
        %dma_start3A_353 = tpu.memref_slice %arg6[%scan3A_257, %dma_start3A_345, %dma_start3A_346, %dma_start3A_352] : memref<3x2x2x128xi32, #tpu.memory_space<vmem>> -> memref<1x1x1x128xi32, #tpu.memory_space<vmem>>
        %dma_start3A_354 = tpu.memref_squeeze %dma_start3A_353 : memref<1x1x1x128xi32, #tpu.memory_space<vmem>> -> memref<128xi32, #tpu.memory_space<vmem>>
        %dma_start3A_355 = arith.constant 0 : i32
        %dma_start3A_356 = tpu.memref_slice %arg2[%mul3A_128, %dma_start3A_355] : memref<200192x32xf32, #tpu.memory_space<hbm>> -> memref<50048x32xf32, #tpu.memory_space<hbm>>
        %dma_start3A_357 = arith.constant 0 : i32
        %dma_start3A_358 = arith.constant 0 : i32
        %dma_start3A_359 = tpu.memref_slice %dma_start3A_356[%dma_start3A_357, %dma_start3A_358] : memref<50048x32xf32, #tpu.memory_space<hbm>> -> memref<50048x32xf32, #tpu.memory_space<hbm>>
        tpu.enqueue_indirect_dma source(%dma_start3A_359 : memref<50048x32xf32, #tpu.memory_space<hbm>>) target(%dma_start3A_351 : memref<128x32xf32, #tpu.memory_space<vmem>>) offsets(%dma_start3A_354 : memref<128xi32, #tpu.memory_space<vmem>>) semaphore(%arg8 : memref<!tpu.dma_semaphore, #tpu.memory_space<semaphore_mem>>)
      } else {
      }
      %dma_wait3A_266 = arith.constant 0 : i32
      %dma_wait3A_267 = arith.constant 0 : i32
      %dma_wait3A_268 = arith.constant 0 : i32
      %dma_wait3A_269 = arith.constant 0 : i32
      %dma_wait3A_270 = arith.constant 0 : i32
      %dma_wait3A_271 = tpu.memref_slice %arg7[%scan3A_256, %dma_wait3A_268, %dma_wait3A_269, %dma_wait3A_270] : memref<3x2x128x32xf32, #tpu.memory_space<vmem>> -> memref<1x1x128x32xf32, #tpu.memory_space<vmem>>
      %dma_wait3A_272 = tpu.memref_squeeze %dma_wait3A_271 : memref<1x1x128x32xf32, #tpu.memory_space<vmem>> -> memref<128x32xf32, #tpu.memory_space<vmem>>
      %dma_wait3A_273 = arith.constant 0 : i32
      %dma_wait3A_274 = tpu.memref_slice %arg6[%scan3A_256, %dma_wait3A_266, %dma_wait3A_267, %dma_wait3A_273] : memref<3x2x2x128xi32, #tpu.memory_space<vmem>> -> memref<1x1x1x128xi32, #tpu.memory_space<vmem>>
      %dma_wait3A_275 = tpu.memref_squeeze %dma_wait3A_274 : memref<1x1x1x128xi32, #tpu.memory_space<vmem>> -> memref<128xi32, #tpu.memory_space<vmem>>
      %dma_wait3A_276 = arith.constant 0 : i32
      %dma_wait3A_277 = tpu.memref_slice %arg2[%mul3A_128, %dma_wait3A_276] : memref<200192x32xf32, #tpu.memory_space<hbm>> -> memref<50048x32xf32, #tpu.memory_space<hbm>>
      %dma_wait3A_278 = arith.constant 0 : i32
      %dma_wait3A_279 = arith.constant 0 : i32
      %dma_wait3A_280 = tpu.memref_slice %dma_wait3A_277[%dma_wait3A_278, %dma_wait3A_279] : memref<50048x32xf32, #tpu.memory_space<hbm>> -> memref<50048x32xf32, #tpu.memory_space<hbm>>
      tpu.wait_indirect_dma semaphore(%arg8 : memref<!tpu.dma_semaphore, #tpu.memory_space<semaphore_mem>>) src(%dma_wait3A_280 : memref<50048x32xf32, #tpu.memory_space<hbm>>) dst(%dma_wait3A_272 : memref<128x32xf32, #tpu.memory_space<vmem>>)
      %dma_wait3A_281 = arith.constant 0 : i32
      %dma_wait3A_282 = arith.constant 1 : i32
      %dma_wait3A_283 = arith.constant 1 : i32
      %dma_wait3A_284 = arith.constant 0 : i32
      %dma_wait3A_285 = arith.constant 0 : i32
      %dma_wait3A_286 = tpu.memref_slice %arg7[%scan3A_256, %dma_wait3A_283, %dma_wait3A_284, %dma_wait3A_285] : memref<3x2x128x32xf32, #tpu.memory_space<vmem>> -> memref<1x1x128x32xf32, #tpu.memory_space<vmem>>
      %dma_wait3A_287 = tpu.memref_squeeze %dma_wait3A_286 : memref<1x1x128x32xf32, #tpu.memory_space<vmem>> -> memref<128x32xf32, #tpu.memory_space<vmem>>
      %dma_wait3A_288 = arith.constant 0 : i32
      %dma_wait3A_289 = tpu.memref_slice %arg6[%scan3A_256, %dma_wait3A_281, %dma_wait3A_282, %dma_wait3A_288] : memref<3x2x2x128xi32, #tpu.memory_space<vmem>> -> memref<1x1x1x128xi32, #tpu.memory_space<vmem>>
      %dma_wait3A_290 = tpu.memref_squeeze %dma_wait3A_289 : memref<1x1x1x128xi32, #tpu.memory_space<vmem>> -> memref<128xi32, #tpu.memory_space<vmem>>
      %dma_wait3A_291 = arith.constant 0 : i32
      %dma_wait3A_292 = tpu.memref_slice %arg2[%mul3A_128, %dma_wait3A_291] : memref<200192x32xf32, #tpu.memory_space<hbm>> -> memref<50048x32xf32, #tpu.memory_space<hbm>>
      %dma_wait3A_293 = arith.constant 0 : i32
      %dma_wait3A_294 = arith.constant 0 : i32
      %dma_wait3A_295 = tpu.memref_slice %dma_wait3A_292[%dma_wait3A_293, %dma_wait3A_294] : memref<50048x32xf32, #tpu.memory_space<hbm>> -> memref<50048x32xf32, #tpu.memory_space<hbm>>
      tpu.wait_indirect_dma semaphore(%arg8 : memref<!tpu.dma_semaphore, #tpu.memory_space<semaphore_mem>>) src(%dma_wait3A_295 : memref<50048x32xf32, #tpu.memory_space<hbm>>) dst(%dma_wait3A_287 : memref<128x32xf32, #tpu.memory_space<vmem>>)
      %dma_start3A_296 = arith.constant 0 : i32
      %dma_start3A_297 = arith.constant 1 : i32
      %dma_start3A_298 = arith.constant 0 : i32
      %dma_start3A_299 = arith.constant 0 : i32
      %dma_start3A_300 = arith.constant 0 : i32
      %dma_start3A_301 = tpu.memref_slice %arg7[%scan3A_256, %dma_start3A_296, %dma_start3A_299, %dma_start3A_300] : memref<3x2x128x32xf32, #tpu.memory_space<vmem>> -> memref<1x1x128x32xf32, #tpu.memory_space<vmem>>
      %dma_start3A_302 = tpu.memref_squeeze %dma_start3A_301 : memref<1x1x128x32xf32, #tpu.memory_space<vmem>> -> memref<128x32xf32, #tpu.memory_space<vmem>>
      %dma_start3A_303 = arith.constant 0 : i32
      %dma_start3A_304 = tpu.memref_slice %arg6[%scan3A_256, %dma_start3A_297, %dma_start3A_298, %dma_start3A_303] : memref<3x2x2x128xi32, #tpu.memory_space<vmem>> -> memref<1x1x1x128xi32, #tpu.memory_space<vmem>>
      %dma_start3A_305 = tpu.memref_squeeze %dma_start3A_304 : memref<1x1x1x128xi32, #tpu.memory_space<vmem>> -> memref<128xi32, #tpu.memory_space<vmem>>
      %dma_start3A_306 = arith.constant 0 : i32
      %dma_start3A_307 = arith.constant 0 : i32
      %dma_start3A_308 = tpu.memref_slice %arg5[%dma_start3A_306, %dma_start3A_307] : memref<50048x32xf32, #tpu.memory_space<vmem_shared>> -> memref<50048x32xf32, #tpu.memory_space<vmem_shared>>
      tpu.enqueue_indirect_dma source(%dma_start3A_302 : memref<128x32xf32, #tpu.memory_space<vmem>>) target(%dma_start3A_308 : memref<50048x32xf32, #tpu.memory_space<vmem_shared>>) offsets(%dma_start3A_305 : memref<128xi32, #tpu.memory_space<vmem>>) semaphore(%arg9 : memref<!tpu.dma_semaphore, #tpu.memory_space<semaphore_mem>>) {add = true}
      %dma_start3A_309 = arith.constant 1 : i32
      %dma_start3A_310 = arith.constant 1 : i32
      %dma_start3A_311 = arith.constant 1 : i32
      %dma_start3A_312 = arith.constant 0 : i32
      %dma_start3A_313 = arith.constant 0 : i32
      %dma_start3A_314 = tpu.memref_slice %arg7[%scan3A_256, %dma_start3A_309, %dma_start3A_312, %dma_start3A_313] : memref<3x2x128x32xf32, #tpu.memory_space<vmem>> -> memref<1x1x128x32xf32, #tpu.memory_space<vmem>>
      %dma_start3A_315 = tpu.memref_squeeze %dma_start3A_314 : memref<1x1x128x32xf32, #tpu.memory_space<vmem>> -> memref<128x32xf32, #tpu.memory_space<vmem>>
      %dma_start3A_316 = arith.constant 0 : i32
      %dma_start3A_317 = tpu.memref_slice %arg6[%scan3A_256, %dma_start3A_310, %dma_start3A_311, %dma_start3A_316] : memref<3x2x2x128xi32, #tpu.memory_space<vmem>> -> memref<1x1x1x128xi32, #tpu.memory_space<vmem>>
      %dma_start3A_318 = tpu.memref_squeeze %dma_start3A_317 : memref<1x1x1x128xi32, #tpu.memory_space<vmem>> -> memref<128xi32, #tpu.memory_space<vmem>>
      %dma_start3A_319 = arith.constant 0 : i32
      %dma_start3A_320 = arith.constant 0 : i32
      %dma_start3A_321 = tpu.memref_slice %arg5[%dma_start3A_319, %dma_start3A_320] : memref<50048x32xf32, #tpu.memory_space<vmem_shared>> -> memref<50048x32xf32, #tpu.memory_space<vmem_shared>>
      tpu.enqueue_indirect_dma source(%dma_start3A_315 : memref<128x32xf32, #tpu.memory_space<vmem>>) target(%dma_start3A_321 : memref<50048x32xf32, #tpu.memory_space<vmem_shared>>) offsets(%dma_start3A_318 : memref<128xi32, #tpu.memory_space<vmem>>) semaphore(%arg9 : memref<!tpu.dma_semaphore, #tpu.memory_space<semaphore_mem>>) {add = true}
      %eq3A = arith.constant 2 : i32
      %eq3A_322 = arith.cmpi eq, %scan3A_257, %eq3A : i32
      %add3A_323 = arith.constant 1 : i32
      %add3A_324 = arith.addi %scan3A_257, %add3A_323 : i32
      %jit3A = arith.constant 0 : i32
      %select_n3A = arith.select %eq3A_322, %jit3A, %add3A_324 : i32
      scf.yield %scan3A_257, %select_n3A : i32, i32
    }
    %scan3A_187 = arith.constant 198 : i32
    %dma_wait3A_188 = arith.constant 2 : i32
    %dma_wait3A_189 = arith.constant 0 : i32
    %dma_wait3A_190 = arith.constant 2 : i32
    %dma_wait3A_191 = arith.constant 1 : i32
    %dma_wait3A_192 = arith.constant 0 : i32
    %dma_wait3A_193 = arith.constant 0 : i32
    %dma_wait3A_194 = arith.constant 0 : i32
    %dma_wait3A_195 = tpu.memref_slice %arg7[%dma_wait3A_188, %dma_wait3A_189, %dma_wait3A_193, %dma_wait3A_194] : memref<3x2x128x32xf32, #tpu.memory_space<vmem>> -> memref<1x1x128x32xf32, #tpu.memory_space<vmem>>
    %dma_wait3A_196 = tpu.memref_squeeze %dma_wait3A_195 : memref<1x1x128x32xf32, #tpu.memory_space<vmem>> -> memref<128x32xf32, #tpu.memory_space<vmem>>
    %dma_wait3A_197 = arith.constant 0 : i32
    %dma_wait3A_198 = tpu.memref_slice %arg6[%dma_wait3A_190, %dma_wait3A_191, %dma_wait3A_192, %dma_wait3A_197] : memref<3x2x2x128xi32, #tpu.memory_space<vmem>> -> memref<1x1x1x128xi32, #tpu.memory_space<vmem>>
    %dma_wait3A_199 = tpu.memref_squeeze %dma_wait3A_198 : memref<1x1x1x128xi32, #tpu.memory_space<vmem>> -> memref<128xi32, #tpu.memory_space<vmem>>
    %dma_wait3A_200 = arith.constant 0 : i32
    %dma_wait3A_201 = arith.constant 0 : i32
    %dma_wait3A_202 = tpu.memref_slice %arg5[%dma_wait3A_200, %dma_wait3A_201] : memref<50048x32xf32, #tpu.memory_space<vmem_shared>> -> memref<50048x32xf32, #tpu.memory_space<vmem_shared>>
    tpu.wait_indirect_dma semaphore(%arg9 : memref<!tpu.dma_semaphore, #tpu.memory_space<semaphore_mem>>) src(%dma_wait3A_196 : memref<128x32xf32, #tpu.memory_space<vmem>>) dst(%dma_wait3A_202 : memref<50048x32xf32, #tpu.memory_space<vmem_shared>>)
    %dma_wait3A_203 = arith.constant 2 : i32
    %dma_wait3A_204 = arith.constant 1 : i32
    %dma_wait3A_205 = arith.constant 2 : i32
    %dma_wait3A_206 = arith.constant 1 : i32
    %dma_wait3A_207 = arith.constant 1 : i32
    %dma_wait3A_208 = arith.constant 0 : i32
    %dma_wait3A_209 = arith.constant 0 : i32
    %dma_wait3A_210 = tpu.memref_slice %arg7[%dma_wait3A_203, %dma_wait3A_204, %dma_wait3A_208, %dma_wait3A_209] : memref<3x2x128x32xf32, #tpu.memory_space<vmem>> -> memref<1x1x128x32xf32, #tpu.memory_space<vmem>>
    %dma_wait3A_211 = tpu.memref_squeeze %dma_wait3A_210 : memref<1x1x128x32xf32, #tpu.memory_space<vmem>> -> memref<128x32xf32, #tpu.memory_space<vmem>>
    %dma_wait3A_212 = arith.constant 0 : i32
    %dma_wait3A_213 = tpu.memref_slice %arg6[%dma_wait3A_205, %dma_wait3A_206, %dma_wait3A_207, %dma_wait3A_212] : memref<3x2x2x128xi32, #tpu.memory_space<vmem>> -> memref<1x1x1x128xi32, #tpu.memory_space<vmem>>
    %dma_wait3A_214 = tpu.memref_squeeze %dma_wait3A_213 : memref<1x1x1x128xi32, #tpu.memory_space<vmem>> -> memref<128xi32, #tpu.memory_space<vmem>>
    %dma_wait3A_215 = arith.constant 0 : i32
    %dma_wait3A_216 = arith.constant 0 : i32
    %dma_wait3A_217 = tpu.memref_slice %arg5[%dma_wait3A_215, %dma_wait3A_216] : memref<50048x32xf32, #tpu.memory_space<vmem_shared>> -> memref<50048x32xf32, #tpu.memory_space<vmem_shared>>
    tpu.wait_indirect_dma semaphore(%arg9 : memref<!tpu.dma_semaphore, #tpu.memory_space<semaphore_mem>>) src(%dma_wait3A_211 : memref<128x32xf32, #tpu.memory_space<vmem>>) dst(%dma_wait3A_217 : memref<50048x32xf32, #tpu.memory_space<vmem_shared>>)
    %dma_wait3A_218 = arith.constant 1 : i32
    %dma_wait3A_219 = arith.constant 0 : i32
    %dma_wait3A_220 = arith.constant 1 : i32
    %dma_wait3A_221 = arith.constant 1 : i32
    %dma_wait3A_222 = arith.constant 0 : i32
    %dma_wait3A_223 = arith.constant 0 : i32
    %dma_wait3A_224 = arith.constant 0 : i32
    %dma_wait3A_225 = tpu.memref_slice %arg7[%dma_wait3A_218, %dma_wait3A_219, %dma_wait3A_223, %dma_wait3A_224] : memref<3x2x128x32xf32, #tpu.memory_space<vmem>> -> memref<1x1x128x32xf32, #tpu.memory_space<vmem>>
    %dma_wait3A_226 = tpu.memref_squeeze %dma_wait3A_225 : memref<1x1x128x32xf32, #tpu.memory_space<vmem>> -> memref<128x32xf32, #tpu.memory_space<vmem>>
    %dma_wait3A_227 = arith.constant 0 : i32
    %dma_wait3A_228 = tpu.memref_slice %arg6[%dma_wait3A_220, %dma_wait3A_221, %dma_wait3A_222, %dma_wait3A_227] : memref<3x2x2x128xi32, #tpu.memory_space<vmem>> -> memref<1x1x1x128xi32, #tpu.memory_space<vmem>>
    %dma_wait3A_229 = tpu.memref_squeeze %dma_wait3A_228 : memref<1x1x1x128xi32, #tpu.memory_space<vmem>> -> memref<128xi32, #tpu.memory_space<vmem>>
    %dma_wait3A_230 = arith.constant 0 : i32
    %dma_wait3A_231 = arith.constant 0 : i32
    %dma_wait3A_232 = tpu.memref_slice %arg5[%dma_wait3A_230, %dma_wait3A_231] : memref<50048x32xf32, #tpu.memory_space<vmem_shared>> -> memref<50048x32xf32, #tpu.memory_space<vmem_shared>>
    tpu.wait_indirect_dma semaphore(%arg9 : memref<!tpu.dma_semaphore, #tpu.memory_space<semaphore_mem>>) src(%dma_wait3A_226 : memref<128x32xf32, #tpu.memory_space<vmem>>) dst(%dma_wait3A_232 : memref<50048x32xf32, #tpu.memory_space<vmem_shared>>)
    %dma_wait3A_233 = arith.constant 1 : i32
    %dma_wait3A_234 = arith.constant 1 : i32
    %dma_wait3A_235 = arith.constant 1 : i32
    %dma_wait3A_236 = arith.constant 1 : i32
    %dma_wait3A_237 = arith.constant 1 : i32
    %dma_wait3A_238 = arith.constant 0 : i32
    %dma_wait3A_239 = arith.constant 0 : i32
    %dma_wait3A_240 = tpu.memref_slice %arg7[%dma_wait3A_233, %dma_wait3A_234, %dma_wait3A_238, %dma_wait3A_239] : memref<3x2x128x32xf32, #tpu.memory_space<vmem>> -> memref<1x1x128x32xf32, #tpu.memory_space<vmem>>
    %dma_wait3A_241 = tpu.memref_squeeze %dma_wait3A_240 : memref<1x1x128x32xf32, #tpu.memory_space<vmem>> -> memref<128x32xf32, #tpu.memory_space<vmem>>
    %dma_wait3A_242 = arith.constant 0 : i32
    %dma_wait3A_243 = tpu.memref_slice %arg6[%dma_wait3A_235, %dma_wait3A_236, %dma_wait3A_237, %dma_wait3A_242] : memref<3x2x2x128xi32, #tpu.memory_space<vmem>> -> memref<1x1x1x128xi32, #tpu.memory_space<vmem>>
    %dma_wait3A_244 = tpu.memref_squeeze %dma_wait3A_243 : memref<1x1x1x128xi32, #tpu.memory_space<vmem>> -> memref<128xi32, #tpu.memory_space<vmem>>
    %dma_wait3A_245 = arith.constant 0 : i32
    %dma_wait3A_246 = arith.constant 0 : i32
    %dma_wait3A_247 = tpu.memref_slice %arg5[%dma_wait3A_245, %dma_wait3A_246] : memref<50048x32xf32, #tpu.memory_space<vmem_shared>> -> memref<50048x32xf32, #tpu.memory_space<vmem_shared>>
    tpu.wait_indirect_dma semaphore(%arg9 : memref<!tpu.dma_semaphore, #tpu.memory_space<semaphore_mem>>) src(%dma_wait3A_241 : memref<128x32xf32, #tpu.memory_space<vmem>>) dst(%dma_wait3A_247 : memref<50048x32xf32, #tpu.memory_space<vmem_shared>>)
    %barrier3A_248 = arith.constant 0 : index
    tpu.barrier barrier_id(%barrier3A_248)
    %mul3A_249 = arith.constant 3128 : i32
    %mul3A_250 = arith.muli %arg1, %mul3A_249 : i32
    %mul3A_251 = arith.constant 3128 : i32
    %mul3A_252 = arith.muli %arg1, %mul3A_251 : i32
    %add3A_253 = arith.addi %mul3A_128, %mul3A_252 : i32
    "tpu.region"() ({
      %run_scoped3A_255 = tpu.sem_alloc : memref<!tpu.dma_semaphore, #tpu.memory_space<semaphore_mem>>
      %dma_start3A_256 = arith.constant 0 : i32
      %dma_start3A_257 = tpu.memref_slice %arg4[%add3A_253, %dma_start3A_256] : memref<200192x32xf32, #tpu.memory_space<hbm>> -> memref<3128x32xf32, #tpu.memory_space<hbm>>
      %dma_start3A_258 = arith.constant 0 : i32
      %dma_start3A_259 = tpu.memref_slice %arg5[%mul3A_250, %dma_start3A_258] : memref<50048x32xf32, #tpu.memory_space<vmem_shared>> -> memref<3128x32xf32, #tpu.memory_space<vmem_shared>>
      tpu.enqueue_dma source(%dma_start3A_259 : memref<3128x32xf32, #tpu.memory_space<vmem_shared>>) target(%dma_start3A_257 : memref<3128x32xf32, #tpu.memory_space<hbm>>) target_semaphore(%run_scoped3A_255 : memref<!tpu.dma_semaphore, #tpu.memory_space<semaphore_mem>>)
      %dma_wait3A_260 = arith.constant 0 : i32
      %dma_wait3A_261 = tpu.memref_slice %arg4[%add3A_253, %dma_wait3A_260] : memref<200192x32xf32, #tpu.memory_space<hbm>> -> memref<3128x32xf32, #tpu.memory_space<hbm>>
      %dma_wait3A_262 = arith.constant 0 : i32
      %dma_wait3A_263 = tpu.memref_slice %arg5[%mul3A_250, %dma_wait3A_262] : memref<50048x32xf32, #tpu.memory_space<vmem_shared>> -> memref<3128x32xf32, #tpu.memory_space<vmem_shared>>
      tpu.wait_dma2 semaphore(%run_scoped3A_255 : memref<!tpu.dma_semaphore, #tpu.memory_space<semaphore_mem>>) src(%dma_wait3A_263 : memref<3128x32xf32, #tpu.memory_space<vmem_shared>>) dst(%dma_wait3A_261 : memref<3128x32xf32, #tpu.memory_space<hbm>>)
      tpu.yield
    }) : () -> ()
    %barrier3A_254 = arith.constant 0 : index
    tpu.barrier barrier_id(%barrier3A_254)
    return
  }
}

#map = affine_map<(d0, d1) -> (0, 0, 0)>
#map1 = affine_map<(d0, d1) -> (0, 0)>
module attributes {stable_mosaic.version = 14 : i64} {
  func.func @_deg_body(%arg0: i32, %arg1: i32, %arg2: memref<2x6336x128xi32, #tpu.memory_space<hbm>>, %arg3: memref<50048x8xf32, #tpu.memory_space<hbm>>, %arg4: memref<2x50048x8xf32, #tpu.memory_space<hbm>>, %arg5: memref<50048x8xf32, #tpu.memory_space<vmem_shared>>, %arg6: memref<3x2x128xi32, #tpu.memory_space<vmem>>, %arg7: memref<128x8xf32, #tpu.memory_space<vmem>>, %arg8: memref<!tpu.dma_semaphore, #tpu.memory_space<semaphore_mem>>) attributes {dimension_semantics = [#tpu.dimension_semantics<core_parallel>, #tpu.dimension_semantics<subcore_parallel>], iteration_bounds = array<i64: 2, 16>, scalar_prefetch = 0 : i64, scratch_operands = 4 : i64, tpu.core_type = #tpu.core_type<sc_vector_subcore>, window_params = [{transform_indices = #map}, {transform_indices = #map1}, {transform_indices = #map}]} {
    %mul3A = arith.constant 16 : i32
    %mul3A_0 = arith.muli %arg0, %mul3A : i32
    %add3A = arith.addi %mul3A_0, %arg1 : i32
    %mul3A_1 = arith.constant 3128 : i32
    %mul3A_2 = arith.muli %arg1, %mul3A_1 : i32
    %mul3A_3 = arith.constant 3128 : i32
    %mul3A_4 = arith.muli %arg1, %mul3A_3 : i32
    "tpu.region"() ({
      %run_scoped3A_53 = tpu.sem_alloc : memref<!tpu.dma_semaphore, #tpu.memory_space<semaphore_mem>>
      %dma_start3A = arith.constant 0 : i32
      %dma_start3A_54 = tpu.memref_slice %arg5[%mul3A_4, %dma_start3A] : memref<50048x8xf32, #tpu.memory_space<vmem_shared>> -> memref<3128x8xf32, #tpu.memory_space<vmem_shared>>
      %dma_start3A_55 = arith.constant 0 : i32
      %dma_start3A_56 = tpu.memref_slice %arg3[%mul3A_2, %dma_start3A_55] : memref<50048x8xf32, #tpu.memory_space<hbm>> -> memref<3128x8xf32, #tpu.memory_space<hbm>>
      tpu.enqueue_dma source(%dma_start3A_56 : memref<3128x8xf32, #tpu.memory_space<hbm>>) target(%dma_start3A_54 : memref<3128x8xf32, #tpu.memory_space<vmem_shared>>) target_semaphore(%run_scoped3A_53 : memref<!tpu.dma_semaphore, #tpu.memory_space<semaphore_mem>>)
      %dma_wait3A_57 = arith.constant 0 : i32
      %dma_wait3A_58 = tpu.memref_slice %arg5[%mul3A_4, %dma_wait3A_57] : memref<50048x8xf32, #tpu.memory_space<vmem_shared>> -> memref<3128x8xf32, #tpu.memory_space<vmem_shared>>
      %dma_wait3A_59 = arith.constant 0 : i32
      %dma_wait3A_60 = tpu.memref_slice %arg3[%mul3A_2, %dma_wait3A_59] : memref<50048x8xf32, #tpu.memory_space<hbm>> -> memref<3128x8xf32, #tpu.memory_space<hbm>>
      tpu.wait_dma2 semaphore(%run_scoped3A_53 : memref<!tpu.dma_semaphore, #tpu.memory_space<semaphore_mem>>) src(%dma_wait3A_60 : memref<3128x8xf32, #tpu.memory_space<hbm>>) dst(%dma_wait3A_58 : memref<3128x8xf32, #tpu.memory_space<vmem_shared>>)
      tpu.yield
    }) : () -> ()
    "tpu.region"() ({
      %run_scoped3A_53 = tpu.sem_alloc : memref<!tpu.dma_semaphore, #tpu.memory_space<semaphore_mem>>
      %dma_start3A = arith.constant 0 : i32
      %dma_start3A_54 = arith.constant 0 : i32
      %dma_start3A_55 = tpu.memref_slice %arg3[%dma_start3A, %dma_start3A_54] : memref<50048x8xf32, #tpu.memory_space<hbm>> -> memref<128x8xf32, #tpu.memory_space<hbm>>
      %dma_start3A_56 = arith.constant 0 : i32
      %dma_start3A_57 = arith.constant 0 : i32
      %dma_start3A_58 = tpu.memref_slice %arg3[%dma_start3A_56, %dma_start3A_57] : memref<50048x8xf32, #tpu.memory_space<hbm>> -> memref<128x8xf32, #tpu.memory_space<hbm>>
      tpu.enqueue_dma source(%dma_start3A_58 : memref<128x8xf32, #tpu.memory_space<hbm>>) target(%arg7 : memref<128x8xf32, #tpu.memory_space<vmem>>) target_semaphore(%run_scoped3A_53 : memref<!tpu.dma_semaphore, #tpu.memory_space<semaphore_mem>>)
      %dma_wait3A_59 = arith.constant 0 : i32
      %dma_wait3A_60 = arith.constant 0 : i32
      %dma_wait3A_61 = tpu.memref_slice %arg3[%dma_wait3A_59, %dma_wait3A_60] : memref<50048x8xf32, #tpu.memory_space<hbm>> -> memref<128x8xf32, #tpu.memory_space<hbm>>
      %dma_wait3A_62 = arith.constant 0 : i32
      %dma_wait3A_63 = arith.constant 0 : i32
      %dma_wait3A_64 = tpu.memref_slice %arg3[%dma_wait3A_62, %dma_wait3A_63] : memref<50048x8xf32, #tpu.memory_space<hbm>> -> memref<128x8xf32, #tpu.memory_space<hbm>>
      tpu.wait_dma2 semaphore(%run_scoped3A_53 : memref<!tpu.dma_semaphore, #tpu.memory_space<semaphore_mem>>) src(%dma_wait3A_64 : memref<128x8xf32, #tpu.memory_space<hbm>>) dst(%arg7 : memref<128x8xf32, #tpu.memory_space<vmem>>)
      tpu.yield
    }) : () -> ()
    %barrier3A = arith.constant 0 : index
    tpu.barrier barrier_id(%barrier3A)
    %mul3A_5 = arith.constant 198 : i32
    %mul3A_6 = arith.muli %add3A, %mul3A_5 : i32
    %add3A_7 = arith.constant 0 : i32
    %add3A_8 = arith.addi %mul3A_6, %add3A_7 : i32
    %run_scoped3A = arith.constant 1 : i32
    %run_scoped3A_9 = arith.constant 0 : i32
    "tpu.region"() ({
      %run_scoped3A_53 = tpu.sem_alloc : memref<!tpu.dma_semaphore, #tpu.memory_space<semaphore_mem>>
      %dma_start3A = arith.constant 0 : i32
      %dma_start3A_54 = arith.constant 0 : i32
      %dma_start3A_55 = tpu.memref_slice %arg6[%run_scoped3A_9, %dma_start3A, %dma_start3A_54] : memref<3x2x128xi32, #tpu.memory_space<vmem>> -> memref<1x2x128xi32, #tpu.memory_space<vmem>>
      %dma_start3A_56 = tpu.memref_squeeze %dma_start3A_55 : memref<1x2x128xi32, #tpu.memory_space<vmem>> -> memref<2x128xi32, #tpu.memory_space<vmem>>
      %dma_start3A_57 = arith.constant 0 : i32
      %dma_start3A_58 = tpu.memref_slice %arg2[%run_scoped3A, %add3A_8, %dma_start3A_57] : memref<2x6336x128xi32, #tpu.memory_space<hbm>> -> memref<1x2x128xi32, #tpu.memory_space<hbm>>
      %dma_start3A_59 = tpu.memref_squeeze %dma_start3A_58 : memref<1x2x128xi32, #tpu.memory_space<hbm>> -> memref<2x128xi32, #tpu.memory_space<hbm>>
      %dma_start3A_60 = arith.constant 0 : i32
      %dma_start3A_61 = arith.constant 0 : i32
      %dma_start3A_62 = tpu.memref_slice %arg6[%run_scoped3A_9, %dma_start3A_60, %dma_start3A_61] : memref<3x2x128xi32, #tpu.memory_space<vmem>> -> memref<1x2x128xi32, #tpu.memory_space<vmem>>
      %dma_start3A_63 = tpu.memref_squeeze %dma_start3A_62 : memref<1x2x128xi32, #tpu.memory_space<vmem>> -> memref<2x128xi32, #tpu.memory_space<vmem>>
      %dma_start3A_64 = arith.constant 0 : i32
      %dma_start3A_65 = tpu.memref_slice %arg2[%run_scoped3A, %add3A_8, %dma_start3A_64] : memref<2x6336x128xi32, #tpu.memory_space<hbm>> -> memref<1x2x128xi32, #tpu.memory_space<hbm>>
      %dma_start3A_66 = tpu.memref_squeeze %dma_start3A_65 : memref<1x2x128xi32, #tpu.memory_space<hbm>> -> memref<2x128xi32, #tpu.memory_space<hbm>>
      tpu.enqueue_dma source(%dma_start3A_66 : memref<2x128xi32, #tpu.memory_space<hbm>>) target(%dma_start3A_63 : memref<2x128xi32, #tpu.memory_space<vmem>>) target_semaphore(%run_scoped3A_53 : memref<!tpu.dma_semaphore, #tpu.memory_space<semaphore_mem>>)
      %dma_wait3A_67 = arith.constant 0 : i32
      %dma_wait3A_68 = arith.constant 0 : i32
      %dma_wait3A_69 = tpu.memref_slice %arg6[%run_scoped3A_9, %dma_wait3A_67, %dma_wait3A_68] : memref<3x2x128xi32, #tpu.memory_space<vmem>> -> memref<1x2x128xi32, #tpu.memory_space<vmem>>
      %dma_wait3A_70 = tpu.memref_squeeze %dma_wait3A_69 : memref<1x2x128xi32, #tpu.memory_space<vmem>> -> memref<2x128xi32, #tpu.memory_space<vmem>>
      %dma_wait3A_71 = arith.constant 0 : i32
      %dma_wait3A_72 = tpu.memref_slice %arg2[%run_scoped3A, %add3A_8, %dma_wait3A_71] : memref<2x6336x128xi32, #tpu.memory_space<hbm>> -> memref<1x2x128xi32, #tpu.memory_space<hbm>>
      %dma_wait3A_73 = tpu.memref_squeeze %dma_wait3A_72 : memref<1x2x128xi32, #tpu.memory_space<hbm>> -> memref<2x128xi32, #tpu.memory_space<hbm>>
      %dma_wait3A_74 = arith.constant 0 : i32
      %dma_wait3A_75 = arith.constant 0 : i32
      %dma_wait3A_76 = tpu.memref_slice %arg6[%run_scoped3A_9, %dma_wait3A_74, %dma_wait3A_75] : memref<3x2x128xi32, #tpu.memory_space<vmem>> -> memref<1x2x128xi32, #tpu.memory_space<vmem>>
      %dma_wait3A_77 = tpu.memref_squeeze %dma_wait3A_76 : memref<1x2x128xi32, #tpu.memory_space<vmem>> -> memref<2x128xi32, #tpu.memory_space<vmem>>
      %dma_wait3A_78 = arith.constant 0 : i32
      %dma_wait3A_79 = tpu.memref_slice %arg2[%run_scoped3A, %add3A_8, %dma_wait3A_78] : memref<2x6336x128xi32, #tpu.memory_space<hbm>> -> memref<1x2x128xi32, #tpu.memory_space<hbm>>
      %dma_wait3A_80 = tpu.memref_squeeze %dma_wait3A_79 : memref<1x2x128xi32, #tpu.memory_space<hbm>> -> memref<2x128xi32, #tpu.memory_space<hbm>>
      tpu.wait_dma2 semaphore(%run_scoped3A_53 : memref<!tpu.dma_semaphore, #tpu.memory_space<semaphore_mem>>) src(%dma_wait3A_80 : memref<2x128xi32, #tpu.memory_space<hbm>>) dst(%dma_wait3A_77 : memref<2x128xi32, #tpu.memory_space<vmem>>)
      tpu.yield
    }) : () -> ()
    %scan3A = arith.constant 0 : i32
    %scan3A_10 = arith.constant 1 : i32
    %scan3A_11 = arith.constant 0 : i32
    %scan3A_12 = arith.constant 99 : i32
    %scan3A_13 = arith.addi %scan3A_11, %scan3A_12 : i32
    %scan3A_14 = arith.constant 1 : i32
    %scan3A_15:2 = scf.for %scan3A_53 = %scan3A_11 to %scan3A_13 step %scan3A_14 iter_args(%scan3A_54 = %scan3A, %scan3A_55 = %scan3A_10) -> (i32, i32)  : i32 {
      %ge3A = arith.constant 2 : i32
      %ge3A_56 = arith.cmpi sge, %scan3A_53, %ge3A : i32
      %convert_element_type3A = arith.extui %ge3A_56 : i1 to i32
      %cond3A = arith.constant 0 : i32
      %cond3A_57 = arith.cmpi ne, %convert_element_type3A, %cond3A : i32
      scf.if %cond3A_57 {
        %dma_wait3A_80 = arith.constant 0 : i32
        %dma_wait3A_81 = arith.constant 0 : i32
        %dma_wait3A_82 = tpu.memref_slice %arg6[%scan3A_55, %dma_wait3A_80, %dma_wait3A_81] : memref<3x2x128xi32, #tpu.memory_space<vmem>> -> memref<1x1x128xi32, #tpu.memory_space<vmem>>
        %dma_wait3A_83 = tpu.memref_squeeze %dma_wait3A_82 : memref<1x1x128xi32, #tpu.memory_space<vmem>> -> memref<128xi32, #tpu.memory_space<vmem>>
        %dma_wait3A_84 = arith.constant 0 : i32
        %dma_wait3A_85 = arith.constant 0 : i32
        %dma_wait3A_86 = tpu.memref_slice %arg5[%dma_wait3A_84, %dma_wait3A_85] : memref<50048x8xf32, #tpu.memory_space<vmem_shared>> -> memref<50048x8xf32, #tpu.memory_space<vmem_shared>>
        tpu.wait_indirect_dma semaphore(%arg8 : memref<!tpu.dma_semaphore, #tpu.memory_space<semaphore_mem>>) src(%arg7 : memref<128x8xf32, #tpu.memory_space<vmem>>) dst(%dma_wait3A_86 : memref<50048x8xf32, #tpu.memory_space<vmem_shared>>)
        %dma_wait3A_87 = arith.constant 1 : i32
        %dma_wait3A_88 = arith.constant 0 : i32
        %dma_wait3A_89 = tpu.memref_slice %arg6[%scan3A_55, %dma_wait3A_87, %dma_wait3A_88] : memref<3x2x128xi32, #tpu.memory_space<vmem>> -> memref<1x1x128xi32, #tpu.memory_space<vmem>>
        %dma_wait3A_90 = tpu.memref_squeeze %dma_wait3A_89 : memref<1x1x128xi32, #tpu.memory_space<vmem>> -> memref<128xi32, #tpu.memory_space<vmem>>
        %dma_wait3A_91 = arith.constant 0 : i32
        %dma_wait3A_92 = arith.constant 0 : i32
        %dma_wait3A_93 = tpu.memref_slice %arg5[%dma_wait3A_91, %dma_wait3A_92] : memref<50048x8xf32, #tpu.memory_space<vmem_shared>> -> memref<50048x8xf32, #tpu.memory_space<vmem_shared>>
        tpu.wait_indirect_dma semaphore(%arg8 : memref<!tpu.dma_semaphore, #tpu.memory_space<semaphore_mem>>) src(%arg7 : memref<128x8xf32, #tpu.memory_space<vmem>>) dst(%dma_wait3A_93 : memref<50048x8xf32, #tpu.memory_space<vmem_shared>>)
      } else {
      }
      %add3A_58 = arith.constant 1 : i32
      %add3A_59 = arith.addi %scan3A_53, %add3A_58 : i32
      %lt3A = arith.constant 99 : i32
      %lt3A_60 = arith.cmpi slt, %add3A_59, %lt3A : i32
      %convert_element_type3A_61 = arith.extui %lt3A_60 : i1 to i32
      %cond3A_62 = arith.constant 0 : i32
      %cond3A_63 = arith.cmpi ne, %convert_element_type3A_61, %cond3A_62 : i32
      scf.if %cond3A_63 {
        %add3A_80 = arith.constant 1 : i32
        %add3A_81 = arith.addi %scan3A_53, %add3A_80 : i32
        %mul3A_82 = arith.constant 2 : i32
        %mul3A_83 = arith.muli %add3A_81, %mul3A_82 : i32
        %add3A_84 = arith.addi %mul3A_6, %mul3A_83 : i32
        %run_scoped3A_85 = arith.constant 1 : i32
        "tpu.region"() ({
          %run_scoped3A_86 = tpu.sem_alloc : memref<!tpu.dma_semaphore, #tpu.memory_space<semaphore_mem>>
          %dma_start3A_87 = arith.constant 0 : i32
          %dma_start3A_88 = arith.constant 0 : i32
          %dma_start3A_89 = tpu.memref_slice %arg6[%scan3A_55, %dma_start3A_87, %dma_start3A_88] : memref<3x2x128xi32, #tpu.memory_space<vmem>> -> memref<1x2x128xi32, #tpu.memory_space<vmem>>
          %dma_start3A_90 = tpu.memref_squeeze %dma_start3A_89 : memref<1x2x128xi32, #tpu.memory_space<vmem>> -> memref<2x128xi32, #tpu.memory_space<vmem>>
          %dma_start3A_91 = arith.constant 0 : i32
          %dma_start3A_92 = tpu.memref_slice %arg2[%run_scoped3A_85, %add3A_84, %dma_start3A_91] : memref<2x6336x128xi32, #tpu.memory_space<hbm>> -> memref<1x2x128xi32, #tpu.memory_space<hbm>>
          %dma_start3A_93 = tpu.memref_squeeze %dma_start3A_92 : memref<1x2x128xi32, #tpu.memory_space<hbm>> -> memref<2x128xi32, #tpu.memory_space<hbm>>
          %dma_start3A_94 = arith.constant 0 : i32
          %dma_start3A_95 = arith.constant 0 : i32
          %dma_start3A_96 = tpu.memref_slice %arg6[%scan3A_55, %dma_start3A_94, %dma_start3A_95] : memref<3x2x128xi32, #tpu.memory_space<vmem>> -> memref<1x2x128xi32, #tpu.memory_space<vmem>>
          %dma_start3A_97 = tpu.memref_squeeze %dma_start3A_96 : memref<1x2x128xi32, #tpu.memory_space<vmem>> -> memref<2x128xi32, #tpu.memory_space<vmem>>
          %dma_start3A_98 = arith.constant 0 : i32
          %dma_start3A_99 = tpu.memref_slice %arg2[%run_scoped3A_85, %add3A_84, %dma_start3A_98] : memref<2x6336x128xi32, #tpu.memory_space<hbm>> -> memref<1x2x128xi32, #tpu.memory_space<hbm>>
          %dma_start3A_100 = tpu.memref_squeeze %dma_start3A_99 : memref<1x2x128xi32, #tpu.memory_space<hbm>> -> memref<2x128xi32, #tpu.memory_space<hbm>>
          tpu.enqueue_dma source(%dma_start3A_100 : memref<2x128xi32, #tpu.memory_space<hbm>>) target(%dma_start3A_97 : memref<2x128xi32, #tpu.memory_space<vmem>>) target_semaphore(%run_scoped3A_86 : memref<!tpu.dma_semaphore, #tpu.memory_space<semaphore_mem>>)
          %dma_wait3A_101 = arith.constant 0 : i32
          %dma_wait3A_102 = arith.constant 0 : i32
          %dma_wait3A_103 = tpu.memref_slice %arg6[%scan3A_55, %dma_wait3A_101, %dma_wait3A_102] : memref<3x2x128xi32, #tpu.memory_space<vmem>> -> memref<1x2x128xi32, #tpu.memory_space<vmem>>
          %dma_wait3A_104 = tpu.memref_squeeze %dma_wait3A_103 : memref<1x2x128xi32, #tpu.memory_space<vmem>> -> memref<2x128xi32, #tpu.memory_space<vmem>>
          %dma_wait3A_105 = arith.constant 0 : i32
          %dma_wait3A_106 = tpu.memref_slice %arg2[%run_scoped3A_85, %add3A_84, %dma_wait3A_105] : memref<2x6336x128xi32, #tpu.memory_space<hbm>> -> memref<1x2x128xi32, #tpu.memory_space<hbm>>
          %dma_wait3A_107 = tpu.memref_squeeze %dma_wait3A_106 : memref<1x2x128xi32, #tpu.memory_space<hbm>> -> memref<2x128xi32, #tpu.memory_space<hbm>>
          %dma_wait3A_108 = arith.constant 0 : i32
          %dma_wait3A_109 = arith.constant 0 : i32
          %dma_wait3A_110 = tpu.memref_slice %arg6[%scan3A_55, %dma_wait3A_108, %dma_wait3A_109] : memref<3x2x128xi32, #tpu.memory_space<vmem>> -> memref<1x2x128xi32, #tpu.memory_space<vmem>>
          %dma_wait3A_111 = tpu.memref_squeeze %dma_wait3A_110 : memref<1x2x128xi32, #tpu.memory_space<vmem>> -> memref<2x128xi32, #tpu.memory_space<vmem>>
          %dma_wait3A_112 = arith.constant 0 : i32
          %dma_wait3A_113 = tpu.memref_slice %arg2[%run_scoped3A_85, %add3A_84, %dma_wait3A_112] : memref<2x6336x128xi32, #tpu.memory_space<hbm>> -> memref<1x2x128xi32, #tpu.memory_space<hbm>>
          %dma_wait3A_114 = tpu.memref_squeeze %dma_wait3A_113 : memref<1x2x128xi32, #tpu.memory_space<hbm>> -> memref<2x128xi32, #tpu.memory_space<hbm>>
          tpu.wait_dma2 semaphore(%run_scoped3A_86 : memref<!tpu.dma_semaphore, #tpu.memory_space<semaphore_mem>>) src(%dma_wait3A_114 : memref<2x128xi32, #tpu.memory_space<hbm>>) dst(%dma_wait3A_111 : memref<2x128xi32, #tpu.memory_space<vmem>>)
          tpu.yield
        }) : () -> ()
      } else {
      }
      %dma_start3A = arith.constant 0 : i32
      %dma_start3A_64 = arith.constant 0 : i32
      %dma_start3A_65 = tpu.memref_slice %arg6[%scan3A_54, %dma_start3A, %dma_start3A_64] : memref<3x2x128xi32, #tpu.memory_space<vmem>> -> memref<1x1x128xi32, #tpu.memory_space<vmem>>
      %dma_start3A_66 = tpu.memref_squeeze %dma_start3A_65 : memref<1x1x128xi32, #tpu.memory_space<vmem>> -> memref<128xi32, #tpu.memory_space<vmem>>
      %dma_start3A_67 = arith.constant 0 : i32
      %dma_start3A_68 = arith.constant 0 : i32
      %dma_start3A_69 = tpu.memref_slice %arg5[%dma_start3A_67, %dma_start3A_68] : memref<50048x8xf32, #tpu.memory_space<vmem_shared>> -> memref<50048x8xf32, #tpu.memory_space<vmem_shared>>
      tpu.enqueue_indirect_dma source(%arg7 : memref<128x8xf32, #tpu.memory_space<vmem>>) target(%dma_start3A_69 : memref<50048x8xf32, #tpu.memory_space<vmem_shared>>) offsets(%dma_start3A_66 : memref<128xi32, #tpu.memory_space<vmem>>) semaphore(%arg8 : memref<!tpu.dma_semaphore, #tpu.memory_space<semaphore_mem>>) {add = true}
      %dma_start3A_70 = arith.constant 1 : i32
      %dma_start3A_71 = arith.constant 0 : i32
      %dma_start3A_72 = tpu.memref_slice %arg6[%scan3A_54, %dma_start3A_70, %dma_start3A_71] : memref<3x2x128xi32, #tpu.memory_space<vmem>> -> memref<1x1x128xi32, #tpu.memory_space<vmem>>
      %dma_start3A_73 = tpu.memref_squeeze %dma_start3A_72 : memref<1x1x128xi32, #tpu.memory_space<vmem>> -> memref<128xi32, #tpu.memory_space<vmem>>
      %dma_start3A_74 = arith.constant 0 : i32
      %dma_start3A_75 = arith.constant 0 : i32
      %dma_start3A_76 = tpu.memref_slice %arg5[%dma_start3A_74, %dma_start3A_75] : memref<50048x8xf32, #tpu.memory_space<vmem_shared>> -> memref<50048x8xf32, #tpu.memory_space<vmem_shared>>
      tpu.enqueue_indirect_dma source(%arg7 : memref<128x8xf32, #tpu.memory_space<vmem>>) target(%dma_start3A_76 : memref<50048x8xf32, #tpu.memory_space<vmem_shared>>) offsets(%dma_start3A_73 : memref<128xi32, #tpu.memory_space<vmem>>) semaphore(%arg8 : memref<!tpu.dma_semaphore, #tpu.memory_space<semaphore_mem>>) {add = true}
      %eq3A = arith.constant 2 : i32
      %eq3A_77 = arith.cmpi eq, %scan3A_55, %eq3A : i32
      %add3A_78 = arith.constant 1 : i32
      %add3A_79 = arith.addi %scan3A_55, %add3A_78 : i32
      %jit3A = arith.constant 0 : i32
      %select_n3A = arith.select %eq3A_77, %jit3A, %add3A_79 : i32
      scf.yield %scan3A_55, %select_n3A : i32, i32
    }
    %scan3A_16 = arith.constant 99 : i32
    %dma_wait3A = arith.constant 2 : i32
    %dma_wait3A_17 = arith.constant 0 : i32
    %dma_wait3A_18 = arith.constant 0 : i32
    %dma_wait3A_19 = tpu.memref_slice %arg6[%dma_wait3A, %dma_wait3A_17, %dma_wait3A_18] : memref<3x2x128xi32, #tpu.memory_space<vmem>> -> memref<1x1x128xi32, #tpu.memory_space<vmem>>
    %dma_wait3A_20 = tpu.memref_squeeze %dma_wait3A_19 : memref<1x1x128xi32, #tpu.memory_space<vmem>> -> memref<128xi32, #tpu.memory_space<vmem>>
    %dma_wait3A_21 = arith.constant 0 : i32
    %dma_wait3A_22 = arith.constant 0 : i32
    %dma_wait3A_23 = tpu.memref_slice %arg5[%dma_wait3A_21, %dma_wait3A_22] : memref<50048x8xf32, #tpu.memory_space<vmem_shared>> -> memref<50048x8xf32, #tpu.memory_space<vmem_shared>>
    tpu.wait_indirect_dma semaphore(%arg8 : memref<!tpu.dma_semaphore, #tpu.memory_space<semaphore_mem>>) src(%arg7 : memref<128x8xf32, #tpu.memory_space<vmem>>) dst(%dma_wait3A_23 : memref<50048x8xf32, #tpu.memory_space<vmem_shared>>)
    %dma_wait3A_24 = arith.constant 2 : i32
    %dma_wait3A_25 = arith.constant 1 : i32
    %dma_wait3A_26 = arith.constant 0 : i32
    %dma_wait3A_27 = tpu.memref_slice %arg6[%dma_wait3A_24, %dma_wait3A_25, %dma_wait3A_26] : memref<3x2x128xi32, #tpu.memory_space<vmem>> -> memref<1x1x128xi32, #tpu.memory_space<vmem>>
    %dma_wait3A_28 = tpu.memref_squeeze %dma_wait3A_27 : memref<1x1x128xi32, #tpu.memory_space<vmem>> -> memref<128xi32, #tpu.memory_space<vmem>>
    %dma_wait3A_29 = arith.constant 0 : i32
    %dma_wait3A_30 = arith.constant 0 : i32
    %dma_wait3A_31 = tpu.memref_slice %arg5[%dma_wait3A_29, %dma_wait3A_30] : memref<50048x8xf32, #tpu.memory_space<vmem_shared>> -> memref<50048x8xf32, #tpu.memory_space<vmem_shared>>
    tpu.wait_indirect_dma semaphore(%arg8 : memref<!tpu.dma_semaphore, #tpu.memory_space<semaphore_mem>>) src(%arg7 : memref<128x8xf32, #tpu.memory_space<vmem>>) dst(%dma_wait3A_31 : memref<50048x8xf32, #tpu.memory_space<vmem_shared>>)
    %dma_wait3A_32 = arith.constant 1 : i32
    %dma_wait3A_33 = arith.constant 0 : i32
    %dma_wait3A_34 = arith.constant 0 : i32
    %dma_wait3A_35 = tpu.memref_slice %arg6[%dma_wait3A_32, %dma_wait3A_33, %dma_wait3A_34] : memref<3x2x128xi32, #tpu.memory_space<vmem>> -> memref<1x1x128xi32, #tpu.memory_space<vmem>>
    %dma_wait3A_36 = tpu.memref_squeeze %dma_wait3A_35 : memref<1x1x128xi32, #tpu.memory_space<vmem>> -> memref<128xi32, #tpu.memory_space<vmem>>
    %dma_wait3A_37 = arith.constant 0 : i32
    %dma_wait3A_38 = arith.constant 0 : i32
    %dma_wait3A_39 = tpu.memref_slice %arg5[%dma_wait3A_37, %dma_wait3A_38] : memref<50048x8xf32, #tpu.memory_space<vmem_shared>> -> memref<50048x8xf32, #tpu.memory_space<vmem_shared>>
    tpu.wait_indirect_dma semaphore(%arg8 : memref<!tpu.dma_semaphore, #tpu.memory_space<semaphore_mem>>) src(%arg7 : memref<128x8xf32, #tpu.memory_space<vmem>>) dst(%dma_wait3A_39 : memref<50048x8xf32, #tpu.memory_space<vmem_shared>>)
    %dma_wait3A_40 = arith.constant 1 : i32
    %dma_wait3A_41 = arith.constant 1 : i32
    %dma_wait3A_42 = arith.constant 0 : i32
    %dma_wait3A_43 = tpu.memref_slice %arg6[%dma_wait3A_40, %dma_wait3A_41, %dma_wait3A_42] : memref<3x2x128xi32, #tpu.memory_space<vmem>> -> memref<1x1x128xi32, #tpu.memory_space<vmem>>
    %dma_wait3A_44 = tpu.memref_squeeze %dma_wait3A_43 : memref<1x1x128xi32, #tpu.memory_space<vmem>> -> memref<128xi32, #tpu.memory_space<vmem>>
    %dma_wait3A_45 = arith.constant 0 : i32
    %dma_wait3A_46 = arith.constant 0 : i32
    %dma_wait3A_47 = tpu.memref_slice %arg5[%dma_wait3A_45, %dma_wait3A_46] : memref<50048x8xf32, #tpu.memory_space<vmem_shared>> -> memref<50048x8xf32, #tpu.memory_space<vmem_shared>>
    tpu.wait_indirect_dma semaphore(%arg8 : memref<!tpu.dma_semaphore, #tpu.memory_space<semaphore_mem>>) src(%arg7 : memref<128x8xf32, #tpu.memory_space<vmem>>) dst(%dma_wait3A_47 : memref<50048x8xf32, #tpu.memory_space<vmem_shared>>)
    %barrier3A_48 = arith.constant 0 : index
    tpu.barrier barrier_id(%barrier3A_48)
    %mul3A_49 = arith.constant 3128 : i32
    %mul3A_50 = arith.muli %arg1, %mul3A_49 : i32
    %mul3A_51 = arith.constant 3128 : i32
    %mul3A_52 = arith.muli %arg1, %mul3A_51 : i32
    "tpu.region"() ({
      %run_scoped3A_53 = tpu.sem_alloc : memref<!tpu.dma_semaphore, #tpu.memory_space<semaphore_mem>>
      %dma_start3A = arith.constant 0 : i32
      %dma_start3A_54 = tpu.memref_slice %arg4[%arg0, %mul3A_52, %dma_start3A] : memref<2x50048x8xf32, #tpu.memory_space<hbm>> -> memref<1x3128x8xf32, #tpu.memory_space<hbm>>
      %dma_start3A_55 = tpu.memref_squeeze %dma_start3A_54 : memref<1x3128x8xf32, #tpu.memory_space<hbm>> -> memref<3128x8xf32, #tpu.memory_space<hbm>>
      %dma_start3A_56 = arith.constant 0 : i32
      %dma_start3A_57 = tpu.memref_slice %arg5[%mul3A_50, %dma_start3A_56] : memref<50048x8xf32, #tpu.memory_space<vmem_shared>> -> memref<3128x8xf32, #tpu.memory_space<vmem_shared>>
      tpu.enqueue_dma source(%dma_start3A_57 : memref<3128x8xf32, #tpu.memory_space<vmem_shared>>) target(%dma_start3A_55 : memref<3128x8xf32, #tpu.memory_space<hbm>>) target_semaphore(%run_scoped3A_53 : memref<!tpu.dma_semaphore, #tpu.memory_space<semaphore_mem>>)
      %dma_wait3A_58 = arith.constant 0 : i32
      %dma_wait3A_59 = tpu.memref_slice %arg4[%arg0, %mul3A_52, %dma_wait3A_58] : memref<2x50048x8xf32, #tpu.memory_space<hbm>> -> memref<1x3128x8xf32, #tpu.memory_space<hbm>>
      %dma_wait3A_60 = tpu.memref_squeeze %dma_wait3A_59 : memref<1x3128x8xf32, #tpu.memory_space<hbm>> -> memref<3128x8xf32, #tpu.memory_space<hbm>>
      %dma_wait3A_61 = arith.constant 0 : i32
      %dma_wait3A_62 = tpu.memref_slice %arg5[%mul3A_50, %dma_wait3A_61] : memref<50048x8xf32, #tpu.memory_space<vmem_shared>> -> memref<3128x8xf32, #tpu.memory_space<vmem_shared>>
      tpu.wait_dma2 semaphore(%run_scoped3A_53 : memref<!tpu.dma_semaphore, #tpu.memory_space<semaphore_mem>>) src(%dma_wait3A_62 : memref<3128x8xf32, #tpu.memory_space<vmem_shared>>) dst(%dma_wait3A_60 : memref<3128x8xf32, #tpu.memory_space<hbm>>)
      tpu.yield
    }) : () -> ()
    return
  }
}

#map = affine_map<(d0, d1) -> (0, 0)>
#map1 = affine_map<(d0, d1) -> (0, 0, 0)>
module attributes {stable_mosaic.version = 14 : i64} {
  func.func @_agg_body(%arg0: i32, %arg1: i32, %arg2: memref<100096x32xf32, #tpu.memory_space<hbm>>, %arg3: memref<2x6336x128xi32, #tpu.memory_space<hbm>>, %arg4: memref<100096x32xf32, #tpu.memory_space<hbm>>, %arg5: memref<50048x32xf32, #tpu.memory_space<vmem_shared>>, %arg6: memref<3x2x2x128xi32, #tpu.memory_space<vmem>>, %arg7: memref<3x2x128x32xf32, #tpu.memory_space<vmem>>, %arg8: memref<!tpu.dma_semaphore, #tpu.memory_space<semaphore_mem>>, %arg9: memref<!tpu.dma_semaphore, #tpu.memory_space<semaphore_mem>>) attributes {dimension_semantics = [#tpu.dimension_semantics<core_parallel>, #tpu.dimension_semantics<subcore_parallel>], iteration_bounds = array<i64: 2, 16>, scalar_prefetch = 0 : i64, scratch_operands = 5 : i64, tpu.core_type = #tpu.core_type<sc_vector_subcore>, window_params = [{transform_indices = #map}, {transform_indices = #map1}, {transform_indices = #map}]} {
    %mul3A = arith.constant 396 : i32
    %mul3A_0 = arith.muli %arg1, %mul3A : i32
    %add3A = arith.constant 0 : i32
    %add3A_1 = arith.addi %arg0, %add3A : i32
    %mul3A_2 = arith.constant 50048 : i32
    %mul3A_3 = arith.muli %add3A_1, %mul3A_2 : i32
    %mul3A_4 = arith.constant 3128 : i32
    %mul3A_5 = arith.muli %arg1, %mul3A_4 : i32
    %add3A_6 = arith.addi %mul3A_3, %mul3A_5 : i32
    %mul3A_7 = arith.constant 3128 : i32
    %mul3A_8 = arith.muli %arg1, %mul3A_7 : i32
    %dma_start3A = arith.constant 0 : i32
    %dma_start3A_9 = tpu.memref_slice %arg5[%mul3A_8, %dma_start3A] : memref<50048x32xf32, #tpu.memory_space<vmem_shared>> -> memref<3128x32xf32, #tpu.memory_space<vmem_shared>>
    %dma_start3A_10 = arith.constant 0 : i32
    %dma_start3A_11 = tpu.memref_slice %arg2[%add3A_6, %dma_start3A_10] : memref<100096x32xf32, #tpu.memory_space<hbm>> -> memref<3128x32xf32, #tpu.memory_space<hbm>>
    tpu.enqueue_dma source(%dma_start3A_11 : memref<3128x32xf32, #tpu.memory_space<hbm>>) target(%dma_start3A_9 : memref<3128x32xf32, #tpu.memory_space<vmem_shared>>) target_semaphore(%arg8 : memref<!tpu.dma_semaphore, #tpu.memory_space<semaphore_mem>>)
    %add3A_12 = arith.constant 0 : i32
    %add3A_13 = arith.addi %mul3A_0, %add3A_12 : i32
    %run_scoped3A = arith.constant 0 : i32
    "tpu.region"() ({
      %run_scoped3A_125 = tpu.sem_alloc : memref<!tpu.dma_semaphore, #tpu.memory_space<semaphore_mem>>
      %dma_start3A_126 = arith.constant 0 : i32
      %dma_start3A_127 = arith.constant 0 : i32
      %dma_start3A_128 = arith.constant 0 : i32
      %dma_start3A_129 = tpu.memref_slice %arg6[%run_scoped3A, %dma_start3A_126, %dma_start3A_127, %dma_start3A_128] : memref<3x2x2x128xi32, #tpu.memory_space<vmem>> -> memref<1x2x2x128xi32, #tpu.memory_space<vmem>>
      %dma_start3A_130 = tpu.memref_squeeze %dma_start3A_129 : memref<1x2x2x128xi32, #tpu.memory_space<vmem>> -> memref<2x2x128xi32, #tpu.memory_space<vmem>>
      %dma_start3A_131 = arith.constant 0 : i32
      %dma_start3A_132 = arith.constant 0 : i32
      %dma_start3A_133 = tpu.memref_slice %arg3[%dma_start3A_131, %add3A_13, %dma_start3A_132] : memref<2x6336x128xi32, #tpu.memory_space<hbm>> -> memref<2x2x128xi32, #tpu.memory_space<hbm>>
      %dma_start3A_134 = arith.constant 0 : i32
      %dma_start3A_135 = arith.constant 0 : i32
      %dma_start3A_136 = arith.constant 0 : i32
      %dma_start3A_137 = tpu.memref_slice %arg6[%run_scoped3A, %dma_start3A_134, %dma_start3A_135, %dma_start3A_136] : memref<3x2x2x128xi32, #tpu.memory_space<vmem>> -> memref<1x2x2x128xi32, #tpu.memory_space<vmem>>
      %dma_start3A_138 = tpu.memref_squeeze %dma_start3A_137 : memref<1x2x2x128xi32, #tpu.memory_space<vmem>> -> memref<2x2x128xi32, #tpu.memory_space<vmem>>
      %dma_start3A_139 = arith.constant 0 : i32
      %dma_start3A_140 = arith.constant 0 : i32
      %dma_start3A_141 = tpu.memref_slice %arg3[%dma_start3A_139, %add3A_13, %dma_start3A_140] : memref<2x6336x128xi32, #tpu.memory_space<hbm>> -> memref<2x2x128xi32, #tpu.memory_space<hbm>>
      tpu.enqueue_dma source(%dma_start3A_141 : memref<2x2x128xi32, #tpu.memory_space<hbm>>) target(%dma_start3A_138 : memref<2x2x128xi32, #tpu.memory_space<vmem>>) target_semaphore(%run_scoped3A_125 : memref<!tpu.dma_semaphore, #tpu.memory_space<semaphore_mem>>)
      %dma_wait3A_142 = arith.constant 0 : i32
      %dma_wait3A_143 = arith.constant 0 : i32
      %dma_wait3A_144 = arith.constant 0 : i32
      %dma_wait3A_145 = tpu.memref_slice %arg6[%run_scoped3A, %dma_wait3A_142, %dma_wait3A_143, %dma_wait3A_144] : memref<3x2x2x128xi32, #tpu.memory_space<vmem>> -> memref<1x2x2x128xi32, #tpu.memory_space<vmem>>
      %dma_wait3A_146 = tpu.memref_squeeze %dma_wait3A_145 : memref<1x2x2x128xi32, #tpu.memory_space<vmem>> -> memref<2x2x128xi32, #tpu.memory_space<vmem>>
      %dma_wait3A_147 = arith.constant 0 : i32
      %dma_wait3A_148 = arith.constant 0 : i32
      %dma_wait3A_149 = tpu.memref_slice %arg3[%dma_wait3A_147, %add3A_13, %dma_wait3A_148] : memref<2x6336x128xi32, #tpu.memory_space<hbm>> -> memref<2x2x128xi32, #tpu.memory_space<hbm>>
      %dma_wait3A_150 = arith.constant 0 : i32
      %dma_wait3A_151 = arith.constant 0 : i32
      %dma_wait3A_152 = arith.constant 0 : i32
      %dma_wait3A_153 = tpu.memref_slice %arg6[%run_scoped3A, %dma_wait3A_150, %dma_wait3A_151, %dma_wait3A_152] : memref<3x2x2x128xi32, #tpu.memory_space<vmem>> -> memref<1x2x2x128xi32, #tpu.memory_space<vmem>>
      %dma_wait3A_154 = tpu.memref_squeeze %dma_wait3A_153 : memref<1x2x2x128xi32, #tpu.memory_space<vmem>> -> memref<2x2x128xi32, #tpu.memory_space<vmem>>
      %dma_wait3A_155 = arith.constant 0 : i32
      %dma_wait3A_156 = arith.constant 0 : i32
      %dma_wait3A_157 = tpu.memref_slice %arg3[%dma_wait3A_155, %add3A_13, %dma_wait3A_156] : memref<2x6336x128xi32, #tpu.memory_space<hbm>> -> memref<2x2x128xi32, #tpu.memory_space<hbm>>
      tpu.wait_dma2 semaphore(%run_scoped3A_125 : memref<!tpu.dma_semaphore, #tpu.memory_space<semaphore_mem>>) src(%dma_wait3A_157 : memref<2x2x128xi32, #tpu.memory_space<hbm>>) dst(%dma_wait3A_154 : memref<2x2x128xi32, #tpu.memory_space<vmem>>)
      tpu.yield
    }) : () -> ()
    %dma_start3A_14 = arith.constant 0 : i32
    %dma_start3A_15 = arith.constant 0 : i32
    %dma_start3A_16 = arith.constant 0 : i32
    %dma_start3A_17 = arith.constant 0 : i32
    %dma_start3A_18 = arith.constant 0 : i32
    %dma_start3A_19 = arith.constant 0 : i32
    %dma_start3A_20 = arith.constant 0 : i32
    %dma_start3A_21 = tpu.memref_slice %arg7[%dma_start3A_17, %dma_start3A_18, %dma_start3A_19, %dma_start3A_20] : memref<3x2x128x32xf32, #tpu.memory_space<vmem>> -> memref<1x1x128x32xf32, #tpu.memory_space<vmem>>
    %dma_start3A_22 = tpu.memref_squeeze %dma_start3A_21 : memref<1x1x128x32xf32, #tpu.memory_space<vmem>> -> memref<128x32xf32, #tpu.memory_space<vmem>>
    %dma_start3A_23 = arith.constant 0 : i32
    %dma_start3A_24 = tpu.memref_slice %arg6[%dma_start3A_14, %dma_start3A_15, %dma_start3A_16, %dma_start3A_23] : memref<3x2x2x128xi32, #tpu.memory_space<vmem>> -> memref<1x1x1x128xi32, #tpu.memory_space<vmem>>
    %dma_start3A_25 = tpu.memref_squeeze %dma_start3A_24 : memref<1x1x1x128xi32, #tpu.memory_space<vmem>> -> memref<128xi32, #tpu.memory_space<vmem>>
    %dma_start3A_26 = arith.constant 0 : i32
    %dma_start3A_27 = tpu.memref_slice %arg2[%mul3A_3, %dma_start3A_26] : memref<100096x32xf32, #tpu.memory_space<hbm>> -> memref<50048x32xf32, #tpu.memory_space<hbm>>
    %dma_start3A_28 = arith.constant 0 : i32
    %dma_start3A_29 = arith.constant 0 : i32
    %dma_start3A_30 = tpu.memref_slice %dma_start3A_27[%dma_start3A_28, %dma_start3A_29] : memref<50048x32xf32, #tpu.memory_space<hbm>> -> memref<50048x32xf32, #tpu.memory_space<hbm>>
    tpu.enqueue_indirect_dma source(%dma_start3A_30 : memref<50048x32xf32, #tpu.memory_space<hbm>>) target(%dma_start3A_22 : memref<128x32xf32, #tpu.memory_space<vmem>>) offsets(%dma_start3A_25 : memref<128xi32, #tpu.memory_space<vmem>>) semaphore(%arg8 : memref<!tpu.dma_semaphore, #tpu.memory_space<semaphore_mem>>)
    %dma_start3A_31 = arith.constant 0 : i32
    %dma_start3A_32 = arith.constant 0 : i32
    %dma_start3A_33 = arith.constant 1 : i32
    %dma_start3A_34 = arith.constant 0 : i32
    %dma_start3A_35 = arith.constant 1 : i32
    %dma_start3A_36 = arith.constant 0 : i32
    %dma_start3A_37 = arith.constant 0 : i32
    %dma_start3A_38 = tpu.memref_slice %arg7[%dma_start3A_34, %dma_start3A_35, %dma_start3A_36, %dma_start3A_37] : memref<3x2x128x32xf32, #tpu.memory_space<vmem>> -> memref<1x1x128x32xf32, #tpu.memory_space<vmem>>
    %dma_start3A_39 = tpu.memref_squeeze %dma_start3A_38 : memref<1x1x128x32xf32, #tpu.memory_space<vmem>> -> memref<128x32xf32, #tpu.memory_space<vmem>>
    %dma_start3A_40 = arith.constant 0 : i32
    %dma_start3A_41 = tpu.memref_slice %arg6[%dma_start3A_31, %dma_start3A_32, %dma_start3A_33, %dma_start3A_40] : memref<3x2x2x128xi32, #tpu.memory_space<vmem>> -> memref<1x1x1x128xi32, #tpu.memory_space<vmem>>
    %dma_start3A_42 = tpu.memref_squeeze %dma_start3A_41 : memref<1x1x1x128xi32, #tpu.memory_space<vmem>> -> memref<128xi32, #tpu.memory_space<vmem>>
    %dma_start3A_43 = arith.constant 0 : i32
    %dma_start3A_44 = tpu.memref_slice %arg2[%mul3A_3, %dma_start3A_43] : memref<100096x32xf32, #tpu.memory_space<hbm>> -> memref<50048x32xf32, #tpu.memory_space<hbm>>
    %dma_start3A_45 = arith.constant 0 : i32
    %dma_start3A_46 = arith.constant 0 : i32
    %dma_start3A_47 = tpu.memref_slice %dma_start3A_44[%dma_start3A_45, %dma_start3A_46] : memref<50048x32xf32, #tpu.memory_space<hbm>> -> memref<50048x32xf32, #tpu.memory_space<hbm>>
    tpu.enqueue_indirect_dma source(%dma_start3A_47 : memref<50048x32xf32, #tpu.memory_space<hbm>>) target(%dma_start3A_39 : memref<128x32xf32, #tpu.memory_space<vmem>>) offsets(%dma_start3A_42 : memref<128xi32, #tpu.memory_space<vmem>>) semaphore(%arg8 : memref<!tpu.dma_semaphore, #tpu.memory_space<semaphore_mem>>)
    %dma_wait3A = arith.constant 0 : i32
    %dma_wait3A_48 = tpu.memref_slice %arg5[%mul3A_8, %dma_wait3A] : memref<50048x32xf32, #tpu.memory_space<vmem_shared>> -> memref<3128x32xf32, #tpu.memory_space<vmem_shared>>
    %dma_wait3A_49 = arith.constant 0 : i32
    %dma_wait3A_50 = tpu.memref_slice %arg2[%add3A_6, %dma_wait3A_49] : memref<100096x32xf32, #tpu.memory_space<hbm>> -> memref<3128x32xf32, #tpu.memory_space<hbm>>
    tpu.wait_dma2 semaphore(%arg8 : memref<!tpu.dma_semaphore, #tpu.memory_space<semaphore_mem>>) src(%dma_wait3A_50 : memref<3128x32xf32, #tpu.memory_space<hbm>>) dst(%dma_wait3A_48 : memref<3128x32xf32, #tpu.memory_space<vmem_shared>>)
    %barrier3A = arith.constant 0 : index
    tpu.barrier barrier_id(%barrier3A)
    %scan3A = arith.constant 0 : i32
    %scan3A_51 = arith.constant 1 : i32
    %scan3A_52 = arith.constant 0 : i32
    %scan3A_53 = arith.constant 198 : i32
    %scan3A_54 = arith.addi %scan3A_52, %scan3A_53 : i32
    %scan3A_55 = arith.constant 1 : i32
    %scan3A_56:2 = scf.for %scan3A_125 = %scan3A_52 to %scan3A_54 step %scan3A_55 iter_args(%scan3A_126 = %scan3A, %scan3A_127 = %scan3A_51) -> (i32, i32)  : i32 {
      %ge3A = arith.constant 2 : i32
      %ge3A_128 = arith.cmpi sge, %scan3A_125, %ge3A : i32
      %convert_element_type3A = arith.extui %ge3A_128 : i1 to i32
      %cond3A = arith.constant 0 : i32
      %cond3A_129 = arith.cmpi ne, %convert_element_type3A, %cond3A : i32
      scf.if %cond3A_129 {
        %dma_wait3A_195 = arith.constant 0 : i32
        %dma_wait3A_196 = arith.constant 1 : i32
        %dma_wait3A_197 = arith.constant 0 : i32
        %dma_wait3A_198 = arith.constant 0 : i32
        %dma_wait3A_199 = arith.constant 0 : i32
        %dma_wait3A_200 = tpu.memref_slice %arg7[%scan3A_127, %dma_wait3A_195, %dma_wait3A_198, %dma_wait3A_199] : memref<3x2x128x32xf32, #tpu.memory_space<vmem>> -> memref<1x1x128x32xf32, #tpu.memory_space<vmem>>
        %dma_wait3A_201 = tpu.memref_squeeze %dma_wait3A_200 : memref<1x1x128x32xf32, #tpu.memory_space<vmem>> -> memref<128x32xf32, #tpu.memory_space<vmem>>
        %dma_wait3A_202 = arith.constant 0 : i32
        %dma_wait3A_203 = tpu.memref_slice %arg6[%scan3A_127, %dma_wait3A_196, %dma_wait3A_197, %dma_wait3A_202] : memref<3x2x2x128xi32, #tpu.memory_space<vmem>> -> memref<1x1x1x128xi32, #tpu.memory_space<vmem>>
        %dma_wait3A_204 = tpu.memref_squeeze %dma_wait3A_203 : memref<1x1x1x128xi32, #tpu.memory_space<vmem>> -> memref<128xi32, #tpu.memory_space<vmem>>
        %dma_wait3A_205 = arith.constant 0 : i32
        %dma_wait3A_206 = arith.constant 0 : i32
        %dma_wait3A_207 = tpu.memref_slice %arg5[%dma_wait3A_205, %dma_wait3A_206] : memref<50048x32xf32, #tpu.memory_space<vmem_shared>> -> memref<50048x32xf32, #tpu.memory_space<vmem_shared>>
        tpu.wait_indirect_dma semaphore(%arg9 : memref<!tpu.dma_semaphore, #tpu.memory_space<semaphore_mem>>) src(%dma_wait3A_201 : memref<128x32xf32, #tpu.memory_space<vmem>>) dst(%dma_wait3A_207 : memref<50048x32xf32, #tpu.memory_space<vmem_shared>>)
        %dma_wait3A_208 = arith.constant 1 : i32
        %dma_wait3A_209 = arith.constant 1 : i32
        %dma_wait3A_210 = arith.constant 1 : i32
        %dma_wait3A_211 = arith.constant 0 : i32
        %dma_wait3A_212 = arith.constant 0 : i32
        %dma_wait3A_213 = tpu.memref_slice %arg7[%scan3A_127, %dma_wait3A_208, %dma_wait3A_211, %dma_wait3A_212] : memref<3x2x128x32xf32, #tpu.memory_space<vmem>> -> memref<1x1x128x32xf32, #tpu.memory_space<vmem>>
        %dma_wait3A_214 = tpu.memref_squeeze %dma_wait3A_213 : memref<1x1x128x32xf32, #tpu.memory_space<vmem>> -> memref<128x32xf32, #tpu.memory_space<vmem>>
        %dma_wait3A_215 = arith.constant 0 : i32
        %dma_wait3A_216 = tpu.memref_slice %arg6[%scan3A_127, %dma_wait3A_209, %dma_wait3A_210, %dma_wait3A_215] : memref<3x2x2x128xi32, #tpu.memory_space<vmem>> -> memref<1x1x1x128xi32, #tpu.memory_space<vmem>>
        %dma_wait3A_217 = tpu.memref_squeeze %dma_wait3A_216 : memref<1x1x1x128xi32, #tpu.memory_space<vmem>> -> memref<128xi32, #tpu.memory_space<vmem>>
        %dma_wait3A_218 = arith.constant 0 : i32
        %dma_wait3A_219 = arith.constant 0 : i32
        %dma_wait3A_220 = tpu.memref_slice %arg5[%dma_wait3A_218, %dma_wait3A_219] : memref<50048x32xf32, #tpu.memory_space<vmem_shared>> -> memref<50048x32xf32, #tpu.memory_space<vmem_shared>>
        tpu.wait_indirect_dma semaphore(%arg9 : memref<!tpu.dma_semaphore, #tpu.memory_space<semaphore_mem>>) src(%dma_wait3A_214 : memref<128x32xf32, #tpu.memory_space<vmem>>) dst(%dma_wait3A_220 : memref<50048x32xf32, #tpu.memory_space<vmem_shared>>)
      } else {
      }
      %add3A_130 = arith.constant 1 : i32
      %add3A_131 = arith.addi %scan3A_125, %add3A_130 : i32
      %lt3A = arith.constant 198 : i32
      %lt3A_132 = arith.cmpi slt, %add3A_131, %lt3A : i32
      %convert_element_type3A_133 = arith.extui %lt3A_132 : i1 to i32
      %cond3A_134 = arith.constant 0 : i32
      %cond3A_135 = arith.cmpi ne, %convert_element_type3A_133, %cond3A_134 : i32
      scf.if %cond3A_135 {
        %add3A_195 = arith.constant 1 : i32
        %add3A_196 = arith.addi %scan3A_125, %add3A_195 : i32
        %mul3A_197 = arith.constant 2 : i32
        %mul3A_198 = arith.muli %add3A_196, %mul3A_197 : i32
        %add3A_199 = arith.addi %mul3A_0, %mul3A_198 : i32
        "tpu.region"() ({
          %run_scoped3A_230 = tpu.sem_alloc : memref<!tpu.dma_semaphore, #tpu.memory_space<semaphore_mem>>
          %dma_start3A_231 = arith.constant 0 : i32
          %dma_start3A_232 = arith.constant 0 : i32
          %dma_start3A_233 = arith.constant 0 : i32
          %dma_start3A_234 = tpu.memref_slice %arg6[%scan3A_127, %dma_start3A_231, %dma_start3A_232, %dma_start3A_233] : memref<3x2x2x128xi32, #tpu.memory_space<vmem>> -> memref<1x2x2x128xi32, #tpu.memory_space<vmem>>
          %dma_start3A_235 = tpu.memref_squeeze %dma_start3A_234 : memref<1x2x2x128xi32, #tpu.memory_space<vmem>> -> memref<2x2x128xi32, #tpu.memory_space<vmem>>
          %dma_start3A_236 = arith.constant 0 : i32
          %dma_start3A_237 = arith.constant 0 : i32
          %dma_start3A_238 = tpu.memref_slice %arg3[%dma_start3A_236, %add3A_199, %dma_start3A_237] : memref<2x6336x128xi32, #tpu.memory_space<hbm>> -> memref<2x2x128xi32, #tpu.memory_space<hbm>>
          %dma_start3A_239 = arith.constant 0 : i32
          %dma_start3A_240 = arith.constant 0 : i32
          %dma_start3A_241 = arith.constant 0 : i32
          %dma_start3A_242 = tpu.memref_slice %arg6[%scan3A_127, %dma_start3A_239, %dma_start3A_240, %dma_start3A_241] : memref<3x2x2x128xi32, #tpu.memory_space<vmem>> -> memref<1x2x2x128xi32, #tpu.memory_space<vmem>>
          %dma_start3A_243 = tpu.memref_squeeze %dma_start3A_242 : memref<1x2x2x128xi32, #tpu.memory_space<vmem>> -> memref<2x2x128xi32, #tpu.memory_space<vmem>>
          %dma_start3A_244 = arith.constant 0 : i32
          %dma_start3A_245 = arith.constant 0 : i32
          %dma_start3A_246 = tpu.memref_slice %arg3[%dma_start3A_244, %add3A_199, %dma_start3A_245] : memref<2x6336x128xi32, #tpu.memory_space<hbm>> -> memref<2x2x128xi32, #tpu.memory_space<hbm>>
          tpu.enqueue_dma source(%dma_start3A_246 : memref<2x2x128xi32, #tpu.memory_space<hbm>>) target(%dma_start3A_243 : memref<2x2x128xi32, #tpu.memory_space<vmem>>) target_semaphore(%run_scoped3A_230 : memref<!tpu.dma_semaphore, #tpu.memory_space<semaphore_mem>>)
          %dma_wait3A_247 = arith.constant 0 : i32
          %dma_wait3A_248 = arith.constant 0 : i32
          %dma_wait3A_249 = arith.constant 0 : i32
          %dma_wait3A_250 = tpu.memref_slice %arg6[%scan3A_127, %dma_wait3A_247, %dma_wait3A_248, %dma_wait3A_249] : memref<3x2x2x128xi32, #tpu.memory_space<vmem>> -> memref<1x2x2x128xi32, #tpu.memory_space<vmem>>
          %dma_wait3A_251 = tpu.memref_squeeze %dma_wait3A_250 : memref<1x2x2x128xi32, #tpu.memory_space<vmem>> -> memref<2x2x128xi32, #tpu.memory_space<vmem>>
          %dma_wait3A_252 = arith.constant 0 : i32
          %dma_wait3A_253 = arith.constant 0 : i32
          %dma_wait3A_254 = tpu.memref_slice %arg3[%dma_wait3A_252, %add3A_199, %dma_wait3A_253] : memref<2x6336x128xi32, #tpu.memory_space<hbm>> -> memref<2x2x128xi32, #tpu.memory_space<hbm>>
          %dma_wait3A_255 = arith.constant 0 : i32
          %dma_wait3A_256 = arith.constant 0 : i32
          %dma_wait3A_257 = arith.constant 0 : i32
          %dma_wait3A_258 = tpu.memref_slice %arg6[%scan3A_127, %dma_wait3A_255, %dma_wait3A_256, %dma_wait3A_257] : memref<3x2x2x128xi32, #tpu.memory_space<vmem>> -> memref<1x2x2x128xi32, #tpu.memory_space<vmem>>
          %dma_wait3A_259 = tpu.memref_squeeze %dma_wait3A_258 : memref<1x2x2x128xi32, #tpu.memory_space<vmem>> -> memref<2x2x128xi32, #tpu.memory_space<vmem>>
          %dma_wait3A_260 = arith.constant 0 : i32
          %dma_wait3A_261 = arith.constant 0 : i32
          %dma_wait3A_262 = tpu.memref_slice %arg3[%dma_wait3A_260, %add3A_199, %dma_wait3A_261] : memref<2x6336x128xi32, #tpu.memory_space<hbm>> -> memref<2x2x128xi32, #tpu.memory_space<hbm>>
          tpu.wait_dma2 semaphore(%run_scoped3A_230 : memref<!tpu.dma_semaphore, #tpu.memory_space<semaphore_mem>>) src(%dma_wait3A_262 : memref<2x2x128xi32, #tpu.memory_space<hbm>>) dst(%dma_wait3A_259 : memref<2x2x128xi32, #tpu.memory_space<vmem>>)
          tpu.yield
        }) : () -> ()
        %dma_start3A_200 = arith.constant 0 : i32
        %dma_start3A_201 = arith.constant 0 : i32
        %dma_start3A_202 = arith.constant 0 : i32
        %dma_start3A_203 = arith.constant 0 : i32
        %dma_start3A_204 = arith.constant 0 : i32
        %dma_start3A_205 = tpu.memref_slice %arg7[%scan3A_127, %dma_start3A_202, %dma_start3A_203, %dma_start3A_204] : memref<3x2x128x32xf32, #tpu.memory_space<vmem>> -> memref<1x1x128x32xf32, #tpu.memory_space<vmem>>
        %dma_start3A_206 = tpu.memref_squeeze %dma_start3A_205 : memref<1x1x128x32xf32, #tpu.memory_space<vmem>> -> memref<128x32xf32, #tpu.memory_space<vmem>>
        %dma_start3A_207 = arith.constant 0 : i32
        %dma_start3A_208 = tpu.memref_slice %arg6[%scan3A_127, %dma_start3A_200, %dma_start3A_201, %dma_start3A_207] : memref<3x2x2x128xi32, #tpu.memory_space<vmem>> -> memref<1x1x1x128xi32, #tpu.memory_space<vmem>>
        %dma_start3A_209 = tpu.memref_squeeze %dma_start3A_208 : memref<1x1x1x128xi32, #tpu.memory_space<vmem>> -> memref<128xi32, #tpu.memory_space<vmem>>
        %dma_start3A_210 = arith.constant 0 : i32
        %dma_start3A_211 = tpu.memref_slice %arg2[%mul3A_3, %dma_start3A_210] : memref<100096x32xf32, #tpu.memory_space<hbm>> -> memref<50048x32xf32, #tpu.memory_space<hbm>>
        %dma_start3A_212 = arith.constant 0 : i32
        %dma_start3A_213 = arith.constant 0 : i32
        %dma_start3A_214 = tpu.memref_slice %dma_start3A_211[%dma_start3A_212, %dma_start3A_213] : memref<50048x32xf32, #tpu.memory_space<hbm>> -> memref<50048x32xf32, #tpu.memory_space<hbm>>
        tpu.enqueue_indirect_dma source(%dma_start3A_214 : memref<50048x32xf32, #tpu.memory_space<hbm>>) target(%dma_start3A_206 : memref<128x32xf32, #tpu.memory_space<vmem>>) offsets(%dma_start3A_209 : memref<128xi32, #tpu.memory_space<vmem>>) semaphore(%arg8 : memref<!tpu.dma_semaphore, #tpu.memory_space<semaphore_mem>>)
        %dma_start3A_215 = arith.constant 0 : i32
        %dma_start3A_216 = arith.constant 1 : i32
        %dma_start3A_217 = arith.constant 1 : i32
        %dma_start3A_218 = arith.constant 0 : i32
        %dma_start3A_219 = arith.constant 0 : i32
        %dma_start3A_220 = tpu.memref_slice %arg7[%scan3A_127, %dma_start3A_217, %dma_start3A_218, %dma_start3A_219] : memref<3x2x128x32xf32, #tpu.memory_space<vmem>> -> memref<1x1x128x32xf32, #tpu.memory_space<vmem>>
        %dma_start3A_221 = tpu.memref_squeeze %dma_start3A_220 : memref<1x1x128x32xf32, #tpu.memory_space<vmem>> -> memref<128x32xf32, #tpu.memory_space<vmem>>
        %dma_start3A_222 = arith.constant 0 : i32
        %dma_start3A_223 = tpu.memref_slice %arg6[%scan3A_127, %dma_start3A_215, %dma_start3A_216, %dma_start3A_222] : memref<3x2x2x128xi32, #tpu.memory_space<vmem>> -> memref<1x1x1x128xi32, #tpu.memory_space<vmem>>
        %dma_start3A_224 = tpu.memref_squeeze %dma_start3A_223 : memref<1x1x1x128xi32, #tpu.memory_space<vmem>> -> memref<128xi32, #tpu.memory_space<vmem>>
        %dma_start3A_225 = arith.constant 0 : i32
        %dma_start3A_226 = tpu.memref_slice %arg2[%mul3A_3, %dma_start3A_225] : memref<100096x32xf32, #tpu.memory_space<hbm>> -> memref<50048x32xf32, #tpu.memory_space<hbm>>
        %dma_start3A_227 = arith.constant 0 : i32
        %dma_start3A_228 = arith.constant 0 : i32
        %dma_start3A_229 = tpu.memref_slice %dma_start3A_226[%dma_start3A_227, %dma_start3A_228] : memref<50048x32xf32, #tpu.memory_space<hbm>> -> memref<50048x32xf32, #tpu.memory_space<hbm>>
        tpu.enqueue_indirect_dma source(%dma_start3A_229 : memref<50048x32xf32, #tpu.memory_space<hbm>>) target(%dma_start3A_221 : memref<128x32xf32, #tpu.memory_space<vmem>>) offsets(%dma_start3A_224 : memref<128xi32, #tpu.memory_space<vmem>>) semaphore(%arg8 : memref<!tpu.dma_semaphore, #tpu.memory_space<semaphore_mem>>)
      } else {
      }
      %dma_wait3A_136 = arith.constant 0 : i32
      %dma_wait3A_137 = arith.constant 0 : i32
      %dma_wait3A_138 = arith.constant 0 : i32
      %dma_wait3A_139 = arith.constant 0 : i32
      %dma_wait3A_140 = arith.constant 0 : i32
      %dma_wait3A_141 = tpu.memref_slice %arg7[%scan3A_126, %dma_wait3A_138, %dma_wait3A_139, %dma_wait3A_140] : memref<3x2x128x32xf32, #tpu.memory_space<vmem>> -> memref<1x1x128x32xf32, #tpu.memory_space<vmem>>
      %dma_wait3A_142 = tpu.memref_squeeze %dma_wait3A_141 : memref<1x1x128x32xf32, #tpu.memory_space<vmem>> -> memref<128x32xf32, #tpu.memory_space<vmem>>
      %dma_wait3A_143 = arith.constant 0 : i32
      %dma_wait3A_144 = tpu.memref_slice %arg6[%scan3A_126, %dma_wait3A_136, %dma_wait3A_137, %dma_wait3A_143] : memref<3x2x2x128xi32, #tpu.memory_space<vmem>> -> memref<1x1x1x128xi32, #tpu.memory_space<vmem>>
      %dma_wait3A_145 = tpu.memref_squeeze %dma_wait3A_144 : memref<1x1x1x128xi32, #tpu.memory_space<vmem>> -> memref<128xi32, #tpu.memory_space<vmem>>
      %dma_wait3A_146 = arith.constant 0 : i32
      %dma_wait3A_147 = tpu.memref_slice %arg2[%mul3A_3, %dma_wait3A_146] : memref<100096x32xf32, #tpu.memory_space<hbm>> -> memref<50048x32xf32, #tpu.memory_space<hbm>>
      %dma_wait3A_148 = arith.constant 0 : i32
      %dma_wait3A_149 = arith.constant 0 : i32
      %dma_wait3A_150 = tpu.memref_slice %dma_wait3A_147[%dma_wait3A_148, %dma_wait3A_149] : memref<50048x32xf32, #tpu.memory_space<hbm>> -> memref<50048x32xf32, #tpu.memory_space<hbm>>
      tpu.wait_indirect_dma semaphore(%arg8 : memref<!tpu.dma_semaphore, #tpu.memory_space<semaphore_mem>>) src(%dma_wait3A_150 : memref<50048x32xf32, #tpu.memory_space<hbm>>) dst(%dma_wait3A_142 : memref<128x32xf32, #tpu.memory_space<vmem>>)
      %dma_wait3A_151 = arith.constant 0 : i32
      %dma_wait3A_152 = arith.constant 1 : i32
      %dma_wait3A_153 = arith.constant 1 : i32
      %dma_wait3A_154 = arith.constant 0 : i32
      %dma_wait3A_155 = arith.constant 0 : i32
      %dma_wait3A_156 = tpu.memref_slice %arg7[%scan3A_126, %dma_wait3A_153, %dma_wait3A_154, %dma_wait3A_155] : memref<3x2x128x32xf32, #tpu.memory_space<vmem>> -> memref<1x1x128x32xf32, #tpu.memory_space<vmem>>
      %dma_wait3A_157 = tpu.memref_squeeze %dma_wait3A_156 : memref<1x1x128x32xf32, #tpu.memory_space<vmem>> -> memref<128x32xf32, #tpu.memory_space<vmem>>
      %dma_wait3A_158 = arith.constant 0 : i32
      %dma_wait3A_159 = tpu.memref_slice %arg6[%scan3A_126, %dma_wait3A_151, %dma_wait3A_152, %dma_wait3A_158] : memref<3x2x2x128xi32, #tpu.memory_space<vmem>> -> memref<1x1x1x128xi32, #tpu.memory_space<vmem>>
      %dma_wait3A_160 = tpu.memref_squeeze %dma_wait3A_159 : memref<1x1x1x128xi32, #tpu.memory_space<vmem>> -> memref<128xi32, #tpu.memory_space<vmem>>
      %dma_wait3A_161 = arith.constant 0 : i32
      %dma_wait3A_162 = tpu.memref_slice %arg2[%mul3A_3, %dma_wait3A_161] : memref<100096x32xf32, #tpu.memory_space<hbm>> -> memref<50048x32xf32, #tpu.memory_space<hbm>>
      %dma_wait3A_163 = arith.constant 0 : i32
      %dma_wait3A_164 = arith.constant 0 : i32
      %dma_wait3A_165 = tpu.memref_slice %dma_wait3A_162[%dma_wait3A_163, %dma_wait3A_164] : memref<50048x32xf32, #tpu.memory_space<hbm>> -> memref<50048x32xf32, #tpu.memory_space<hbm>>
      tpu.wait_indirect_dma semaphore(%arg8 : memref<!tpu.dma_semaphore, #tpu.memory_space<semaphore_mem>>) src(%dma_wait3A_165 : memref<50048x32xf32, #tpu.memory_space<hbm>>) dst(%dma_wait3A_157 : memref<128x32xf32, #tpu.memory_space<vmem>>)
      %dma_start3A_166 = arith.constant 0 : i32
      %dma_start3A_167 = arith.constant 1 : i32
      %dma_start3A_168 = arith.constant 0 : i32
      %dma_start3A_169 = arith.constant 0 : i32
      %dma_start3A_170 = arith.constant 0 : i32
      %dma_start3A_171 = tpu.memref_slice %arg7[%scan3A_126, %dma_start3A_166, %dma_start3A_169, %dma_start3A_170] : memref<3x2x128x32xf32, #tpu.memory_space<vmem>> -> memref<1x1x128x32xf32, #tpu.memory_space<vmem>>
      %dma_start3A_172 = tpu.memref_squeeze %dma_start3A_171 : memref<1x1x128x32xf32, #tpu.memory_space<vmem>> -> memref<128x32xf32, #tpu.memory_space<vmem>>
      %dma_start3A_173 = arith.constant 0 : i32
      %dma_start3A_174 = tpu.memref_slice %arg6[%scan3A_126, %dma_start3A_167, %dma_start3A_168, %dma_start3A_173] : memref<3x2x2x128xi32, #tpu.memory_space<vmem>> -> memref<1x1x1x128xi32, #tpu.memory_space<vmem>>
      %dma_start3A_175 = tpu.memref_squeeze %dma_start3A_174 : memref<1x1x1x128xi32, #tpu.memory_space<vmem>> -> memref<128xi32, #tpu.memory_space<vmem>>
      %dma_start3A_176 = arith.constant 0 : i32
      %dma_start3A_177 = arith.constant 0 : i32
      %dma_start3A_178 = tpu.memref_slice %arg5[%dma_start3A_176, %dma_start3A_177] : memref<50048x32xf32, #tpu.memory_space<vmem_shared>> -> memref<50048x32xf32, #tpu.memory_space<vmem_shared>>
      tpu.enqueue_indirect_dma source(%dma_start3A_172 : memref<128x32xf32, #tpu.memory_space<vmem>>) target(%dma_start3A_178 : memref<50048x32xf32, #tpu.memory_space<vmem_shared>>) offsets(%dma_start3A_175 : memref<128xi32, #tpu.memory_space<vmem>>) semaphore(%arg9 : memref<!tpu.dma_semaphore, #tpu.memory_space<semaphore_mem>>) {add = true}
      %dma_start3A_179 = arith.constant 1 : i32
      %dma_start3A_180 = arith.constant 1 : i32
      %dma_start3A_181 = arith.constant 1 : i32
      %dma_start3A_182 = arith.constant 0 : i32
      %dma_start3A_183 = arith.constant 0 : i32
      %dma_start3A_184 = tpu.memref_slice %arg7[%scan3A_126, %dma_start3A_179, %dma_start3A_182, %dma_start3A_183] : memref<3x2x128x32xf32, #tpu.memory_space<vmem>> -> memref<1x1x128x32xf32, #tpu.memory_space<vmem>>
      %dma_start3A_185 = tpu.memref_squeeze %dma_start3A_184 : memref<1x1x128x32xf32, #tpu.memory_space<vmem>> -> memref<128x32xf32, #tpu.memory_space<vmem>>
      %dma_start3A_186 = arith.constant 0 : i32
      %dma_start3A_187 = tpu.memref_slice %arg6[%scan3A_126, %dma_start3A_180, %dma_start3A_181, %dma_start3A_186] : memref<3x2x2x128xi32, #tpu.memory_space<vmem>> -> memref<1x1x1x128xi32, #tpu.memory_space<vmem>>
      %dma_start3A_188 = tpu.memref_squeeze %dma_start3A_187 : memref<1x1x1x128xi32, #tpu.memory_space<vmem>> -> memref<128xi32, #tpu.memory_space<vmem>>
      %dma_start3A_189 = arith.constant 0 : i32
      %dma_start3A_190 = arith.constant 0 : i32
      %dma_start3A_191 = tpu.memref_slice %arg5[%dma_start3A_189, %dma_start3A_190] : memref<50048x32xf32, #tpu.memory_space<vmem_shared>> -> memref<50048x32xf32, #tpu.memory_space<vmem_shared>>
      tpu.enqueue_indirect_dma source(%dma_start3A_185 : memref<128x32xf32, #tpu.memory_space<vmem>>) target(%dma_start3A_191 : memref<50048x32xf32, #tpu.memory_space<vmem_shared>>) offsets(%dma_start3A_188 : memref<128xi32, #tpu.memory_space<vmem>>) semaphore(%arg9 : memref<!tpu.dma_semaphore, #tpu.memory_space<semaphore_mem>>) {add = true}
      %eq3A = arith.constant 2 : i32
      %eq3A_192 = arith.cmpi eq, %scan3A_127, %eq3A : i32
      %add3A_193 = arith.constant 1 : i32
      %add3A_194 = arith.addi %scan3A_127, %add3A_193 : i32
      %jit3A = arith.constant 0 : i32
      %select_n3A = arith.select %eq3A_192, %jit3A, %add3A_194 : i32
      scf.yield %scan3A_127, %select_n3A : i32, i32
    }
    %scan3A_57 = arith.constant 198 : i32
    %dma_wait3A_58 = arith.constant 2 : i32
    %dma_wait3A_59 = arith.constant 0 : i32
    %dma_wait3A_60 = arith.constant 2 : i32
    %dma_wait3A_61 = arith.constant 1 : i32
    %dma_wait3A_62 = arith.constant 0 : i32
    %dma_wait3A_63 = arith.constant 0 : i32
    %dma_wait3A_64 = arith.constant 0 : i32
    %dma_wait3A_65 = tpu.memref_slice %arg7[%dma_wait3A_58, %dma_wait3A_59, %dma_wait3A_63, %dma_wait3A_64] : memref<3x2x128x32xf32, #tpu.memory_space<vmem>> -> memref<1x1x128x32xf32, #tpu.memory_space<vmem>>
    %dma_wait3A_66 = tpu.memref_squeeze %dma_wait3A_65 : memref<1x1x128x32xf32, #tpu.memory_space<vmem>> -> memref<128x32xf32, #tpu.memory_space<vmem>>
    %dma_wait3A_67 = arith.constant 0 : i32
    %dma_wait3A_68 = tpu.memref_slice %arg6[%dma_wait3A_60, %dma_wait3A_61, %dma_wait3A_62, %dma_wait3A_67] : memref<3x2x2x128xi32, #tpu.memory_space<vmem>> -> memref<1x1x1x128xi32, #tpu.memory_space<vmem>>
    %dma_wait3A_69 = tpu.memref_squeeze %dma_wait3A_68 : memref<1x1x1x128xi32, #tpu.memory_space<vmem>> -> memref<128xi32, #tpu.memory_space<vmem>>
    %dma_wait3A_70 = arith.constant 0 : i32
    %dma_wait3A_71 = arith.constant 0 : i32
    %dma_wait3A_72 = tpu.memref_slice %arg5[%dma_wait3A_70, %dma_wait3A_71] : memref<50048x32xf32, #tpu.memory_space<vmem_shared>> -> memref<50048x32xf32, #tpu.memory_space<vmem_shared>>
    tpu.wait_indirect_dma semaphore(%arg9 : memref<!tpu.dma_semaphore, #tpu.memory_space<semaphore_mem>>) src(%dma_wait3A_66 : memref<128x32xf32, #tpu.memory_space<vmem>>) dst(%dma_wait3A_72 : memref<50048x32xf32, #tpu.memory_space<vmem_shared>>)
    %dma_wait3A_73 = arith.constant 2 : i32
    %dma_wait3A_74 = arith.constant 1 : i32
    %dma_wait3A_75 = arith.constant 2 : i32
    %dma_wait3A_76 = arith.constant 1 : i32
    %dma_wait3A_77 = arith.constant 1 : i32
    %dma_wait3A_78 = arith.constant 0 : i32
    %dma_wait3A_79 = arith.constant 0 : i32
    %dma_wait3A_80 = tpu.memref_slice %arg7[%dma_wait3A_73, %dma_wait3A_74, %dma_wait3A_78, %dma_wait3A_79] : memref<3x2x128x32xf32, #tpu.memory_space<vmem>> -> memref<1x1x128x32xf32, #tpu.memory_space<vmem>>
    %dma_wait3A_81 = tpu.memref_squeeze %dma_wait3A_80 : memref<1x1x128x32xf32, #tpu.memory_space<vmem>> -> memref<128x32xf32, #tpu.memory_space<vmem>>
    %dma_wait3A_82 = arith.constant 0 : i32
    %dma_wait3A_83 = tpu.memref_slice %arg6[%dma_wait3A_75, %dma_wait3A_76, %dma_wait3A_77, %dma_wait3A_82] : memref<3x2x2x128xi32, #tpu.memory_space<vmem>> -> memref<1x1x1x128xi32, #tpu.memory_space<vmem>>
    %dma_wait3A_84 = tpu.memref_squeeze %dma_wait3A_83 : memref<1x1x1x128xi32, #tpu.memory_space<vmem>> -> memref<128xi32, #tpu.memory_space<vmem>>
    %dma_wait3A_85 = arith.constant 0 : i32
    %dma_wait3A_86 = arith.constant 0 : i32
    %dma_wait3A_87 = tpu.memref_slice %arg5[%dma_wait3A_85, %dma_wait3A_86] : memref<50048x32xf32, #tpu.memory_space<vmem_shared>> -> memref<50048x32xf32, #tpu.memory_space<vmem_shared>>
    tpu.wait_indirect_dma semaphore(%arg9 : memref<!tpu.dma_semaphore, #tpu.memory_space<semaphore_mem>>) src(%dma_wait3A_81 : memref<128x32xf32, #tpu.memory_space<vmem>>) dst(%dma_wait3A_87 : memref<50048x32xf32, #tpu.memory_space<vmem_shared>>)
    %dma_wait3A_88 = arith.constant 1 : i32
    %dma_wait3A_89 = arith.constant 0 : i32
    %dma_wait3A_90 = arith.constant 1 : i32
    %dma_wait3A_91 = arith.constant 1 : i32
    %dma_wait3A_92 = arith.constant 0 : i32
    %dma_wait3A_93 = arith.constant 0 : i32
    %dma_wait3A_94 = arith.constant 0 : i32
    %dma_wait3A_95 = tpu.memref_slice %arg7[%dma_wait3A_88, %dma_wait3A_89, %dma_wait3A_93, %dma_wait3A_94] : memref<3x2x128x32xf32, #tpu.memory_space<vmem>> -> memref<1x1x128x32xf32, #tpu.memory_space<vmem>>
    %dma_wait3A_96 = tpu.memref_squeeze %dma_wait3A_95 : memref<1x1x128x32xf32, #tpu.memory_space<vmem>> -> memref<128x32xf32, #tpu.memory_space<vmem>>
    %dma_wait3A_97 = arith.constant 0 : i32
    %dma_wait3A_98 = tpu.memref_slice %arg6[%dma_wait3A_90, %dma_wait3A_91, %dma_wait3A_92, %dma_wait3A_97] : memref<3x2x2x128xi32, #tpu.memory_space<vmem>> -> memref<1x1x1x128xi32, #tpu.memory_space<vmem>>
    %dma_wait3A_99 = tpu.memref_squeeze %dma_wait3A_98 : memref<1x1x1x128xi32, #tpu.memory_space<vmem>> -> memref<128xi32, #tpu.memory_space<vmem>>
    %dma_wait3A_100 = arith.constant 0 : i32
    %dma_wait3A_101 = arith.constant 0 : i32
    %dma_wait3A_102 = tpu.memref_slice %arg5[%dma_wait3A_100, %dma_wait3A_101] : memref<50048x32xf32, #tpu.memory_space<vmem_shared>> -> memref<50048x32xf32, #tpu.memory_space<vmem_shared>>
    tpu.wait_indirect_dma semaphore(%arg9 : memref<!tpu.dma_semaphore, #tpu.memory_space<semaphore_mem>>) src(%dma_wait3A_96 : memref<128x32xf32, #tpu.memory_space<vmem>>) dst(%dma_wait3A_102 : memref<50048x32xf32, #tpu.memory_space<vmem_shared>>)
    %dma_wait3A_103 = arith.constant 1 : i32
    %dma_wait3A_104 = arith.constant 1 : i32
    %dma_wait3A_105 = arith.constant 1 : i32
    %dma_wait3A_106 = arith.constant 1 : i32
    %dma_wait3A_107 = arith.constant 1 : i32
    %dma_wait3A_108 = arith.constant 0 : i32
    %dma_wait3A_109 = arith.constant 0 : i32
    %dma_wait3A_110 = tpu.memref_slice %arg7[%dma_wait3A_103, %dma_wait3A_104, %dma_wait3A_108, %dma_wait3A_109] : memref<3x2x128x32xf32, #tpu.memory_space<vmem>> -> memref<1x1x128x32xf32, #tpu.memory_space<vmem>>
    %dma_wait3A_111 = tpu.memref_squeeze %dma_wait3A_110 : memref<1x1x128x32xf32, #tpu.memory_space<vmem>> -> memref<128x32xf32, #tpu.memory_space<vmem>>
    %dma_wait3A_112 = arith.constant 0 : i32
    %dma_wait3A_113 = tpu.memref_slice %arg6[%dma_wait3A_105, %dma_wait3A_106, %dma_wait3A_107, %dma_wait3A_112] : memref<3x2x2x128xi32, #tpu.memory_space<vmem>> -> memref<1x1x1x128xi32, #tpu.memory_space<vmem>>
    %dma_wait3A_114 = tpu.memref_squeeze %dma_wait3A_113 : memref<1x1x1x128xi32, #tpu.memory_space<vmem>> -> memref<128xi32, #tpu.memory_space<vmem>>
    %dma_wait3A_115 = arith.constant 0 : i32
    %dma_wait3A_116 = arith.constant 0 : i32
    %dma_wait3A_117 = tpu.memref_slice %arg5[%dma_wait3A_115, %dma_wait3A_116] : memref<50048x32xf32, #tpu.memory_space<vmem_shared>> -> memref<50048x32xf32, #tpu.memory_space<vmem_shared>>
    tpu.wait_indirect_dma semaphore(%arg9 : memref<!tpu.dma_semaphore, #tpu.memory_space<semaphore_mem>>) src(%dma_wait3A_111 : memref<128x32xf32, #tpu.memory_space<vmem>>) dst(%dma_wait3A_117 : memref<50048x32xf32, #tpu.memory_space<vmem_shared>>)
    %barrier3A_118 = arith.constant 0 : index
    tpu.barrier barrier_id(%barrier3A_118)
    %mul3A_119 = arith.constant 3128 : i32
    %mul3A_120 = arith.muli %arg1, %mul3A_119 : i32
    %mul3A_121 = arith.constant 3128 : i32
    %mul3A_122 = arith.muli %arg1, %mul3A_121 : i32
    %add3A_123 = arith.addi %mul3A_3, %mul3A_122 : i32
    "tpu.region"() ({
      %run_scoped3A_125 = tpu.sem_alloc : memref<!tpu.dma_semaphore, #tpu.memory_space<semaphore_mem>>
      %dma_start3A_126 = arith.constant 0 : i32
      %dma_start3A_127 = tpu.memref_slice %arg4[%add3A_123, %dma_start3A_126] : memref<100096x32xf32, #tpu.memory_space<hbm>> -> memref<3128x32xf32, #tpu.memory_space<hbm>>
      %dma_start3A_128 = arith.constant 0 : i32
      %dma_start3A_129 = tpu.memref_slice %arg5[%mul3A_120, %dma_start3A_128] : memref<50048x32xf32, #tpu.memory_space<vmem_shared>> -> memref<3128x32xf32, #tpu.memory_space<vmem_shared>>
      tpu.enqueue_dma source(%dma_start3A_129 : memref<3128x32xf32, #tpu.memory_space<vmem_shared>>) target(%dma_start3A_127 : memref<3128x32xf32, #tpu.memory_space<hbm>>) target_semaphore(%run_scoped3A_125 : memref<!tpu.dma_semaphore, #tpu.memory_space<semaphore_mem>>)
      %dma_wait3A_130 = arith.constant 0 : i32
      %dma_wait3A_131 = tpu.memref_slice %arg4[%add3A_123, %dma_wait3A_130] : memref<100096x32xf32, #tpu.memory_space<hbm>> -> memref<3128x32xf32, #tpu.memory_space<hbm>>
      %dma_wait3A_132 = arith.constant 0 : i32
      %dma_wait3A_133 = tpu.memref_slice %arg5[%mul3A_120, %dma_wait3A_132] : memref<50048x32xf32, #tpu.memory_space<vmem_shared>> -> memref<3128x32xf32, #tpu.memory_space<vmem_shared>>
      tpu.wait_dma2 semaphore(%run_scoped3A_125 : memref<!tpu.dma_semaphore, #tpu.memory_space<semaphore_mem>>) src(%dma_wait3A_133 : memref<3128x32xf32, #tpu.memory_space<vmem_shared>>) dst(%dma_wait3A_131 : memref<3128x32xf32, #tpu.memory_space<hbm>>)
      tpu.yield
    }) : () -> ()
    %barrier3A_124 = arith.constant 0 : index
    tpu.barrier barrier_id(%barrier3A_124)
    return
  }
}

module attributes {stable_mosaic.version = 14 : i64} {
  func.func @_prep_body(%arg0: i32, %arg1: memref<2x1088x8xf32, #tpu.memory_space<vmem>>, %arg2: memref<1088x50xf32, #tpu.memory_space<vmem>>, %arg3: memref<2x1088x32xf32, #tpu.memory_space<vmem>>, %arg4: memref<1088x16xf32, #tpu.memory_space<vmem>>) attributes {dimension_semantics = [#tpu.dimension_semantics<arbitrary>], iteration_bounds = array<i64: 46>, scalar_prefetch = 0 : i64, scratch_operands = 0 : i64, tpu.core_type = #tpu.core_type<tc>, window_params = [{transform_indices = @transform_0, window_bounds = array<i64: 2, 1088, 8>}, {transform_indices = @transform_1, window_bounds = array<i64: 1088, 50>}, {transform_indices = @transform_2, window_bounds = array<i64: 2, 1088, 32>}, {transform_indices = @transform_3, window_bounds = array<i64: 1088, 16>}]} {
    %get3A = arith.constant 0 : index
    %get3A_0 = arith.constant 0 : index
    %get3A_1 = arith.constant 0 : index
    %get3A_2 = vector.load %arg1[%get3A, %get3A_0, %get3A_1] : memref<2x1088x8xf32, #tpu.memory_space<vmem>>, vector<1x1088x1xf32>
    %get3A_3 = vector.shape_cast %get3A_2 : vector<1x1088x1xf32> to vector<1088x1xf32>
    %get3A_4 = arith.constant 1 : index
    %get3A_5 = arith.constant 0 : index
    %get3A_6 = arith.constant 0 : index
    %get3A_7 = vector.load %arg1[%get3A_4, %get3A_5, %get3A_6] : memref<2x1088x8xf32, #tpu.memory_space<vmem>>, vector<1x1088x1xf32>
    %get3A_8 = vector.shape_cast %get3A_7 : vector<1x1088x1xf32> to vector<1088x1xf32>
    %add3A = arith.addf %get3A_3, %get3A_8 : vector<1088x1xf32>
    %sub3A = arith.constant 1.000000e+00 : f32
    %sub3A_9 = vector.broadcast %sub3A : f32 to vector<1088x1xf32>
    %sub3A_10 = arith.subf %add3A, %sub3A_9 : vector<1088x1xf32>
    %max3A = arith.constant 1.000000e+00 : f32
    %max3A_11 = vector.broadcast %max3A : f32 to vector<1088x1xf32>
    %max3A_12 = arith.maximumf %sub3A_10, %max3A_11 : vector<1088x1xf32>
    %rsqrt3A = math.rsqrt %max3A_12 : vector<1088x1xf32>
    %broadcast_in_dim3A = vector.shape_cast %rsqrt3A : vector<1088x1xf32> to vector<1088x1xf32>
    %broadcast_in_dim3A_13 = vector.broadcast %broadcast_in_dim3A : vector<1088x1xf32> to vector<1088x16xf32>
    %swap3A = arith.constant 0 : index
    %swap3A_14 = arith.constant 0 : index
    %swap3A_15 = vector.load %arg4[%swap3A, %swap3A_14] : memref<1088x16xf32, #tpu.memory_space<vmem>>, vector<1088x16xf32>
    tpu.vector_store %arg4[%swap3A, %swap3A_14], %broadcast_in_dim3A_13 {strides = array<i32>} : memref<1088x16xf32, #tpu.memory_space<vmem>>, vector<1088x16xf32>,
    %get3A_16 = arith.constant 0 : index
    %get3A_17 = arith.constant 0 : index
    %get3A_18 = vector.load %arg2[%get3A_16, %get3A_17] : memref<1088x50xf32, #tpu.memory_space<vmem>>, vector<1088x50xf32>
    %mul3A = vector.broadcast %rsqrt3A : vector<1088x1xf32> to vector<1088x50xf32>
    %mul3A_19 = arith.mulf %get3A_18, %mul3A : vector<1088x50xf32>
    %slice3A = vector.extract_strided_slice %mul3A_19 {offsets = [0, 0], sizes = [1088, 32], strides = [1, 1]} : vector<1088x50xf32> to vector<1088x32xf32>
    %swap3A_20 = arith.constant 0 : index
    %swap3A_21 = arith.constant 0 : index
    %swap3A_22 = arith.constant 0 : index
    %swap3A_23 = vector.load %arg3[%swap3A_20, %swap3A_21, %swap3A_22] : memref<2x1088x32xf32, #tpu.memory_space<vmem>>, vector<1x1088x32xf32>
    %swap3A_24 = vector.shape_cast %swap3A_23 : vector<1x1088x32xf32> to vector<1088x32xf32>
    %swap3A_25 = vector.shape_cast %slice3A : vector<1088x32xf32> to vector<1x1088x32xf32>
    tpu.vector_store %arg3[%swap3A_20, %swap3A_21, %swap3A_22], %swap3A_25 {strides = array<i32>} : memref<2x1088x32xf32, #tpu.memory_space<vmem>>, vector<1x1088x32xf32>,
    %slice3A_26 = vector.extract_strided_slice %mul3A_19 {offsets = [0, 32], sizes = [1088, 18], strides = [1, 1]} : vector<1088x50xf32> to vector<1088x18xf32>
    %broadcast_in_dim3A_27 = arith.constant 0.000000e+00 : f32
    %broadcast_in_dim3A_28 = vector.broadcast %broadcast_in_dim3A_27 : f32 to vector<1088x14xf32>
    %concatenate3A = tpu.concatenate %slice3A_26, %broadcast_in_dim3A_28 in 1 : vector<1088x18xf32>, vector<1088x14xf32> -> vector<1088x32xf32>
    %swap3A_29 = arith.constant 1 : index
    %swap3A_30 = arith.constant 0 : index
    %swap3A_31 = arith.constant 0 : index
    %swap3A_32 = vector.load %arg3[%swap3A_29, %swap3A_30, %swap3A_31] : memref<2x1088x32xf32, #tpu.memory_space<vmem>>, vector<1x1088x32xf32>
    %swap3A_33 = vector.shape_cast %swap3A_32 : vector<1x1088x32xf32> to vector<1088x32xf32>
    %swap3A_34 = vector.shape_cast %concatenate3A : vector<1088x32xf32> to vector<1x1088x32xf32>
    tpu.vector_store %arg3[%swap3A_29, %swap3A_30, %swap3A_31], %swap3A_34 {strides = array<i32>} : memref<2x1088x32xf32, #tpu.memory_space<vmem>>, vector<1x1088x32xf32>,
    return
  }
  func.func @transform_0(%arg0: i32) -> (i32, i32, i32) {
    %c0_i32 = arith.constant 0 : i32
    %c0_i32_0 = arith.constant 0 : i32
    %c0_i32_1 = arith.constant 0 : i32
    return %c0_i32, %arg0, %c0_i32_0 : i32, i32, i32
  }
  func.func @transform_1(%arg0: i32) -> (i32, i32) {
    %c0_i32 = arith.constant 0 : i32
    %c0_i32_0 = arith.constant 0 : i32
    return %arg0, %c0_i32 : i32, i32
  }
  func.func @transform_2(%arg0: i32) -> (i32, i32, i32) {
    %c0_i32 = arith.constant 0 : i32
    %c0_i32_0 = arith.constant 0 : i32
    %c0_i32_1 = arith.constant 0 : i32
    return %c0_i32, %arg0, %c0_i32_0 : i32, i32, i32
  }
  func.func @transform_3(%arg0: i32) -> (i32, i32) {
    %c0_i32 = arith.constant 0 : i32
    %c0_i32_0 = arith.constant 0 : i32
    return %arg0, %c0_i32 : i32, i32
  }
}

module attributes {stable_mosaic.version = 14 : i64} {
  func.func @_mid_body(%arg0: i32, %arg1: memref<2x1088x32xf32, #tpu.memory_space<vmem>>, %arg2: memref<1088x16xf32, #tpu.memory_space<vmem>>, %arg3: memref<64x256xf32, #tpu.memory_space<vmem>>, %arg4: memref<256x128xf32, #tpu.memory_space<vmem>>, %arg5: memref<1x256xf32, #tpu.memory_space<vmem>>, %arg6: memref<4x1088x32xf32, #tpu.memory_space<vmem>>) attributes {dimension_semantics = [#tpu.dimension_semantics<arbitrary>], iteration_bounds = array<i64: 46>, scalar_prefetch = 0 : i64, scratch_operands = 0 : i64, tpu.core_type = #tpu.core_type<tc>, window_params = [{transform_indices = @transform_0, window_bounds = array<i64: 2, 1088, 32>}, {transform_indices = @transform_1, window_bounds = array<i64: 1088, 16>}, {pipeline_mode = #tpu.pipeline_mode<synchronous>, transform_indices = @transform_2, window_bounds = array<i64: 64, 256>}, {pipeline_mode = #tpu.pipeline_mode<synchronous>, transform_indices = @transform_3, window_bounds = array<i64: 256, 128>}, {pipeline_mode = #tpu.pipeline_mode<synchronous>, transform_indices = @transform_4, window_bounds = array<i64: 1, 256>}, {transform_indices = @transform_5, window_bounds = array<i64: 4, 1088, 32>}]} {
    %get3A = arith.constant 0 : index
    %get3A_0 = arith.constant 0 : index
    %get3A_1 = vector.load %arg2[%get3A, %get3A_0] : memref<1088x16xf32, #tpu.memory_space<vmem>>, vector<1088x1xf32>
    %get3A_2 = arith.constant 0 : index
    %get3A_3 = arith.constant 0 : index
    %get3A_4 = arith.constant 0 : index
    %get3A_5 = vector.load %arg1[%get3A_2, %get3A_3, %get3A_4] : memref<2x1088x32xf32, #tpu.memory_space<vmem>>, vector<1x1088x32xf32>
    %get3A_6 = vector.shape_cast %get3A_5 : vector<1x1088x32xf32> to vector<1088x32xf32>
    %get3A_7 = arith.constant 1 : index
    %get3A_8 = arith.constant 0 : index
    %get3A_9 = arith.constant 0 : index
    %get3A_10 = vector.load %arg1[%get3A_7, %get3A_8, %get3A_9] : memref<2x1088x32xf32, #tpu.memory_space<vmem>>, vector<1x1088x32xf32>
    %get3A_11 = vector.shape_cast %get3A_10 : vector<1x1088x32xf32> to vector<1088x32xf32>
    %concatenate3A = tpu.concatenate %get3A_6, %get3A_11 in 1 : vector<1088x32xf32>, vector<1088x32xf32> -> vector<1088x64xf32>
    %mul3A = vector.broadcast %get3A_1 : vector<1088x1xf32> to vector<1088x64xf32>
    %mul3A_12 = arith.mulf %concatenate3A, %mul3A : vector<1088x64xf32>
    %get3A_13 = arith.constant 0 : index
    %get3A_14 = arith.constant 0 : index
    %get3A_15 = vector.load %arg3[%get3A_13, %get3A_14] : memref<64x256xf32, #tpu.memory_space<vmem>>, vector<64x256xf32>
    %dot_general3A = arith.constant dense<0.000000e+00> : vector<1088x256xf32>
    %dot_general3A_16 = tpu.matmul %mul3A_12, %get3A_15, %dot_general3A {dimension_numbers = #tpu.dot_dimension_numbers<[1], [0], [0], [1], [0, 0, 1, 1], [], []>, precision = #tpu.contract_precision<fp32>, transpose_lhs_hint = false} : vector<1088x64xf32>, vector<64x256xf32>, vector<1088x256xf32> -> vector<1088x256xf32>
    %get3A_17 = arith.constant 0 : index
    %get3A_18 = arith.constant 0 : index
    %get3A_19 = vector.load %arg5[%get3A_17, %get3A_18] : memref<1x256xf32, #tpu.memory_space<vmem>>, vector<1x256xf32>
    %add3A = vector.broadcast %get3A_19 : vector<1x256xf32> to vector<1088x256xf32>
    %add3A_20 = arith.addf %dot_general3A_16, %add3A : vector<1088x256xf32>
    %ge3A = arith.constant 0.000000e+00 : f32
    %ge3A_21 = vector.broadcast %ge3A : f32 to vector<1088x256xf32>
    %ge3A_22 = arith.cmpf oge, %add3A_20, %ge3A_21 : vector<1088x256xf32>
    %mul3A_23 = arith.constant 0.00999999977 : f32
    %mul3A_24 = vector.broadcast %mul3A_23 : f32 to vector<1088x256xf32>
    %mul3A_25 = arith.mulf %mul3A_24, %add3A_20 : vector<1088x256xf32>
    %select_n3A = arith.select %ge3A_22, %add3A_20, %mul3A_25 : vector<1088x256xi1>, vector<1088x256xf32>
    %get3A_26 = arith.constant 0 : index
    %get3A_27 = arith.constant 0 : index
    %get3A_28 = vector.load %arg4[%get3A_26, %get3A_27] : memref<256x128xf32, #tpu.memory_space<vmem>>, vector<256x128xf32>
    %dot_general3A_29 = arith.constant dense<0.000000e+00> : vector<1088x128xf32>
    %dot_general3A_30 = tpu.matmul %select_n3A, %get3A_28, %dot_general3A_29 {dimension_numbers = #tpu.dot_dimension_numbers<[1], [0], [0], [1], [0, 0, 1, 1], [], []>, precision = #tpu.contract_precision<fp32>, transpose_lhs_hint = false} : vector<1088x256xf32>, vector<256x128xf32>, vector<1088x128xf32> -> vector<1088x128xf32>
    %mul3A_31 = vector.broadcast %get3A_1 : vector<1088x1xf32> to vector<1088x128xf32>
    %mul3A_32 = arith.mulf %dot_general3A_30, %mul3A_31 : vector<1088x128xf32>
    %slice3A = vector.extract_strided_slice %mul3A_32 {offsets = [0, 0], sizes = [1088, 32], strides = [1, 1]} : vector<1088x128xf32> to vector<1088x32xf32>
    %swap3A = arith.constant 0 : index
    %swap3A_33 = arith.constant 0 : index
    %swap3A_34 = arith.constant 0 : index
    %swap3A_35 = vector.load %arg6[%swap3A, %swap3A_33, %swap3A_34] : memref<4x1088x32xf32, #tpu.memory_space<vmem>>, vector<1x1088x32xf32>
    %swap3A_36 = vector.shape_cast %swap3A_35 : vector<1x1088x32xf32> to vector<1088x32xf32>
    %swap3A_37 = vector.shape_cast %slice3A : vector<1088x32xf32> to vector<1x1088x32xf32>
    tpu.vector_store %arg6[%swap3A, %swap3A_33, %swap3A_34], %swap3A_37 {strides = array<i32>} : memref<4x1088x32xf32, #tpu.memory_space<vmem>>, vector<1x1088x32xf32>,
    %slice3A_38 = vector.extract_strided_slice %mul3A_32 {offsets = [0, 32], sizes = [1088, 32], strides = [1, 1]} : vector<1088x128xf32> to vector<1088x32xf32>
    %swap3A_39 = arith.constant 1 : index
    %swap3A_40 = arith.constant 0 : index
    %swap3A_41 = arith.constant 0 : index
    %swap3A_42 = vector.load %arg6[%swap3A_39, %swap3A_40, %swap3A_41] : memref<4x1088x32xf32, #tpu.memory_space<vmem>>, vector<1x1088x32xf32>
    %swap3A_43 = vector.shape_cast %swap3A_42 : vector<1x1088x32xf32> to vector<1088x32xf32>
    %swap3A_44 = vector.shape_cast %slice3A_38 : vector<1088x32xf32> to vector<1x1088x32xf32>
    tpu.vector_store %arg6[%swap3A_39, %swap3A_40, %swap3A_41], %swap3A_44 {strides = array<i32>} : memref<4x1088x32xf32, #tpu.memory_space<vmem>>, vector<1x1088x32xf32>,
    %slice3A_45 = vector.extract_strided_slice %mul3A_32 {offsets = [0, 64], sizes = [1088, 32], strides = [1, 1]} : vector<1088x128xf32> to vector<1088x32xf32>
    %swap3A_46 = arith.constant 2 : index
    %swap3A_47 = arith.constant 0 : index
    %swap3A_48 = arith.constant 0 : index
    %swap3A_49 = vector.load %arg6[%swap3A_46, %swap3A_47, %swap3A_48] : memref<4x1088x32xf32, #tpu.memory_space<vmem>>, vector<1x1088x32xf32>
    %swap3A_50 = vector.shape_cast %swap3A_49 : vector<1x1088x32xf32> to vector<1088x32xf32>
    %swap3A_51 = vector.shape_cast %slice3A_45 : vector<1088x32xf32> to vector<1x1088x32xf32>
    tpu.vector_store %arg6[%swap3A_46, %swap3A_47, %swap3A_48], %swap3A_51 {strides = array<i32>} : memref<4x1088x32xf32, #tpu.memory_space<vmem>>, vector<1x1088x32xf32>,
    %slice3A_52 = vector.extract_strided_slice %mul3A_32 {offsets = [0, 96], sizes = [1088, 32], strides = [1, 1]} : vector<1088x128xf32> to vector<1088x32xf32>
    %swap3A_53 = arith.constant 3 : index
    %swap3A_54 = arith.constant 0 : index
    %swap3A_55 = arith.constant 0 : index
    %swap3A_56 = vector.load %arg6[%swap3A_53, %swap3A_54, %swap3A_55] : memref<4x1088x32xf32, #tpu.memory_space<vmem>>, vector<1x1088x32xf32>
    %swap3A_57 = vector.shape_cast %swap3A_56 : vector<1x1088x32xf32> to vector<1088x32xf32>
    %swap3A_58 = vector.shape_cast %slice3A_52 : vector<1088x32xf32> to vector<1x1088x32xf32>
    tpu.vector_store %arg6[%swap3A_53, %swap3A_54, %swap3A_55], %swap3A_58 {strides = array<i32>} : memref<4x1088x32xf32, #tpu.memory_space<vmem>>, vector<1x1088x32xf32>,
    return
  }
  func.func @transform_0(%arg0: i32) -> (i32, i32, i32) {
    %c0_i32 = arith.constant 0 : i32
    %c0_i32_0 = arith.constant 0 : i32
    %c0_i32_1 = arith.constant 0 : i32
    return %c0_i32, %arg0, %c0_i32_0 : i32, i32, i32
  }
  func.func @transform_1(%arg0: i32) -> (i32, i32) {
    %c0_i32 = arith.constant 0 : i32
    %c0_i32_0 = arith.constant 0 : i32
    return %arg0, %c0_i32 : i32, i32
  }
  func.func @transform_2(%arg0: i32) -> (i32, i32) {
    %c0_i32 = arith.constant 0 : i32
    %c0_i32_0 = arith.constant 0 : i32
    %c0_i32_1 = arith.constant 0 : i32
    return %c0_i32, %c0_i32_0 : i32, i32
  }
  func.func @transform_3(%arg0: i32) -> (i32, i32) {
    %c0_i32 = arith.constant 0 : i32
    %c0_i32_0 = arith.constant 0 : i32
    %c0_i32_1 = arith.constant 0 : i32
    return %c0_i32, %c0_i32_0 : i32, i32
  }
  func.func @transform_4(%arg0: i32) -> (i32, i32) {
    %c0_i32 = arith.constant 0 : i32
    %c0_i32_0 = arith.constant 0 : i32
    %c0_i32_1 = arith.constant 0 : i32
    return %c0_i32, %c0_i32_0 : i32, i32
  }
  func.func @transform_5(%arg0: i32) -> (i32, i32, i32) {
    %c0_i32 = arith.constant 0 : i32
    %c0_i32_0 = arith.constant 0 : i32
    %c0_i32_1 = arith.constant 0 : i32
    return %c0_i32, %arg0, %c0_i32_0 : i32, i32, i32
  }
}

module attributes {stable_mosaic.version = 14 : i64} {
  func.func @_final_body(%arg0: i32, %arg1: memref<4x1088x32xf32, #tpu.memory_space<vmem>>, %arg2: memref<1088x16xf32, #tpu.memory_space<vmem>>, %arg3: memref<1x128xf32, #tpu.memory_space<vmem>>, %arg4: memref<1088x121xf32, #tpu.memory_space<vmem>>) attributes {dimension_semantics = [#tpu.dimension_semantics<arbitrary>], iteration_bounds = array<i64: 46>, scalar_prefetch = 0 : i64, scratch_operands = 0 : i64, tpu.core_type = #tpu.core_type<tc>, window_params = [{transform_indices = @transform_0, window_bounds = array<i64: 4, 1088, 32>}, {transform_indices = @transform_1, window_bounds = array<i64: 1088, 16>}, {pipeline_mode = #tpu.pipeline_mode<synchronous>, transform_indices = @transform_2, window_bounds = array<i64: 1, 128>}, {transform_indices = @transform_3, window_bounds = array<i64: 1088, 121>}]} {
    %get3A = arith.constant 0 : index
    %get3A_0 = arith.constant 0 : index
    %get3A_1 = vector.load %arg2[%get3A, %get3A_0] : memref<1088x16xf32, #tpu.memory_space<vmem>>, vector<1088x1xf32>
    %get3A_2 = arith.constant 0 : index
    %get3A_3 = arith.constant 0 : index
    %get3A_4 = arith.constant 0 : index
    %get3A_5 = vector.load %arg1[%get3A_2, %get3A_3, %get3A_4] : memref<4x1088x32xf32, #tpu.memory_space<vmem>>, vector<1x1088x32xf32>
    %get3A_6 = vector.shape_cast %get3A_5 : vector<1x1088x32xf32> to vector<1088x32xf32>
    %get3A_7 = arith.constant 1 : index
    %get3A_8 = arith.constant 0 : index
    %get3A_9 = arith.constant 0 : index
    %get3A_10 = vector.load %arg1[%get3A_7, %get3A_8, %get3A_9] : memref<4x1088x32xf32, #tpu.memory_space<vmem>>, vector<1x1088x32xf32>
    %get3A_11 = vector.shape_cast %get3A_10 : vector<1x1088x32xf32> to vector<1088x32xf32>
    %get3A_12 = arith.constant 2 : index
    %get3A_13 = arith.constant 0 : index
    %get3A_14 = arith.constant 0 : index
    %get3A_15 = vector.load %arg1[%get3A_12, %get3A_13, %get3A_14] : memref<4x1088x32xf32, #tpu.memory_space<vmem>>, vector<1x1088x32xf32>
    %get3A_16 = vector.shape_cast %get3A_15 : vector<1x1088x32xf32> to vector<1088x32xf32>
    %get3A_17 = arith.constant 3 : index
    %get3A_18 = arith.constant 0 : index
    %get3A_19 = arith.constant 0 : index
    %get3A_20 = vector.load %arg1[%get3A_17, %get3A_18, %get3A_19] : memref<4x1088x32xf32, #tpu.memory_space<vmem>>, vector<1x1088x32xf32>
    %get3A_21 = vector.shape_cast %get3A_20 : vector<1x1088x32xf32> to vector<1088x32xf32>
    %concatenate3A = tpu.concatenate %get3A_6, %get3A_11, %get3A_16, %get3A_21 in 1 : vector<1088x32xf32>, vector<1088x32xf32>, vector<1088x32xf32>, vector<1088x32xf32> -> vector<1088x128xf32>
    %mul3A = vector.broadcast %get3A_1 : vector<1088x1xf32> to vector<1088x128xf32>
    %mul3A_22 = arith.mulf %concatenate3A, %mul3A : vector<1088x128xf32>
    %get3A_23 = arith.constant 0 : index
    %get3A_24 = arith.constant 0 : index
    %get3A_25 = vector.load %arg3[%get3A_23, %get3A_24] : memref<1x128xf32, #tpu.memory_space<vmem>>, vector<1x128xf32>
    %add3A = vector.broadcast %get3A_25 : vector<1x128xf32> to vector<1088x128xf32>
    %add3A_26 = arith.addf %mul3A_22, %add3A : vector<1088x128xf32>
    %iota3A = tpu.iota {dimensions = array<i32: 1>} : vector<1088x128xi32>
    %ge3A = arith.constant 121 : i32
    %ge3A_27 = vector.broadcast %ge3A : i32 to vector<1088x128xi32>
    %ge3A_28 = arith.cmpi sge, %iota3A, %ge3A_27 : vector<1088x128xi32>
    %jit3A = arith.constant 0xFF800000 : f32
    %broadcast_in_dim3A = vector.broadcast %jit3A : f32 to vector<1088x128xf32>
    %select_n3A = arith.select %ge3A_28, %broadcast_in_dim3A, %add3A_26 : vector<1088x128xi1>, vector<1088x128xf32>
    %reduce_max3A = arith.constant dense<0xFF800000> : vector<1088xf32>
    %reduce_max3A_29 = vector.multi_reduction <maximumf>, %select_n3A, %reduce_max3A [1] : vector<1088x128xf32> to vector<1088xf32>
    %broadcast_in_dim3A_30 = vector.shape_cast %reduce_max3A_29 : vector<1088xf32> to vector<1088x1xf32>
    %sub3A = vector.broadcast %broadcast_in_dim3A_30 : vector<1088x1xf32> to vector<1088x128xf32>
    %sub3A_31 = arith.subf %select_n3A, %sub3A : vector<1088x128xf32>
    %exp3A = math.exp %sub3A_31 : vector<1088x128xf32>
    %reduce_sum3A = arith.constant dense<0.000000e+00> : vector<1088xf32>
    %reduce_sum3A_32 = vector.multi_reduction <add>, %exp3A, %reduce_sum3A [1] : vector<1088x128xf32> to vector<1088xf32>
    %broadcast_in_dim3A_33 = vector.shape_cast %reduce_sum3A_32 : vector<1088xf32> to vector<1088x1xf32>
    %log3A = math.log %broadcast_in_dim3A_33 : vector<1088x1xf32>
    %add3A_34 = arith.addf %log3A, %broadcast_in_dim3A_30 : vector<1088x1xf32>
    %sub3A_35 = vector.broadcast %add3A_34 : vector<1088x1xf32> to vector<1088x128xf32>
    %sub3A_36 = arith.subf %add3A_26, %sub3A_35 : vector<1088x128xf32>
    %slice3A = vector.extract_strided_slice %sub3A_36 {offsets = [0, 0], sizes = [1088, 121], strides = [1, 1]} : vector<1088x128xf32> to vector<1088x121xf32>
    %swap3A = arith.constant 0 : index
    %swap3A_37 = arith.constant 0 : index
    %swap3A_38 = vector.load %arg4[%swap3A, %swap3A_37] : memref<1088x121xf32, #tpu.memory_space<vmem>>, vector<1088x121xf32>
    tpu.vector_store %arg4[%swap3A, %swap3A_37], %slice3A {strides = array<i32>} : memref<1088x121xf32, #tpu.memory_space<vmem>>, vector<1088x121xf32>,
    return
  }
  func.func @transform_0(%arg0: i32) -> (i32, i32, i32) {
    %c0_i32 = arith.constant 0 : i32
    %c0_i32_0 = arith.constant 0 : i32
    %c0_i32_1 = arith.constant 0 : i32
    return %c0_i32, %arg0, %c0_i32_0 : i32, i32, i32
  }
  func.func @transform_1(%arg0: i32) -> (i32, i32) {
    %c0_i32 = arith.constant 0 : i32
    %c0_i32_0 = arith.constant 0 : i32
    return %arg0, %c0_i32 : i32, i32
  }
  func.func @transform_2(%arg0: i32) -> (i32, i32) {
    %c0_i32 = arith.constant 0 : i32
    %c0_i32_0 = arith.constant 0 : i32
    %c0_i32_1 = arith.constant 0 : i32
    return %c0_i32, %c0_i32_0 : i32, i32
  }
  func.func @transform_3(%arg0: i32) -> (i32, i32) {
    %c0_i32 = arith.constant 0 : i32
    %c0_i32_0 = arith.constant 0 : i32
    return %arg0, %c0_i32 : i32, i32
  }
}

</mosaic_0001>

<sc_bundles>
// kernel: kernel.11.cloned.1.call-start
scs
__scs_entry_jumppad:
0x0: {  	(pc) =	sbr.rel $0x88, $3  }
0x1: {  	(tag) =	ssettag $0x0;
	lr =	simm.s32 $0x1  }
0x2: {  	[smem:$0x3F9B] =	sst lr;
	_ =	strace $0xD0000000  }
0x3: {  	_ = 	snop  }
0x4: {  	_ = 	snop  }
0x5: {  	_ = 	snop  }
0x6: {  	_ = 	snop  }
0x7: {  	_ = 	snop  }
__scs_overlays_trampoline_lowered:
0x8: {  	[smem:$0x3FAA] =	sst s0  }
0x9: {  	[smem:$0x3FAB] =	sst s1  }
0xa: {  	[smem:$0x3FAC] =	sst s2  }
0xb: {  	[smem:$0x3FAD] =	sst s3  }
0xc: {  	[smem:$0x3FAE] =	sst s4  }
0xd: {  	[smem:$0x3FAF] =	sst s5  }
0xe: {  	[smem:$0x3FB0] =	sst s6  }
0xf: {  	[smem:$0x3FB1] =	sst s7  }
0x10: {  	[smem:$0x3FB2] =	sst s8  }
0x11: {  	[smem:$0x3FB3] =	sst s9;
	s0 =	simm.s32 @!p0 $0x0  }
0x12: {  	s1 =	sld [smem:$0x3F99];
	s0 =	simm.s32 @p0 $0x1  }
0x13: {  	[smem:$0x3FB4] =	sst s0;
	s0 =	simm.s32 @!p1 $0x0  }
0x14: {  	s2 =	sld [smem:$0x3F98];
	s0 =	simm.s32 @p1 $0x1  }
0x15: {  	[smem:$0x3FB5] =	sst s0;
	s0 =	simm.s32 @!p2 $0x0  }
0x16: {  	s3 =	sld [smem:$0x3FDB];
	s0 =	simm.s32 @p2 $0x1  }
0x17: {  	s4 =	simm.s32 $0x1BF5;
	[smem:$0x3FB7] =	sst s0  }
0x18: {  	s0 =	sld [smem:$0x3F9A];
	_ =	swait.ge [sflag:s4], $0x0  }
0x19: {  	s7 =	sld [smem:$0x3F9B]  }
0x1a: {  	s8 =	sadd.s32 $0xFFFFE003, lr  }
0x1b: {  	s9 =	sadd.s32 $0xFFFFFEF7, lr;
	s5 =	simm.s32 $0xFFFFFFFF;
	p2 =	slt.u32 s8, $0xFFFFF086  }
0x1c: {  	p1 =	slt.u32 s9, $0xF7A;
	s5 =	simm.s32 @!p2 $0x0  }
0x1d: {  	s5 =	simm.s32 @p1 $0x1;
	p0 =	seq.s32 s7, s2  }
0x1e: {  	s7 =	smul.u32 @!p0 $0xF7A, s2;
	p2 =	seq.s32 @!p0 s5, $0x0  }
0x1f: {  	s9 =	smul.u32 $0xF7A, s1;
	s8 =	simm.s32 @!p0 $0x1BF5;
	p2 =	por !p2, p0  }
0x20: {  	[sflag:s8] =	ssyncset.s32 @!p0 $0xFFFFF086;
	s6 =	sadd.s32 @!p0 s3, s7;
	s7 =	simm.s32 @!p0 $0x108  }
0x21: {  	s3 =	sadd.s32 s3, s9;
	s6 =	sadd.s32 @!p0 $0x88, s6;
	s7 =	simm.s32 @p2 $0x1082  }
0x22: {  	[simem:s7], [sflag:s8] =	dma.local @!p0 [hbm:s6], $0xF7A  }
0x23: {  	s9 =	sor.u32 $0xD0000000, s2;
	s6 =	simm.s32 $0x108;
	_ =	swait.ge @!p0 [sflag:s8], $0x0  }
0x24: {  	s3 =	sadd.s32 $0x88, s3;
	s6 =	simm.s32 @!p1 $0x1082;
	[sflag:s4] =	ssyncset.s32 $0xFFFFF086  }
0x25: {  	[simem:s6], [sflag:s4] =	dma.local [hbm:s3], $0xF7A  }
0x26: {  	[smem:$0x3F9B] =	sst s1;
	(tag) =	ssettag s2;
	_ =	strace s9  }
0x27: {  	s1 =	sld [smem:$0x3FAB]  }
0x28: {  	s2 =	sld [smem:$0x3FAC]  }
0x29: {  	s4 =	sld [smem:$0x3FAE]  }
0x2a: {  	p0 =	seq.s32 s5, $0x0;
	s5 =	sld [smem:$0x3FAF]  }
0x2b: {  	s6 =	sld [smem:$0x3FB0]  }
0x2c: {  	s7 =	sld [smem:$0x3FB1]  }
0x2d: {  	s3 =	simm.s32 $0x108;
	s8 =	sld [smem:$0x3FB2]  }
0x2e: {  	s3 =	simm.s32 @!p0 $0x1082;
	s9 =	sld [smem:$0x3FB3]  }
0x2f: {  	lr =	sadd.s32 s0, s3;
	s0 =	sld [smem:$0x3FAA]  }
0x30: {  	s3 =	sld [smem:$0x3FAD]  }
0x31: {  	[smem:$0x3FB6] =	sst s10  }
0x32: {  	s10 =	sld [smem:$0x3FB4];
	_ =	sdelay $0x3  }
0x33: {  	p0 =	seq.s32 s10, $0x1;
	s10 =	sld [smem:$0x3FB6];
	_ =	sdelay $0x3  }
0x34: {  	[smem:$0x3FB6] =	sst s10  }
0x35: {  	s10 =	sld [smem:$0x3FB5];
	_ =	sdelay $0x3  }
0x36: {  	p1 =	seq.s32 s10, $0x1;
	s10 =	sld [smem:$0x3FB6];
	_ =	sdelay $0x3  }
0x37: {  	[smem:$0x3FB6] =	sst s10  }
0x38: {  	s10 =	sld [smem:$0x3FB7]  }
0x39: {  	_ = 	snop;
	(pc) =	sbr.ind lr, $3  }
0x3a: {  	_ = 	snop  }
0x3b: {  	_ = 	snop  }
0x3c: {  	p2 =	seq.s32 s10, $0x1;
	s10 =	sld [smem:$0x3FB6]  }
0x3d: {  	_ =	shalt  }
0x3e: {  	_ =	shalt  }
0x3f: {  	_ =	shalt  }
0x40: {  	_ =	shalt  }
0x41: {  	_ =	shalt  }
0x42: {  	_ =	shalt  }
0x43: {  	_ =	shalt  }
0x44: {  	_ =	shalt  }
0x45: {  	_ =	shalt  }
0x46: {  	_ =	shalt  }
0x47: {  	_ =	shalt  }
0x48: {  	_ =	shalt  }
0x49: {  	_ =	shalt  }
0x4a: {  	_ =	shalt  }
0x4b: {  	_ =	shalt  }
0x4c: {  	_ =	shalt  }
0x4d: {  	_ =	shalt  }
0x4e: {  	_ =	shalt  }
0x4f: {  	_ =	shalt  }
0x50: {  	_ =	shalt  }
0x51: {  	_ =	shalt  }
0x52: {  	_ =	shalt  }
0x53: {  	_ =	shalt  }
0x54: {  	_ =	shalt  }
0x55: {  	_ =	shalt  }
0x56: {  	_ =	shalt  }
0x57: {  	_ =	shalt  }
0x58: {  	_ =	shalt  }
0x59: {  	_ =	shalt  }
0x5a: {  	_ =	shalt  }
0x5b: {  	_ =	shalt  }
0x5c: {  	_ =	shalt  }
0x5d: {  	_ =	shalt  }
0x5e: {  	_ =	shalt  }
0x5f: {  	_ =	shalt  }
0x60: {  	_ =	shalt  }
0x61: {  	_ =	shalt  }
0x62: {  	_ =	shalt  }
0x63: {  	_ =	shalt  }
0x64: {  	_ =	shalt  }
0x65: {  	_ =	shalt  }
0x66: {  	_ =	shalt  }
0x67: {  	_ =	shalt  }
0x68: {  	_ =	shalt  }
0x69: {  	_ =	shalt  }
0x6a: {  	_ =	shalt  }
0x6b: {  	_ =	shalt  }
0x6c: {  	_ =	shalt  }
0x6d: {  	_ =	shalt  }
0x6e: {  	_ =	shalt  }
0x6f: {  	_ =	shalt  }
0x70: {  	_ =	shalt  }
0x71: {  	_ =	shalt  }
0x72: {  	_ =	shalt  }
0x73: {  	_ =	shalt  }
0x74: {  	_ =	shalt  }
0x75: {  	_ =	shalt  }
0x76: {  	_ =	shalt  }
0x77: {  	_ =	shalt  }
0x78: {  	_ =	shalt  }
0x79: {  	_ =	shalt  }
0x7a: {  	_ =	shalt  }
0x7b: {  	_ =	shalt  }
0x7c: {  	_ =	shalt  }
0x7d: {  	_ =	shalt  }
0x7e: {  	_ =	shalt  }
0x7f: {  	_ =	shalt  }
0x80: {  	_ =	shalt  }
0x81: {  	_ =	shalt  }
0x82: {  	_ =	shalt  }
0x83: {  	_ =	shalt  }
0x84: {  	_ =	shalt  }
0x85: {  	_ =	shalt  }
0x86: {  	_ =	shalt  }
0x87: {  	_ =	shalt  }
.Lfunc_end0:
.L_simem_size_0:
called_computation.1_lowered:
.L_overlay_start_0:
0x88: {  	s2 =	sld [smem:$0x3FD9]  }
0x89: {  	s3 =	sld [smem:$0x3FFE];
	_ =	sdelay $0x1  }
0x8a: {  	s1 =	srdreg.scid  }
0x8b: {  	s0 =	sand.u32 $0x1, s1  }
0x8c: {  	s17 =	sshll.u32 s0, $0xA;
	s2 =	sadd.s32 s3, s2  }
0x8d: {  	s2 =	sadd.s32 s2, s17  }
0x8e: {  	[smem:$0x3FC2] =	sst s2  }
0x8f: {  	_ = 	snop  }
0x90: {  	s2 =	sld [smem:$0x3FD0];
	(tm) =	ssettm $0x1  }
0x91: {  	s18 =	sld [smem:$0x3FFB];
	_ =	sdelay $0x3  }
0x92: {  	_ =	strace s18  }
0x93: {  	s3 =	sld [smem:$0x3FFC];
	_ =	sdelay $0x3  }
0x94: {  	_ =	strace s3  }
0x95: {  	s3 =	sld [smem:$0x3FFD];
	_ =	sdelay $0x3  }
0x96: {  	_ =	strace s3  }
0x97: {  	_ =	strace $0x8FFFFFFF  }
0x98: {  	s19 =	sld [smem:$0x3FDB];
	_ =	sdelay $0x1  }
0x99: {  	s4 =	simm.s32 $_scs_section_size  }
0x9a: {  	s5 =	simm.s32 $_size__tile_overlayer_lowered;
	s6 =	simm.s32 $_tile_overlayer_lowered  }
0x9b: {  	s22 =	simm.s32 $0x1BFF;
	s21 =	sshll.u32 s6, $0x1;
	s3 =	sadd.s32 s4, s19  }
0x9c: {  	s7 =	simm.s32 $0x0;
	s20 =	sshll.u32 s5, $0x1;
	s5 =	sadd.s32 s21, s3  }
0x9d: {  	[timem:s7], [sflag:s22] =	dma.local [hbm:s5], s20  }
0x9e: {  	_ =	swait.ge [sflag:s22], s20  }
0x9f: {  	s4 =	ssub.s32 $0x0, s20;
	[sflag:s22] =	ssyncset.done $0x0  }
0xa0: {  	[sflag:s22] =	ssyncadd.s32 s4;
	_ =	sdelay $0x1  }
0xa1: {  	s23 =	simm.s32 $0x1B8B  }
0xa2: {  	_ =	swait.ge [sflag:s23], $0x1  }
0xa3: {  	[sflag:s23] =	ssyncset.done $0x0  }
0xa4: {  	s25 =	simm.s32 $0x1B8E;
	s24 =	sld [smem:$0x3FFE];
	[sflag:s23] =	ssyncadd.s32 $0xFFFFFFFF  }
0xa5: {  	s26 =	simm.s32 $execute0_lowered;
	[smem:$0x3FD2] =	sst s25  }
0xa6: {  	s5 =	sshll.u32 s26, $0x1;
	_ =	strace $0x80000049;
	[dreg:$0x1] =	wrdreg $0xFFFFFFFF  }
0xa7: {  	s28 =	simm.s32 $_size_execute0_lowered;
	s3 =	sadd.s32 s3, s5;
	[dreg:$0x0] =	wrdreg $0x0  }
0xa8: {  	s5 =	sshll.u32 s28, $0x1;
	[dreg:$0x2] =	wrdreg s3  }
0xa9: {  	[dreg:$0x3] =	wrdreg s5  }
0xaa: {  	[dreg:$0x4] =	wrdreg $0xC0  }
0xab: {  	_ =	task [dreg:s7], $0x5FFFF  }
0xac: {  	[dreg:$0x1] =	wrdreg $0xFFFFFFFF  }
0xad: {  	[dreg:$0x0] =	wrdreg $0x60  }
0xae: {  	[dreg:$0x2] =	wrdreg s2  }
0xaf: {  	[dreg:$0x3] =	wrdreg s24  }
0xb0: {  	[dreg:$0x4] =	wrdreg $0x0  }
0xb1: {  	[dreg:$0x5] =	wrdreg $0x9  }
0xb2: {  	_ =	task.clear_ibuf [dreg:s7], $0x6FFFF;
	_ =	strace $0x90000049  }
0xb3: {  	s29 =	simm.s32 $0x9;
	_ =	strace $0x8000004B  }
0xb4: {  	_ =	swait.ge [sflag:s29], $0x1  }
0xb5: {  	[sflag:s29] =	ssyncadd.s32 $0xFFFFFFFF  }
0xb6: {  	_ =	strace $0x9000004B  }
0xb7: {  	_ =	sfence  }
0xb8: {  	s30 =	sld [smem:$0x0];
	_ =	sdelay $0x2  }
0xb9: {  	s31 =	sshll.u32 s1, $0xD;
	s1 =	sshrl.u32 s1, $0x2  }
0xba: {  	s3 =	sand.u32 $0x4000, s31;
	s1 =	sadd.s32 s1, s30  }
0xbb: {  	s0 =	sor.u32 s3, s0;
	s1 =	sshll.u32 s1, $0x11  }
0xbc: {  	s0 =	sor.u32 s1, s0  }
0xbd: {  	s0 =	sadd.s32 $0x8F2B, s0  }
0xbe: {  	[sflag:s0] =	ssyncadd.remote.s32 $0x1  }
0xbf: {  	_ =	sfence.sel $0xFFFF  }
0xc0: {  	[dreg:$0x0] =	wrdreg $0xFFFFFFFF;
	(pc) =	sbr.abs _section_cstart, $3  }
0xc1: {  	[dreg:$0x1] =	wrdreg $0xFFFFFFFF  }
0xc2: {  	_ =	task.clear_ibuf [dreg:s7], $0x2FFFF;
	_ =	strace $0x9FFFFFFF  }
0xc3: {  	(tm) =	ssettm $0x7FFFFFFF  }
tec
execute0_lowered:
.L_overlay_start_1:
0x0: {  	(tag) =	ssettag $0x1  }
0x1: {  	s9 =	rddreg [dreg:$0x0]  }
0x2: {  	s5 =	rddreg [dreg:$0x1]  }
0x3: {  	s0 =	srdreg.scid;
	s2 =	rddreg [dreg:$0x2]  }
0x4: {  	s1 =	stileid.u32;
	s3 =	simm.s32 $0x0;
	s14 =	simm.s32 $0x100  }
0x5: {  	s15 =	simm.s32 $0xC6000;
	s16 =	simm.s32 $0x18700;
	s17 =	simm.s32 $0x3  }
0x6: {  	s18 =	simm.s32 $0x80;
	s19 =	simm.s32 $0x18D00;
	s20 =	simm.s32 $0x18780  }
0x7: {  	s21 =	simm.s32 $0x19D00;
	s22 =	simm.s32 $0x1;
	s7 =	smul.u32 $0xC38, s1  }
0x8: {  	s6 =	sand.u32 $0x1, s0;
	s0 =	rddreg [dreg:$0x3];
	s10 =	smul.u32 $0x61C00, s1  }
0x9: {  	s23 =	simm.s32 $0x2;
	[smem:$0x7FF] =	sst s3;
	s30 =	smul.u32 $0x18C0, s1  }
0xa: {  	s4 =	smul.u32 $0xC380, s6;
	_ =	strace $0x8000004A;
	s8 =	ssub.s32 $0x2, s6  }
0xb: {  	s31 =	smul.u32 $0x30E00, s6;
	s28 =	sshrl.u32 s8, $0x1;
	s29 =	sshrl.u32 s10, $0x2  }
0xc: {  	s10 =	smul.u32 $0xC600, s1;
	s4 =	sadd.s32 s7, s4;
	s12 =	ssub.s32 s8, s28  }
0xd: {  	s13 =	sadd.s32 s29, s2;
	s7 =	sshll.u32 s4, $0x2;
	s4 =	sadd.s32 $0x1200, s5  }
0xe: {  	s12 =	smax.u32 s12, $0x1;
	s13 =	sshrl.u32 s13, $0x3;
	s11 =	sadd.s32 s7, s5  }
0xf: {  	s5 =	sshll.u32 s1, $0x6;
	s6 =	sadd.s32 s9, s7;
	s8 =	sadd.s32 s4, s30  }
0x10: {  	s9 =	sadd.s32 s9, s31;
	s7 =	sor.u32 $0x1C01, s5;
	s11 =	sadd.s32 $0x32A00, s11  }
.LBB2_1:
0x11: {  	[spmem:s13], [sflag:s7] =	dma.local [hbm:s6], $0x30E0  }
0x12: {  	[tilespmem:s16], [sflag:$0x3] =	stream.strided.gather [hbm4b:s8+s14], $0x200, s15, s14, $0x38;
	[tilespmem:$0x1ED00] =	vst v63  }
0x13: {  	_ =	swait.ge [sflag:s17], $0x200  }
0x14: {  	[sflag:s17] =	ssyncset.done $0x0  }
0x15: {  	[sflag:s17] =	ssyncadd.s32 $0xFFFFFE00  }
0x16: {  	[tilespmem:s19], [sflag:$0x1] =	stream.indirect.gather [hbm4b:s9+s18], $0x20, s16, s18, $0xb8;
	[tilespmem:$0x1ED00] =	vst v63  }
0x17: {  	_ = 	snop  }
0x18: {  	[tilespmem:s21], [sflag:$0x1] =	stream.indirect.gather [hbm4b:s9+s18], $0x20, s20, s18, $0xb8;
	[tilespmem:$0x1ED00] =	vst v63  }
0x19: {  	_ =	swait.ge [sflag:s22], $0x30E0  }
0x1a: {  	[sflag:s22] =	ssyncset.done $0x0  }
0x1b: {  	s28 =	simm.s32 $0x1;
	[sflag:s22] =	ssyncadd.s32 $0xFFFFCF20  }
0x1c: {  	s24 =	simm.s32 $0x0;
	s29 =	simm.s32 $0x0;
	[bflag:$0x0] =	sbarrier.arrive $0xFFFF  }
.LBB2_2:
0x1d: {  	p0 =	slt.u32 s29, $0x2  }
0x1e: {  	s26 =	simm.s32 @!p0 $0x2  }
0x1f: {  	_ =	swait.ge @!p0 [sflag:s26], $0x1000  }
0x20: {  	[sflag:s26] =	ssyncset.done @!p0 $0x0  }
0x21: {  	[sflag:s26] =	ssyncadd.s32 @!p0 $0xFFFFF000  }
0x22: {  	_ =	swait.ge @!p0 [sflag:s26], $0x1000  }
0x23: {  	p1 =	seq.s32 @!p0 s29, $0xC5;
	[sflag:s26] =	ssyncset.done @!p0 $0x0  }
0x24: {  	p1 =	por p0, !p1;
	[sflag:s26] =	ssyncadd.s32 @!p0 $0xFFFFF000;
	s26 =	simm.s32 @!p0 $0xC6  }
0x25: {  	s26 =	sadd.s32 @p1 $0x1, s29  }
0x26: {  	s25 =	smov.u32 s28;
	s28 =	sshll.u32 @p1 s26, $0x8  }
0x27: {  	s29 =	sshll.u32 @p1 s25, $0xB;
	s28 =	sadd.s32 @p1 s10, s28  }
0x28: {  	s29 =	sshra.s32 @p1 s29, $0x2;
	s28 =	sshrl.u32 @p1 s28, $0x3  }
0x29: {  	s30 =	sadd.s32 @p1 $0x18700, s29;
	s28 =	sadd.s32 @p1 s4, s28  }
0x2a: {  	[tilespmem:s30], [sflag:$0x3] =	stream.strided.gather @p1 [hbm4b:s28+s14], $0x200, s15, s14, $0x38;
	[tilespmem:$0x1ED00] =	vst v63  }
0x2b: {  	s28 =	sshll.u32 @p1 s25, $0xF;
	_ =	swait.ge @p1 [sflag:s17], $0x200  }
0x2c: {  	s28 =	sshra.s32 @p1 s28, $0x2;
	[sflag:s17] =	ssyncset.done @p1 $0x0  }
0x2d: {  	s31 =	sadd.s32 @p1 $0x18D00, s28;
	[sflag:s17] =	ssyncadd.s32 @p1 $0xFFFFFE00  }
0x2e: {  	[tilespmem:s31], [sflag:$0x1] =	stream.indirect.gather @p1 [hbm4b:s9+s18], $0x20, s30, s18, $0xb8;
	[tilespmem:$0x1ED00] =	vst v63  }
0x2f: {  	s29 =	sadd.s32 @p1 $0x18780, s29;
	s28 =	sadd.s32 @p1 $0x19D00, s28  }
0x30: {  	[tilespmem:s28], [sflag:$0x1] =	stream.indirect.gather @p1 [hbm4b:s9+s18], $0x20, s29, s18, $0xb8;
	[tilespmem:$0x1ED00] =	vst v63  }
0x31: {  	_ =	swait.ge [sflag:s22], $0x1000  }
0x32: {  	[sflag:s22] =	ssyncset.done $0x0  }
0x33: {  	s30 =	sshll.u32 s24, $0xB;
	[sflag:s22] =	ssyncadd.s32 $0xFFFFF000  }
0x34: {  	s28 =	sshll.u32 s24, $0xF;
	s24 =	sshra.s32 s30, $0x2;
	_ =	swait.ge [sflag:s22], $0x1000  }
0x35: {  	p1 =	slt.u32 s26, $0xC6;
	s28 =	sshra.s32 s28, $0x2;
	[sflag:s22] =	ssyncset.done $0x0  }
0x36: {  	s31 =	sadd.s32 $0x18800, s24;
	s29 =	sadd.s32 $0x18D00, s28;
	[sflag:s22] =	ssyncadd.s32 $0xFFFFF000  }
0x37: {  	[spmem:s2] =	stream.indirect.scatter.add.f32 [tilespmem:s29], [sflag:$0x2], $0x20, s31, s18, $0xb8;
	[tilespmem:$0x1ED00] =	vst v63  }
.Ltmp0:
0x38: {  	_ = 	snop;
	(pc) =	sbr.rel @p1 .LBB2_2-.Ltmp0, $4  }
0x39: {  	s24 =	sadd.s32 $0x18880, s24;
	s28 =	sadd.s32 $0x19D00, s28  }
0x3a: {  	[spmem:s2] =	stream.indirect.scatter.add.f32 [tilespmem:s28], [sflag:$0x2], $0x20, s24, s18, $0xb8;
	[tilespmem:$0x1ED00] =	vst v63  }
0x3b: {  	p0 =	seq.s32 s25, $0x2;
	s28 =	sadd.s32 $0x1, s25  }
0x3c: {  	s29 =	smov.u32 s26;
	s24 =	smov.u32 s25;
	s28 =	simm.s32 @p0 $0x0  }
0x3d: {  	_ =	swait.ge [sflag:s23], $0x1000  }
0x3e: {  	[sflag:s23] =	ssyncset.done $0x0  }
0x3f: {  	[sflag:s23] =	ssyncadd.s32 $0xFFFFF000  }
0x40: {  	_ =	swait.ge [sflag:s23], $0x1000  }
0x41: {  	[sflag:s23] =	ssyncset.done $0x0  }
0x42: {  	[sflag:s23] =	ssyncadd.s32 $0xFFFFF000  }
0x43: {  	_ =	swait.ge [sflag:s23], $0x1000  }
0x44: {  	[sflag:s23] =	ssyncset.done $0x0  }
0x45: {  	[sflag:s23] =	ssyncadd.s32 $0xFFFFF000  }
0x46: {  	_ =	swait.ge [sflag:s23], $0x1000  }
0x47: {  	[sflag:s23] =	ssyncset.done $0x0  }
0x48: {  	s3 =	sadd.s32 $0x1, s3;
	[sflag:s23] =	ssyncadd.s32 $0xFFFFF000  }
0x49: {  	s24 =	sor.u32 $0x1C03, s5;
	p0 =	sne.s32 s3, s12;
	[bflag:$0x0] =	sbarrier.arrive $0xFFFF  }
0x4a: {  	[hbm:s11], [sflag:s24] =	dma.local [spmem:s13], $0x30E0  }
.Ltmp1:
0x4b: {  	_ =	swait.ge [sflag:s17], $0x30E0;
	(pc) =	sbr.rel @p0 .LBB2_1-.Ltmp1, $3  }
0x4c: {  	[sflag:s17] =	ssyncset.done $0x0  }
0x4d: {  	[sflag:s17] =	ssyncadd.s32 $0xFFFFCF20  }
0x4e: {  	[bflag:$0x0] =	sbarrier.arrive $0xFFFF;
	_ =	sdelay $0x1  }
0x4f: {  	_ =	sfence.sel $0x180000  }
0x50: {  	[bflag:$0x0] =	sbarrier.arrive $0xFFFF  }
0x51: {  	p0 =	sne.s32 s1, $0x0;
	_ =	strace $0x9000004A  }
0x52: {  	s0 =	sadd.s32 @!p0 $0x100000, s0;
	[bflag:$0x2] =	sbarrier.arrive $0xFFFF  }
0x53: {  	[sflag:s0] =	ssyncadd.tile.s32 @!p0 $0x1;
	_ =	shalt  }
.Lfunc_end2:
_tile_overlayer_lowered:
.L_overlay_start_2:
0x54: {  	(tag) =	ssettag $0x2  }
0x55: {  	s0 =	rddreg [dreg:$0x0];
	s2 =	stileid.u32  }
0x56: {  	s1 =	rddreg [dreg:$0x1];
	p0 =	sne.s32 s2, $0x0  }
0x57: {  	s3 =	rddreg [dreg:$0x2];
	[bflag:$0x3] =	sbarrier.arrive $0xFFFF;
	s2 =	simm.s32 @!p0 $0x1C03  }
0x58: {  	[timem:s3], [sflag:s2] =	dma.local @!p0 [hbm:s0], s1  }
0x59: {  	s0 =	simm.s32 @!p0 $0x3  }
0x5a: {  	_ =	swait.ge @!p0 [sflag:s0], s1  }
0x5b: {  	s1 =	ssub.s32 @!p0 $0x0, s1;
	[sflag:s0] =	ssyncset.done @!p0 $0x0  }
0x5c: {  	[sflag:s0] =	ssyncadd.s32 @!p0 s1  }
0x5d: {  	[bflag:$0x3] =	sbarrier.arrive $0xFFFF  }
0x5e: {  	_ =	shalt  }

// kernel: kernel.14.cloned.1.call-start
scs
__scs_entry_jumppad:
0x0: {  	(pc) =	sbr.rel $0x88, $3  }
0x1: {  	(tag) =	ssettag $0x0;
	lr =	simm.s32 $0x1  }
0x2: {  	[smem:$0x3F9B] =	sst lr;
	_ =	strace $0xD0000000  }
0x3: {  	_ = 	snop  }
0x4: {  	_ = 	snop  }
0x5: {  	_ = 	snop  }
0x6: {  	_ = 	snop  }
0x7: {  	_ = 	snop  }
__scs_overlays_trampoline_lowered:
0x8: {  	[smem:$0x3FAA] =	sst s0  }
0x9: {  	[smem:$0x3FAB] =	sst s1  }
0xa: {  	[smem:$0x3FAC] =	sst s2  }
0xb: {  	[smem:$0x3FAD] =	sst s3  }
0xc: {  	[smem:$0x3FAE] =	sst s4  }
0xd: {  	[smem:$0x3FAF] =	sst s5  }
0xe: {  	[smem:$0x3FB0] =	sst s6  }
0xf: {  	[smem:$0x3FB1] =	sst s7  }
0x10: {  	[smem:$0x3FB2] =	sst s8  }
0x11: {  	[smem:$0x3FB3] =	sst s9;
	s0 =	simm.s32 @!p0 $0x0  }
0x12: {  	s1 =	sld [smem:$0x3F99];
	s0 =	simm.s32 @p0 $0x1  }
0x13: {  	[smem:$0x3FB4] =	sst s0;
	s0 =	simm.s32 @!p1 $0x0  }
0x14: {  	s2 =	sld [smem:$0x3F98];
	s0 =	simm.s32 @p1 $0x1  }
0x15: {  	[smem:$0x3FB5] =	sst s0;
	s0 =	simm.s32 @!p2 $0x0  }
0x16: {  	s3 =	sld [smem:$0x3FDB];
	s0 =	simm.s32 @p2 $0x1  }
0x17: {  	s4 =	simm.s32 $0x1BF5;
	[smem:$0x3FB7] =	sst s0  }
0x18: {  	s0 =	sld [smem:$0x3F9A];
	_ =	swait.ge [sflag:s4], $0x0  }
0x19: {  	s7 =	sld [smem:$0x3F9B]  }
0x1a: {  	s8 =	sadd.s32 $0xFFFFE003, lr  }
0x1b: {  	s9 =	sadd.s32 $0xFFFFFEF7, lr;
	s5 =	simm.s32 $0xFFFFFFFF;
	p2 =	slt.u32 s8, $0xFFFFF086  }
0x1c: {  	p1 =	slt.u32 s9, $0xF7A;
	s5 =	simm.s32 @!p2 $0x0  }
0x1d: {  	s5 =	simm.s32 @p1 $0x1;
	p0 =	seq.s32 s7, s2  }
0x1e: {  	s7 =	smul.u32 @!p0 $0xF7A, s2;
	p2 =	seq.s32 @!p0 s5, $0x0  }
0x1f: {  	s9 =	smul.u32 $0xF7A, s1;
	s8 =	simm.s32 @!p0 $0x1BF5;
	p2 =	por !p2, p0  }
0x20: {  	[sflag:s8] =	ssyncset.s32 @!p0 $0xFFFFF086;
	s6 =	sadd.s32 @!p0 s3, s7;
	s7 =	simm.s32 @!p0 $0x108  }
0x21: {  	s3 =	sadd.s32 s3, s9;
	s6 =	sadd.s32 @!p0 $0x88, s6;
	s7 =	simm.s32 @p2 $0x1082  }
0x22: {  	[simem:s7], [sflag:s8] =	dma.local @!p0 [hbm:s6], $0xF7A  }
0x23: {  	s9 =	sor.u32 $0xD0000000, s2;
	s6 =	simm.s32 $0x108;
	_ =	swait.ge @!p0 [sflag:s8], $0x0  }
0x24: {  	s3 =	sadd.s32 $0x88, s3;
	s6 =	simm.s32 @!p1 $0x1082;
	[sflag:s4] =	ssyncset.s32 $0xFFFFF086  }
0x25: {  	[simem:s6], [sflag:s4] =	dma.local [hbm:s3], $0xF7A  }
0x26: {  	[smem:$0x3F9B] =	sst s1;
	(tag) =	ssettag s2;
	_ =	strace s9  }
0x27: {  	s1 =	sld [smem:$0x3FAB]  }
0x28: {  	s2 =	sld [smem:$0x3FAC]  }
0x29: {  	s4 =	sld [smem:$0x3FAE]  }
0x2a: {  	p0 =	seq.s32 s5, $0x0;
	s5 =	sld [smem:$0x3FAF]  }
0x2b: {  	s6 =	sld [smem:$0x3FB0]  }
0x2c: {  	s7 =	sld [smem:$0x3FB1]  }
0x2d: {  	s3 =	simm.s32 $0x108;
	s8 =	sld [smem:$0x3FB2]  }
0x2e: {  	s3 =	simm.s32 @!p0 $0x1082;
	s9 =	sld [smem:$0x3FB3]  }
0x2f: {  	lr =	sadd.s32 s0, s3;
	s0 =	sld [smem:$0x3FAA]  }
0x30: {  	s3 =	sld [smem:$0x3FAD]  }
0x31: {  	[smem:$0x3FB6] =	sst s10  }
0x32: {  	s10 =	sld [smem:$0x3FB4];
	_ =	sdelay $0x3  }
0x33: {  	p0 =	seq.s32 s10, $0x1;
	s10 =	sld [smem:$0x3FB6];
	_ =	sdelay $0x3  }
0x34: {  	[smem:$0x3FB6] =	sst s10  }
0x35: {  	s10 =	sld [smem:$0x3FB5];
	_ =	sdelay $0x3  }
0x36: {  	p1 =	seq.s32 s10, $0x1;
	s10 =	sld [smem:$0x3FB6];
	_ =	sdelay $0x3  }
0x37: {  	[smem:$0x3FB6] =	sst s10  }
0x38: {  	s10 =	sld [smem:$0x3FB7]  }
0x39: {  	_ = 	snop;
	(pc) =	sbr.ind lr, $3  }
0x3a: {  	_ = 	snop  }
0x3b: {  	_ = 	snop  }
0x3c: {  	p2 =	seq.s32 s10, $0x1;
	s10 =	sld [smem:$0x3FB6]  }
0x3d: {  	_ =	shalt  }
0x3e: {  	_ =	shalt  }
0x3f: {  	_ =	shalt  }
0x40: {  	_ =	shalt  }
0x41: {  	_ =	shalt  }
0x42: {  	_ =	shalt  }
0x43: {  	_ =	shalt  }
0x44: {  	_ =	shalt  }
0x45: {  	_ =	shalt  }
0x46: {  	_ =	shalt  }
0x47: {  	_ =	shalt  }
0x48: {  	_ =	shalt  }
0x49: {  	_ =	shalt  }
0x4a: {  	_ =	shalt  }
0x4b: {  	_ =	shalt  }
0x4c: {  	_ =	shalt  }
0x4d: {  	_ =	shalt  }
0x4e: {  	_ =	shalt  }
0x4f: {  	_ =	shalt  }
0x50: {  	_ =	shalt  }
0x51: {  	_ =	shalt  }
0x52: {  	_ =	shalt  }
0x53: {  	_ =	shalt  }
0x54: {  	_ =	shalt  }
0x55: {  	_ =	shalt  }
0x56: {  	_ =	shalt  }
0x57: {  	_ =	shalt  }
0x58: {  	_ =	shalt  }
0x59: {  	_ =	shalt  }
0x5a: {  	_ =	shalt  }
0x5b: {  	_ =	shalt  }
0x5c: {  	_ =	shalt  }
0x5d: {  	_ =	shalt  }
0x5e: {  	_ =	shalt  }
0x5f: {  	_ =	shalt  }
0x60: {  	_ =	shalt  }
0x61: {  	_ =	shalt  }
0x62: {  	_ =	shalt  }
0x63: {  	_ =	shalt  }
0x64: {  	_ =	shalt  }
0x65: {  	_ =	shalt  }
0x66: {  	_ =	shalt  }
0x67: {  	_ =	shalt  }
0x68: {  	_ =	shalt  }
0x69: {  	_ =	shalt  }
0x6a: {  	_ =	shalt  }
0x6b: {  	_ =	shalt  }
0x6c: {  	_ =	shalt  }
0x6d: {  	_ =	shalt  }
0x6e: {  	_ =	shalt  }
0x6f: {  	_ =	shalt  }
0x70: {  	_ =	shalt  }
0x71: {  	_ =	shalt  }
0x72: {  	_ =	shalt  }
0x73: {  	_ =	shalt  }
0x74: {  	_ =	shalt  }
0x75: {  	_ =	shalt  }
0x76: {  	_ =	shalt  }
0x77: {  	_ =	shalt  }
0x78: {  	_ =	shalt  }
0x79: {  	_ =	shalt  }
0x7a: {  	_ =	shalt  }
0x7b: {  	_ =	shalt  }
0x7c: {  	_ =	shalt  }
0x7d: {  	_ =	shalt  }
0x7e: {  	_ =	shalt  }
0x7f: {  	_ =	shalt  }
0x80: {  	_ =	shalt  }
0x81: {  	_ =	shalt  }
0x82: {  	_ =	shalt  }
0x83: {  	_ =	shalt  }
0x84: {  	_ =	shalt  }
0x85: {  	_ =	shalt  }
0x86: {  	_ =	shalt  }
0x87: {  	_ =	shalt  }
.Lfunc_end0:
.L_simem_size_0:
called_computation.2_lowered:
.L_overlay_start_0:
0x88: {  	s2 =	sld [smem:$0x3FD9]  }
0x89: {  	s3 =	sld [smem:$0x3FFE];
	_ =	sdelay $0x1  }
0x8a: {  	s1 =	srdreg.scid  }
0x8b: {  	s0 =	sand.u32 $0x1, s1  }
0x8c: {  	s16 =	sshll.u32 s0, $0xA;
	s2 =	sadd.s32 s3, s2  }
0x8d: {  	s2 =	sadd.s32 s2, s16  }
0x8e: {  	[smem:$0x3FC2] =	sst s2  }
0x8f: {  	_ = 	snop  }
0x90: {  	(tm) =	ssettm $0x1  }
0x91: {  	s17 =	sld [smem:$0x3FFB];
	_ =	sdelay $0x3  }
0x92: {  	_ =	strace s17  }
0x93: {  	s2 =	sld [smem:$0x3FFC];
	_ =	sdelay $0x3  }
0x94: {  	_ =	strace s2  }
0x95: {  	s2 =	sld [smem:$0x3FFD];
	_ =	sdelay $0x3  }
0x96: {  	_ =	strace s2  }
0x97: {  	_ =	strace $0x8FFFFFFF  }
0x98: {  	s18 =	sld [smem:$0x3FDB];
	_ =	sdelay $0x1  }
0x99: {  	s19 =	simm.s32 $_scs_section_size  }
0x9a: {  	s4 =	simm.s32 $_size__tile_overlayer_lowered;
	s5 =	simm.s32 $_tile_overlayer_lowered  }
0x9b: {  	s22 =	simm.s32 $0x1BFF;
	s21 =	sshll.u32 s5, $0x1;
	s2 =	sadd.s32 s19, s18  }
0x9c: {  	s6 =	simm.s32 $0x0;
	s20 =	sshll.u32 s4, $0x1;
	s4 =	sadd.s32 s21, s2  }
0x9d: {  	[timem:s6], [sflag:s22] =	dma.local [hbm:s4], s20  }
0x9e: {  	_ =	swait.ge [sflag:s22], s20  }
0x9f: {  	s3 =	ssub.s32 $0x0, s20;
	[sflag:s22] =	ssyncset.done $0x0  }
0xa0: {  	[sflag:s22] =	ssyncadd.s32 s3;
	_ =	sdelay $0x1  }
0xa1: {  	s23 =	simm.s32 $0x1B8B  }
0xa2: {  	_ =	swait.ge [sflag:s23], $0x1  }
0xa3: {  	[sflag:s23] =	ssyncset.done $0x0  }
0xa4: {  	s25 =	simm.s32 $0x1B8E;
	s24 =	sld [smem:$0x3FFE];
	[sflag:s23] =	ssyncadd.s32 $0xFFFFFFFF  }
0xa5: {  	s26 =	simm.s32 $execute0_lowered;
	[smem:$0x3FD2] =	sst s25  }
0xa6: {  	s4 =	sshll.u32 s26, $0x1;
	_ =	strace $0x8000004C;
	[dreg:$0x1] =	wrdreg $0xFFFFFFFF  }
0xa7: {  	s28 =	simm.s32 $_size_execute0_lowered;
	s2 =	sadd.s32 s2, s4;
	[dreg:$0x0] =	wrdreg $0x0  }
0xa8: {  	s4 =	sshll.u32 s28, $0x1;
	[dreg:$0x2] =	wrdreg s2  }
0xa9: {  	[dreg:$0x3] =	wrdreg s4  }
0xaa: {  	[dreg:$0x4] =	wrdreg $0xC0  }
0xab: {  	_ =	task [dreg:s6], $0x5FFFF  }
0xac: {  	[dreg:$0x1] =	wrdreg $0xFFFFFFFF  }
0xad: {  	[dreg:$0x0] =	wrdreg $0x60  }
0xae: {  	[dreg:$0x2] =	wrdreg s24  }
0xaf: {  	[dreg:$0x3] =	wrdreg $0x0  }
0xb0: {  	[dreg:$0x4] =	wrdreg $0x9  }
0xb1: {  	_ =	task.clear_ibuf [dreg:s6], $0x5FFFF;
	_ =	strace $0x9000004C  }
0xb2: {  	s29 =	simm.s32 $0x9;
	_ =	strace $0x8000004E  }
0xb3: {  	_ =	swait.ge [sflag:s29], $0x1  }
0xb4: {  	[sflag:s29] =	ssyncadd.s32 $0xFFFFFFFF  }
0xb5: {  	_ =	strace $0x9000004E  }
0xb6: {  	_ =	sfence  }
0xb7: {  	s30 =	sld [smem:$0x0];
	_ =	sdelay $0x2  }
0xb8: {  	s31 =	sshll.u32 s1, $0xD;
	s1 =	sshrl.u32 s1, $0x2  }
0xb9: {  	s3 =	sand.u32 $0x4000, s31;
	s1 =	sadd.s32 s1, s30  }
0xba: {  	s0 =	sor.u32 s3, s0;
	s1 =	sshll.u32 s1, $0x11  }
0xbb: {  	s0 =	sor.u32 s1, s0  }
0xbc: {  	s0 =	sadd.s32 $0x8F2B, s0  }
0xbd: {  	[sflag:s0] =	ssyncadd.remote.s32 $0x1  }
0xbe: {  	_ =	sfence.sel $0xFFFF  }
0xbf: {  	[dreg:$0x0] =	wrdreg $0xFFFFFFFF;
	(pc) =	sbr.abs _section_cstart, $3  }
0xc0: {  	[dreg:$0x1] =	wrdreg $0xFFFFFFFF  }
0xc1: {  	_ =	task.clear_ibuf [dreg:s6], $0x2FFFF;
	_ =	strace $0x9FFFFFFF  }
0xc2: {  	(tm) =	ssettm $0x7FFFFFFF  }
0xc3: {  	_ =	shalt  }
tec
execute0_lowered:
.L_overlay_start_1:
0x0: {  	(tag) =	ssettag $0x1  }
0x1: {  	s0 =	rddreg [dreg:$0x0]  }
0x2: {  	s2 =	rddreg [dreg:$0x1];
	s3 =	simm.s32 $0x0  }
0x3: {  	s10 =	stileid.u32;
	s1 =	srdreg.scid;
	s17 =	simm.s32 $0x100  }
0x4: {  	s18 =	simm.s32 $0xC6000;
	s19 =	simm.s32 $0x18700;
	s20 =	simm.s32 $0x3  }
0x5: {  	s21 =	simm.s32 $0x80;
	s22 =	simm.s32 $0x18D00;
	s23 =	simm.s32 $0x18780  }
0x6: {  	s24 =	simm.s32 $0x19D00;
	s25 =	simm.s32 $0x1;
	s11 =	smul.u32 $0xC38, s10  }
0x7: {  	s26 =	simm.s32 $0x2;
	[smem:$0x7FF] =	sst s3;
	s5 =	smul.u32 $0x61C00, s10  }
0x8: {  	s1 =	sand.u32 $0x1, s1;
	s13 =	sadd.s32 $0x94800, s0;
	s8 =	smul.u32 $0x18C0, s10  }
0x9: {  	s4 =	sadd.s32 $0x1200, s0;
	s30 =	sshll.u32 s10, $0x6;
	s10 =	smul.u32 $0xC600, s10  }
0xa: {  	s0 =	sadd.s32 $0x158000, s0;
	_ =	strace $0x8000004D;
	s9 =	smul.u32 $0xC380, s1  }
0xb: {  	s6 =	ssub.s32 $0x2, s1;
	s1 =	smul.u32 $0x30E00, s1;
	[dreg:$0x4] =	wrdreg s30  }
0xc: {  	s7 =	sshrl.u32 s6, $0x1;
	s5 =	sshrl.u32 s5, $0x2;
	s8 =	sadd.s32 s4, s8  }
0xd: {  	s15 =	ssub.s32 s6, s7;
	s28 =	sadd.s32 s11, s9;
	s16 =	sadd.s32 s5, s2  }
0xe: {  	s7 =	sor.u32 $0x1C01, s30;
	s14 =	sadd.s32 $0x18700, s9;
	s9 =	sadd.s32 s13, s1  }
0xf: {  	s12 =	sshll.u32 s28, $0x2;
	s31 =	sadd.s32 s11, s14;
	s14 =	sshll.u32 s14, $0x2  }
0x10: {  	s15 =	smax.u32 s15, $0x1;
	s16 =	sshrl.u32 s16, $0x3;
	s29 =	sadd.s32 s13, s12  }
0x11: {  	s11 =	sadd.s32 s0, s12;
	s1 =	sshll.u32 s31, $0x2;
	[dreg:$0x3] =	wrdreg s29  }
0x12: {  	s12 =	sadd.s32 s13, s1;
	s13 =	sadd.s32 s13, s14;
	s14 =	sadd.s32 s0, s1  }
.LBB2_1:
0x13: {  	s0 =	rddreg [dreg:$0x3]  }
0x14: {  	[spmem:s16], [sflag:s7] =	dma.local [hbm:s0], $0x30E0  }
0x15: {  	[tilespmem:s19], [sflag:$0x3] =	stream.strided.gather [hbm4b:s8+s17], $0x200, s18, s17, $0x38;
	[tilespmem:$0x1ED00] =	vst v63  }
0x16: {  	_ =	swait.ge [sflag:s20], $0x200  }
0x17: {  	[sflag:s20] =	ssyncset.done $0x0  }
0x18: {  	[sflag:s20] =	ssyncadd.s32 $0xFFFFFE00  }
0x19: {  	[tilespmem:s22], [sflag:$0x1] =	stream.indirect.gather [hbm4b:s9+s21], $0x20, s19, s21, $0xb8;
	[tilespmem:$0x1ED00] =	vst v63  }
0x1a: {  	_ = 	snop  }
0x1b: {  	[tilespmem:s24], [sflag:$0x1] =	stream.indirect.gather [hbm4b:s9+s21], $0x20, s23, s21, $0xb8;
	[tilespmem:$0x1ED00] =	vst v63  }
0x1c: {  	_ =	swait.ge [sflag:s25], $0x30E0  }
0x1d: {  	[sflag:s25] =	ssyncset.done $0x0  }
0x1e: {  	s28 =	simm.s32 $0x0;
	[sflag:s25] =	ssyncadd.s32 $0xFFFFCF20  }
0x1f: {  	s31 =	simm.s32 $0x0;
	s0 =	simm.s32 $0x1;
	[bflag:$0x0] =	sbarrier.arrive $0xFFFF  }
.LBB2_2:
0x20: {  	p0 =	slt.u32 s31, $0x2  }
0x21: {  	s1 =	simm.s32 @!p0 $0x2  }
0x22: {  	_ =	swait.ge @!p0 [sflag:s1], $0x1000  }
0x23: {  	p1 =	seq.s32 @!p0 s31, $0xC5;
	[sflag:s1] =	ssyncset.done @!p0 $0x0  }
0x24: {  	s30 =	simm.s32 @!p0 $0xC6;
	p1 =	por p0, !p1;
	[sflag:s1] =	ssyncadd.s32 @!p0 $0xFFFFF000  }
0x25: {  	s30 =	sadd.s32 @p1 $0x1, s31;
	_ =	swait.ge @!p0 [sflag:s1], $0x1000  }
0x26: {  	s29 =	smov.u32 s0;
	s0 =	sshll.u32 @p1 s30, $0x8;
	[sflag:s1] =	ssyncset.done @!p0 $0x0  }
0x27: {  	s0 =	sadd.s32 @p1 s10, s0;
	[sflag:s1] =	ssyncadd.s32 @!p0 $0xFFFFF000;
	s1 =	sshll.u32 @p1 s29, $0xB  }
0x28: {  	s0 =	sshrl.u32 @p1 s0, $0x3;
	s1 =	sshra.s32 @p1 s1, $0x2  }
0x29: {  	s0 =	sadd.s32 @p1 s4, s0;
	s31 =	sadd.s32 @p1 $0x18700, s1  }
0x2a: {  	[tilespmem:s31], [sflag:$0x3] =	stream.strided.gather @p1 [hbm4b:s0+s17], $0x200, s18, s17, $0x38;
	[tilespmem:$0x1ED00] =	vst v63  }
0x2b: {  	s0 =	sshll.u32 @p1 s29, $0xF;
	_ =	swait.ge @p1 [sflag:s20], $0x200  }
0x2c: {  	s0 =	sshra.s32 @p1 s0, $0x2;
	[sflag:s20] =	ssyncset.done @p1 $0x0  }
0x2d: {  	s5 =	sadd.s32 @p1 $0x18D00, s0;
	[sflag:s20] =	ssyncadd.s32 @p1 $0xFFFFFE00  }
0x2e: {  	[tilespmem:s5], [sflag:$0x1] =	stream.indirect.gather @p1 [hbm4b:s9+s21], $0x20, s31, s21, $0xb8;
	[tilespmem:$0x1ED00] =	vst v63  }
0x2f: {  	s1 =	sadd.s32 @p1 $0x18780, s1;
	s0 =	sadd.s32 @p1 $0x19D00, s0  }
0x30: {  	[tilespmem:s0], [sflag:$0x1] =	stream.indirect.gather @p1 [hbm4b:s9+s21], $0x20, s1, s21, $0xb8;
	[tilespmem:$0x1ED00] =	vst v63  }
0x31: {  	_ =	swait.ge [sflag:s25], $0x1000  }
0x32: {  	[sflag:s25] =	ssyncset.done $0x0  }
0x33: {  	s5 =	sshll.u32 s28, $0xB;
	[sflag:s25] =	ssyncadd.s32 $0xFFFFF000  }
0x34: {  	s1 =	sshll.u32 s28, $0xF;
	p1 =	slt.u32 s30, $0xC6;
	_ =	swait.ge [sflag:s25], $0x1000  }
0x35: {  	s0 =	sshra.s32 s1, $0x2;
	s1 =	sshra.s32 s5, $0x2;
	[sflag:s25] =	ssyncset.done $0x0  }
0x36: {  	s6 =	sadd.s32 $0x18D00, s0;
	s28 =	sadd.s32 $0x18800, s1;
	[sflag:s25] =	ssyncadd.s32 $0xFFFFF000  }
0x37: {  	[spmem:s2] =	stream.indirect.scatter.add.f32 [tilespmem:s6], [sflag:$0x2], $0x20, s28, s21, $0xb8;
	[tilespmem:$0x1ED00] =	vst v63  }
.Ltmp0:
0x38: {  	_ = 	snop;
	(pc) =	sbr.rel @p1 .LBB2_2-.Ltmp0, $4  }
0x39: {  	s0 =	sadd.s32 $0x19D00, s0;
	s1 =	sadd.s32 $0x18880, s1  }
0x3a: {  	[spmem:s2] =	stream.indirect.scatter.add.f32 [tilespmem:s0], [sflag:$0x2], $0x20, s1, s21, $0xb8;
	[tilespmem:$0x1ED00] =	vst v63  }
0x3b: {  	p0 =	seq.s32 s29, $0x2;
	s0 =	sadd.s32 $0x1, s29  }
0x3c: {  	s31 =	smov.u32 s30;
	s28 =	smov.u32 s29;
	s0 =	simm.s32 @p0 $0x0  }
0x3d: {  	_ =	swait.ge [sflag:s26], $0x1000  }
0x3e: {  	[sflag:s26] =	ssyncset.done $0x0  }
0x3f: {  	[sflag:s26] =	ssyncadd.s32 $0xFFFFF000  }
0x40: {  	_ =	swait.ge [sflag:s26], $0x1000  }
0x41: {  	[sflag:s26] =	ssyncset.done $0x0  }
0x42: {  	[sflag:s26] =	ssyncadd.s32 $0xFFFFF000  }
0x43: {  	_ =	swait.ge [sflag:s26], $0x1000  }
0x44: {  	[sflag:s26] =	ssyncset.done $0x0  }
0x45: {  	[sflag:s26] =	ssyncadd.s32 $0xFFFFF000  }
0x46: {  	_ =	swait.ge [sflag:s26], $0x1000  }
0x47: {  	[sflag:s26] =	ssyncset.done $0x0  }
0x48: {  	[sflag:s26] =	ssyncadd.s32 $0xFFFFF000  }
0x49: {  	[bflag:$0x0] =	sbarrier.arrive $0xFFFF  }
0x4a: {  	s0 =	rddreg [dreg:$0x4]  }
0x4b: {  	s28 =	sor.u32 $0x1C03, s0  }
0x4c: {  	[hbm:s11], [sflag:s28] =	dma.local [spmem:s16], $0x30E0  }
0x4d: {  	_ =	swait.ge [sflag:s20], $0x30E0  }
0x4e: {  	[sflag:s20] =	ssyncset.done $0x0  }
0x4f: {  	[sflag:s20] =	ssyncadd.s32 $0xFFFFCF20  }
0x50: {  	[bflag:$0x0] =	sbarrier.arrive $0xFFFF  }
0x51: {  	[spmem:s16], [sflag:s7] =	dma.local [hbm:s12], $0x30E0  }
0x52: {  	[tilespmem:s19], [sflag:$0x3] =	stream.strided.gather [hbm4b:s8+s17], $0x200, s18, s17, $0x38;
	[tilespmem:$0x1ED00] =	vst v63  }
0x53: {  	_ =	swait.ge [sflag:s20], $0x200  }
0x54: {  	[sflag:s20] =	ssyncset.done $0x0  }
0x55: {  	[sflag:s20] =	ssyncadd.s32 $0xFFFFFE00  }
0x56: {  	[tilespmem:s22], [sflag:$0x1] =	stream.indirect.gather [hbm4b:s13+s21], $0x20, s19, s21, $0xb8;
	[tilespmem:$0x1ED00] =	vst v63  }
0x57: {  	s30 =	simm.s32 $0x1  }
0x58: {  	[tilespmem:s24], [sflag:$0x1] =	stream.indirect.gather [hbm4b:s13+s21], $0x20, s23, s21, $0xb8;
	[tilespmem:$0x1ED00] =	vst v63  }
0x59: {  	_ =	swait.ge [sflag:s30], $0x30E0  }
0x5a: {  	[sflag:s30] =	ssyncset.done $0x0  }
0x5b: {  	[sflag:s30] =	ssyncadd.s32 $0xFFFFCF20  }
0x5c: {  	s31 =	simm.s32 $0x0;
	s0 =	simm.s32 $0x0;
	[bflag:$0x0] =	sbarrier.arrive $0xFFFF  }
.LBB2_4:
0x5d: {  	p0 =	slt.u32 s31, $0x2  }
0x5e: {  	s1 =	simm.s32 @!p0 $0x2  }
0x5f: {  	_ =	swait.ge @!p0 [sflag:s1], $0x1000  }
0x60: {  	[sflag:s1] =	ssyncset.done @!p0 $0x0  }
0x61: {  	[sflag:s1] =	ssyncadd.s32 @!p0 $0xFFFFF000  }
0x62: {  	_ =	swait.ge @!p0 [sflag:s1], $0x1000  }
0x63: {  	p1 =	seq.s32 @!p0 s31, $0xC5;
	[sflag:s1] =	ssyncset.done @!p0 $0x0  }
0x64: {  	p1 =	por p0, !p1;
	[sflag:s1] =	ssyncadd.s32 @!p0 $0xFFFFF000;
	s1 =	simm.s32 @!p0 $0xC6  }
0x65: {  	s1 =	sadd.s32 @p1 $0x1, s31  }
0x66: {  	s29 =	smov.u32 s30;
	s5 =	sshll.u32 @p1 s1, $0x8  }
0x67: {  	s30 =	sshll.u32 @p1 s29, $0xB;
	s5 =	sadd.s32 @p1 s10, s5  }
0x68: {  	s30 =	sshra.s32 @p1 s30, $0x2;
	s5 =	sshrl.u32 @p1 s5, $0x3  }
0x69: {  	s31 =	sadd.s32 @p1 $0x18700, s30;
	s5 =	sadd.s32 @p1 s4, s5  }
0x6a: {  	[tilespmem:s31], [sflag:$0x3] =	stream.strided.gather @p1 [hbm4b:s5+s17], $0x200, s18, s17, $0x38;
	[tilespmem:$0x1ED00] =	vst v63  }
0x6b: {  	s5 =	sshll.u32 @p1 s29, $0xF;
	_ =	swait.ge @p1 [sflag:s20], $0x200  }
0x6c: {  	s5 =	sshra.s32 @p1 s5, $0x2;
	[sflag:s20] =	ssyncset.done @p1 $0x0  }
0x6d: {  	s6 =	sadd.s32 @p1 $0x18D00, s5;
	[sflag:s20] =	ssyncadd.s32 @p1 $0xFFFFFE00  }
0x6e: {  	[tilespmem:s6], [sflag:$0x1] =	stream.indirect.gather @p1 [hbm4b:s13+s21], $0x20, s31, s21, $0xb8;
	[tilespmem:$0x1ED00] =	vst v63  }
0x6f: {  	s5 =	sadd.s32 @p1 $0x19D00, s5;
	s6 =	sadd.s32 @p1 $0x18780, s30  }
0x70: {  	[tilespmem:s5], [sflag:$0x1] =	stream.indirect.gather @p1 [hbm4b:s13+s21], $0x20, s6, s21, $0xb8;
	[tilespmem:$0x1ED00] =	vst v63  }
0x71: {  	_ =	swait.ge [sflag:s25], $0x1000  }
0x72: {  	p0 =	seq.s32 s29, $0x2;
	[sflag:s25] =	ssyncset.done $0x0  }
0x73: {  	s5 =	sshll.u32 s0, $0xF;
	s6 =	sshll.u32 s0, $0xB;
	[sflag:s25] =	ssyncadd.s32 $0xFFFFF000  }
0x74: {  	p1 =	slt.u32 s1, $0xC6;
	s5 =	sshra.s32 s5, $0x2;
	_ =	swait.ge [sflag:s25], $0x1000  }
0x75: {  	s0 =	sshra.s32 s6, $0x2;
	s6 =	sadd.s32 $0x18D00, s5;
	[sflag:s25] =	ssyncset.done $0x0  }
.Ltmp1:
0x76: {  	s30 =	sadd.s32 $0x18800, s0;
	[sflag:s25] =	ssyncadd.s32 $0xFFFFF000;
	(pc) =	sbr.rel @p1 .LBB2_4-.Ltmp1, $4  }
0x77: {  	[spmem:s2] =	stream.indirect.scatter.add.f32 [tilespmem:s6], [sflag:$0x2], $0x20, s30, s21, $0xb8;
	[tilespmem:$0x1ED00] =	vst v63  }
0x78: {  	s5 =	sadd.s32 $0x19D00, s5;
	s0 =	sadd.s32 $0x18880, s0;
	s30 =	sadd.s32 $0x1, s29  }
0x79: {  	[spmem:s2] =	stream.indirect.scatter.add.f32 [tilespmem:s5], [sflag:$0x2], $0x20, s0, s21, $0xb8;
	[tilespmem:$0x1ED00] =	vst v63  }
0x7a: {  	s31 =	smov.u32 s1;
	s30 =	simm.s32 @p0 $0x0;
	s0 =	smov.u32 s29  }
0x7b: {  	_ =	swait.ge [sflag:s26], $0x1000  }
0x7c: {  	[sflag:s26] =	ssyncset.done $0x0  }
0x7d: {  	[sflag:s26] =	ssyncadd.s32 $0xFFFFF000  }
0x7e: {  	_ =	swait.ge [sflag:s26], $0x1000  }
0x7f: {  	[sflag:s26] =	ssyncset.done $0x0  }
0x80: {  	[sflag:s26] =	ssyncadd.s32 $0xFFFFF000  }
0x81: {  	_ =	swait.ge [sflag:s26], $0x1000  }
0x82: {  	[sflag:s26] =	ssyncset.done $0x0  }
0x83: {  	[sflag:s26] =	ssyncadd.s32 $0xFFFFF000  }
0x84: {  	_ =	swait.ge [sflag:s26], $0x1000  }
0x85: {  	[sflag:s26] =	ssyncset.done $0x0  }
0x86: {  	s3 =	sadd.s32 $0x1, s3;
	[sflag:s26] =	ssyncadd.s32 $0xFFFFF000  }
0x87: {  	p0 =	sne.s32 s3, s15;
	[bflag:$0x0] =	sbarrier.arrive $0xFFFF  }
0x88: {  	[hbm:s14], [sflag:s28] =	dma.local [spmem:s16], $0x30E0  }
.Ltmp2:
0x89: {  	_ =	swait.ge [sflag:s20], $0x30E0;
	(pc) =	sbr.rel @p0 .LBB2_1-.Ltmp2, $3  }
0x8a: {  	[sflag:s20] =	ssyncset.done $0x0  }
0x8b: {  	[sflag:s20] =	ssyncadd.s32 $0xFFFFCF20  }
0x8c: {  	[bflag:$0x0] =	sbarrier.arrive $0xFFFF;
	_ =	sdelay $0x1  }
0x8d: {  	_ =	sfence.sel $0x180000  }
0x8e: {  	[bflag:$0x0] =	sbarrier.arrive $0xFFFF  }
0x8f: {  	_ =	strace $0x9000004D  }
0x90: {  	s0 =	stileid.u32;
	[bflag:$0x2] =	sbarrier.arrive $0xFFFF  }
0x91: {  	p0 =	sne.s32 s0, $0x0;
	s0 =	rddreg [dreg:$0x2]  }
0x92: {  	s0 =	sadd.s32 @!p0 $0x100000, s0  }
0x93: {  	[sflag:s0] =	ssyncadd.tile.s32 @!p0 $0x1;
	_ =	shalt  }
.Lfunc_end2:
_tile_overlayer_lowered:
.L_overlay_start_2:
0x94: {  	(tag) =	ssettag $0x2  }
0x95: {  	s0 =	rddreg [dreg:$0x0];
	s2 =	stileid.u32  }
0x96: {  	s1 =	rddreg [dreg:$0x1];
	p0 =	sne.s32 s2, $0x0  }
0x97: {  	s3 =	rddreg [dreg:$0x2];
	[bflag:$0x3] =	sbarrier.arrive $0xFFFF;
	s2 =	simm.s32 @!p0 $0x1C03  }
0x98: {  	[timem:s3], [sflag:s2] =	dma.local @!p0 [hbm:s0], s1  }
0x99: {  	s0 =	simm.s32 @!p0 $0x3  }
0x9a: {  	_ =	swait.ge @!p0 [sflag:s0], s1  }
0x9b: {  	s1 =	ssub.s32 @!p0 $0x0, s1;
	[sflag:s0] =	ssyncset.done @!p0 $0x0  }
0x9c: {  	[sflag:s0] =	ssyncadd.s32 @!p0 s1  }
0x9d: {  	[bflag:$0x3] =	sbarrier.arrive $0xFFFF  }
0x9e: {  	_ =	shalt  }

// kernel: kernel.8.cloned.1.call-start
scs
__scs_entry_jumppad:
0x0: {  	(pc) =	sbr.rel $0x88, $3  }
0x1: {  	(tag) =	ssettag $0x0;
	lr =	simm.s32 $0x1  }
0x2: {  	[smem:$0x3F9B] =	sst lr;
	_ =	strace $0xD0000000  }
0x3: {  	_ = 	snop  }
0x4: {  	_ = 	snop  }
0x5: {  	_ = 	snop  }
0x6: {  	_ = 	snop  }
0x7: {  	_ = 	snop  }
__scs_overlays_trampoline_lowered:
0x8: {  	[smem:$0x3FAA] =	sst s0  }
0x9: {  	[smem:$0x3FAB] =	sst s1  }
0xa: {  	[smem:$0x3FAC] =	sst s2  }
0xb: {  	[smem:$0x3FAD] =	sst s3  }
0xc: {  	[smem:$0x3FAE] =	sst s4  }
0xd: {  	[smem:$0x3FAF] =	sst s5  }
0xe: {  	[smem:$0x3FB0] =	sst s6  }
0xf: {  	[smem:$0x3FB1] =	sst s7  }
0x10: {  	[smem:$0x3FB2] =	sst s8  }
0x11: {  	[smem:$0x3FB3] =	sst s9;
	s0 =	simm.s32 @!p0 $0x0  }
0x12: {  	s1 =	sld [smem:$0x3F99];
	s0 =	simm.s32 @p0 $0x1  }
0x13: {  	[smem:$0x3FB4] =	sst s0;
	s0 =	simm.s32 @!p1 $0x0  }
0x14: {  	s2 =	sld [smem:$0x3F98];
	s0 =	simm.s32 @p1 $0x1  }
0x15: {  	[smem:$0x3FB5] =	sst s0;
	s0 =	simm.s32 @!p2 $0x0  }
0x16: {  	s3 =	sld [smem:$0x3FDB];
	s0 =	simm.s32 @p2 $0x1  }
0x17: {  	s4 =	simm.s32 $0x1BF5;
	[smem:$0x3FB7] =	sst s0  }
0x18: {  	s0 =	sld [smem:$0x3F9A];
	_ =	swait.ge [sflag:s4], $0x0  }
0x19: {  	s7 =	sld [smem:$0x3F9B]  }
0x1a: {  	s8 =	sadd.s32 $0xFFFFE003, lr  }
0x1b: {  	s9 =	sadd.s32 $0xFFFFFEF7, lr;
	s5 =	simm.s32 $0xFFFFFFFF;
	p2 =	slt.u32 s8, $0xFFFFF086  }
0x1c: {  	p1 =	slt.u32 s9, $0xF7A;
	s5 =	simm.s32 @!p2 $0x0  }
0x1d: {  	s5 =	simm.s32 @p1 $0x1;
	p0 =	seq.s32 s7, s2  }
0x1e: {  	s7 =	smul.u32 @!p0 $0xF7A, s2;
	p2 =	seq.s32 @!p0 s5, $0x0  }
0x1f: {  	s9 =	smul.u32 $0xF7A, s1;
	s8 =	simm.s32 @!p0 $0x1BF5;
	p2 =	por !p2, p0  }
0x20: {  	[sflag:s8] =	ssyncset.s32 @!p0 $0xFFFFF086;
	s6 =	sadd.s32 @!p0 s3, s7;
	s7 =	simm.s32 @!p0 $0x108  }
0x21: {  	s3 =	sadd.s32 s3, s9;
	s6 =	sadd.s32 @!p0 $0x88, s6;
	s7 =	simm.s32 @p2 $0x1082  }
0x22: {  	[simem:s7], [sflag:s8] =	dma.local @!p0 [hbm:s6], $0xF7A  }
0x23: {  	s9 =	sor.u32 $0xD0000000, s2;
	s6 =	simm.s32 $0x108;
	_ =	swait.ge @!p0 [sflag:s8], $0x0  }
0x24: {  	s3 =	sadd.s32 $0x88, s3;
	s6 =	simm.s32 @!p1 $0x1082;
	[sflag:s4] =	ssyncset.s32 $0xFFFFF086  }
0x25: {  	[simem:s6], [sflag:s4] =	dma.local [hbm:s3], $0xF7A  }
0x26: {  	[smem:$0x3F9B] =	sst s1;
	(tag) =	ssettag s2;
	_ =	strace s9  }
0x27: {  	s1 =	sld [smem:$0x3FAB]  }
0x28: {  	s2 =	sld [smem:$0x3FAC]  }
0x29: {  	s4 =	sld [smem:$0x3FAE]  }
0x2a: {  	p0 =	seq.s32 s5, $0x0;
	s5 =	sld [smem:$0x3FAF]  }
0x2b: {  	s6 =	sld [smem:$0x3FB0]  }
0x2c: {  	s7 =	sld [smem:$0x3FB1]  }
0x2d: {  	s3 =	simm.s32 $0x108;
	s8 =	sld [smem:$0x3FB2]  }
0x2e: {  	s3 =	simm.s32 @!p0 $0x1082;
	s9 =	sld [smem:$0x3FB3]  }
0x2f: {  	lr =	sadd.s32 s0, s3;
	s0 =	sld [smem:$0x3FAA]  }
0x30: {  	s3 =	sld [smem:$0x3FAD]  }
0x31: {  	[smem:$0x3FB6] =	sst s10  }
0x32: {  	s10 =	sld [smem:$0x3FB4];
	_ =	sdelay $0x3  }
0x33: {  	p0 =	seq.s32 s10, $0x1;
	s10 =	sld [smem:$0x3FB6];
	_ =	sdelay $0x3  }
0x34: {  	[smem:$0x3FB6] =	sst s10  }
0x35: {  	s10 =	sld [smem:$0x3FB5];
	_ =	sdelay $0x3  }
0x36: {  	p1 =	seq.s32 s10, $0x1;
	s10 =	sld [smem:$0x3FB6];
	_ =	sdelay $0x3  }
0x37: {  	[smem:$0x3FB6] =	sst s10  }
0x38: {  	s10 =	sld [smem:$0x3FB7]  }
0x39: {  	_ = 	snop;
	(pc) =	sbr.ind lr, $3  }
0x3a: {  	_ = 	snop  }
0x3b: {  	_ = 	snop  }
0x3c: {  	p2 =	seq.s32 s10, $0x1;
	s10 =	sld [smem:$0x3FB6]  }
0x3d: {  	_ =	shalt  }
0x3e: {  	_ =	shalt  }
0x3f: {  	_ =	shalt  }
0x40: {  	_ =	shalt  }
0x41: {  	_ =	shalt  }
0x42: {  	_ =	shalt  }
0x43: {  	_ =	shalt  }
0x44: {  	_ =	shalt  }
0x45: {  	_ =	shalt  }
0x46: {  	_ =	shalt  }
0x47: {  	_ =	shalt  }
0x48: {  	_ =	shalt  }
0x49: {  	_ =	shalt  }
0x4a: {  	_ =	shalt  }
0x4b: {  	_ =	shalt  }
0x4c: {  	_ =	shalt  }
0x4d: {  	_ =	shalt  }
0x4e: {  	_ =	shalt  }
0x4f: {  	_ =	shalt  }
0x50: {  	_ =	shalt  }
0x51: {  	_ =	shalt  }
0x52: {  	_ =	shalt  }
0x53: {  	_ =	shalt  }
0x54: {  	_ =	shalt  }
0x55: {  	_ =	shalt  }
0x56: {  	_ =	shalt  }
0x57: {  	_ =	shalt  }
0x58: {  	_ =	shalt  }
0x59: {  	_ =	shalt  }
0x5a: {  	_ =	shalt  }
0x5b: {  	_ =	shalt  }
0x5c: {  	_ =	shalt  }
0x5d: {  	_ =	shalt  }
0x5e: {  	_ =	shalt  }
0x5f: {  	_ =	shalt  }
0x60: {  	_ =	shalt  }
0x61: {  	_ =	shalt  }
0x62: {  	_ =	shalt  }
0x63: {  	_ =	shalt  }
0x64: {  	_ =	shalt  }
0x65: {  	_ =	shalt  }
0x66: {  	_ =	shalt  }
0x67: {  	_ =	shalt  }
0x68: {  	_ =	shalt  }
0x69: {  	_ =	shalt  }
0x6a: {  	_ =	shalt  }
0x6b: {  	_ =	shalt  }
0x6c: {  	_ =	shalt  }
0x6d: {  	_ =	shalt  }
0x6e: {  	_ =	shalt  }
0x6f: {  	_ =	shalt  }
0x70: {  	_ =	shalt  }
0x71: {  	_ =	shalt  }
0x72: {  	_ =	shalt  }
0x73: {  	_ =	shalt  }
0x74: {  	_ =	shalt  }
0x75: {  	_ =	shalt  }
0x76: {  	_ =	shalt  }
0x77: {  	_ =	shalt  }
0x78: {  	_ =	shalt  }
0x79: {  	_ =	shalt  }
0x7a: {  	_ =	shalt  }
0x7b: {  	_ =	shalt  }
0x7c: {  	_ =	shalt  }
0x7d: {  	_ =	shalt  }
0x7e: {  	_ =	shalt  }
0x7f: {  	_ =	shalt  }
0x80: {  	_ =	shalt  }
0x81: {  	_ =	shalt  }
0x82: {  	_ =	shalt  }
0x83: {  	_ =	shalt  }
0x84: {  	_ =	shalt  }
0x85: {  	_ =	shalt  }
0x86: {  	_ =	shalt  }
0x87: {  	_ =	shalt  }
.Lfunc_end0:
.L_simem_size_0:
called_computation_lowered:
.L_overlay_start_0:
0x88: {  	s2 =	sld [smem:$0x3FD9]  }
0x89: {  	s3 =	sld [smem:$0x3FFE];
	_ =	sdelay $0x1  }
0x8a: {  	s1 =	srdreg.scid  }
0x8b: {  	s0 =	sand.u32 $0x1, s1  }
0x8c: {  	s17 =	sshll.u32 s0, $0xA;
	s2 =	sadd.s32 s3, s2  }
0x8d: {  	s2 =	sadd.s32 s2, s17  }
0x8e: {  	[smem:$0x3FC2] =	sst s2  }
0x8f: {  	_ = 	snop  }
0x90: {  	s2 =	sld [smem:$0x3FD0];
	(tm) =	ssettm $0x1  }
0x91: {  	s18 =	sld [smem:$0x3FFB];
	_ =	sdelay $0x3  }
0x92: {  	_ =	strace s18  }
0x93: {  	s3 =	sld [smem:$0x3FFC];
	_ =	sdelay $0x3  }
0x94: {  	_ =	strace s3  }
0x95: {  	s3 =	sld [smem:$0x3FFD];
	_ =	sdelay $0x3  }
0x96: {  	_ =	strace s3  }
0x97: {  	_ =	strace $0x8FFFFFFF  }
0x98: {  	s19 =	sld [smem:$0x3FDB];
	_ =	sdelay $0x1  }
0x99: {  	s4 =	simm.s32 $_scs_section_size  }
0x9a: {  	s5 =	simm.s32 $_size__tile_overlayer_lowered;
	s6 =	simm.s32 $_tile_overlayer_lowered  }
0x9b: {  	s22 =	simm.s32 $0x1BFF;
	s21 =	sshll.u32 s6, $0x1;
	s3 =	sadd.s32 s4, s19  }
0x9c: {  	s7 =	simm.s32 $0x0;
	s20 =	sshll.u32 s5, $0x1;
	s5 =	sadd.s32 s21, s3  }
0x9d: {  	[timem:s7], [sflag:s22] =	dma.local [hbm:s5], s20  }
0x9e: {  	_ =	swait.ge [sflag:s22], s20  }
0x9f: {  	s4 =	ssub.s32 $0x0, s20;
	[sflag:s22] =	ssyncset.done $0x0  }
0xa0: {  	[sflag:s22] =	ssyncadd.s32 s4;
	_ =	sdelay $0x1  }
0xa1: {  	s23 =	simm.s32 $0x1B8B  }
0xa2: {  	_ =	swait.ge [sflag:s23], $0x1  }
0xa3: {  	[sflag:s23] =	ssyncset.done $0x0  }
0xa4: {  	s25 =	simm.s32 $0x1B8E;
	s24 =	sld [smem:$0x3FFE];
	[sflag:s23] =	ssyncadd.s32 $0xFFFFFFFF  }
0xa5: {  	s26 =	simm.s32 $execute0_lowered;
	[smem:$0x3FD2] =	sst s25  }
0xa6: {  	s5 =	sshll.u32 s26, $0x1;
	_ =	strace $0x80000046;
	[dreg:$0x1] =	wrdreg $0xFFFFFFFF  }
0xa7: {  	s28 =	simm.s32 $_size_execute0_lowered;
	s3 =	sadd.s32 s3, s5;
	[dreg:$0x0] =	wrdreg $0x0  }
0xa8: {  	s5 =	sshll.u32 s28, $0x1;
	[dreg:$0x2] =	wrdreg s3  }
0xa9: {  	[dreg:$0x3] =	wrdreg s5  }
0xaa: {  	[dreg:$0x4] =	wrdreg $0xC0  }
0xab: {  	_ =	task [dreg:s7], $0x5FFFF  }
0xac: {  	[dreg:$0x1] =	wrdreg $0xFFFFFFFF  }
0xad: {  	[dreg:$0x0] =	wrdreg $0x60  }
0xae: {  	[dreg:$0x2] =	wrdreg s24  }
0xaf: {  	[dreg:$0x3] =	wrdreg s2  }
0xb0: {  	[dreg:$0x4] =	wrdreg $0x0  }
0xb1: {  	[dreg:$0x5] =	wrdreg $0x9  }
0xb2: {  	_ =	task.clear_ibuf [dreg:s7], $0x6FFFF;
	_ =	strace $0x90000046  }
0xb3: {  	s29 =	simm.s32 $0x9;
	_ =	strace $0x80000048  }
0xb4: {  	_ =	swait.ge [sflag:s29], $0x1  }
0xb5: {  	[sflag:s29] =	ssyncadd.s32 $0xFFFFFFFF  }
0xb6: {  	_ =	strace $0x90000048  }
0xb7: {  	_ =	sfence  }
0xb8: {  	s30 =	sld [smem:$0x0];
	_ =	sdelay $0x2  }
0xb9: {  	s31 =	sshll.u32 s1, $0xD;
	s1 =	sshrl.u32 s1, $0x2  }
0xba: {  	s3 =	sand.u32 $0x4000, s31;
	s1 =	sadd.s32 s1, s30  }
0xbb: {  	s0 =	sor.u32 s3, s0;
	s1 =	sshll.u32 s1, $0x11  }
0xbc: {  	s0 =	sor.u32 s1, s0  }
0xbd: {  	s0 =	sadd.s32 $0x8F2B, s0  }
0xbe: {  	[sflag:s0] =	ssyncadd.remote.s32 $0x1  }
0xbf: {  	_ =	sfence.sel $0xFFFF  }
0xc0: {  	[dreg:$0x0] =	wrdreg $0xFFFFFFFF;
	(pc) =	sbr.abs _section_cstart, $3  }
0xc1: {  	[dreg:$0x1] =	wrdreg $0xFFFFFFFF  }
0xc2: {  	_ =	task.clear_ibuf [dreg:s7], $0x2FFFF;
	_ =	strace $0x9FFFFFFF  }
0xc3: {  	(tm) =	ssettm $0x7FFFFFFF  }
tec
execute0_lowered:
.L_overlay_start_1:
0x0: {  	(tag) =	ssettag $0x1  }
0x1: {  	s5 =	rddreg [dreg:$0x0]  }
0x2: {  	s10 =	rddreg [dreg:$0x1]  }
0x3: {  	s1 =	rddreg [dreg:$0x2]  }
0x4: {  	s0 =	rddreg [dreg:$0x3];
	s2 =	simm.s32 $0x0;
	s3 =	srdreg.scid  }
0x5: {  	s15 =	simm.s32 $0x61C0;
	s16 =	simm.s32 $0x80;
	s17 =	simm.s32 $0x1  }
0x6: {  	s18 =	simm.s32 $0x0;
	[smem:$0x7FF] =	sst s2;
	s6 =	sand.u32 $0x1, s3  }
0x7: {  	s4 =	sadd.s32 $0x1200, s5;
	s3 =	stileid.u32;
	s5 =	sadd.s32 $0x32A00, s5  }
0x8: {  	_ =	strace $0x80000047;
	s7 =	sshll.u32 s6, $0x4;
	s9 =	smul.u32 $0x61C0, s3  }
0x9: {  	s8 =	ssub.s32 $0x2, s6;
	s12 =	smul.u32 $0x61C00, s6;
	s7 =	sor.u32 s3, s7  }
0xa: {  	s31 =	sshll.u32 s3, $0x6;
	s11 =	sshrl.u32 s8, $0x1;
	s7 =	smul.u32 $0x6300, s7  }
0xb: {  	s11 =	ssub.s32 s8, s11;
	s30 =	sshrl.u32 s9, $0x3;
	s13 =	sadd.s32 s9, s1  }
0xc: {  	s12 =	sadd.s32 s9, s12;
	s8 =	sor.u32 $0x1C02, s31;
	s6 =	sadd.s32 s5, s30  }
0xd: {  	s12 =	sshrl.u32 s12, $0x3;
	s11 =	smax.u32 s11, $0x1;
	s7 =	sadd.s32 $0xC6000, s7  }
0xe: {  	s10 =	sadd.s32 s10, s12;
	s12 =	sshrl.u32 s13, $0x3;
	s14 =	sshrl.u32 s7, $0x3  }
0xf: {  	s13 =	simm.s32 $0x2;
	s9 =	sadd.s32 s4, s14;
	s14 =	simm.s32 $0x64C0  }
.LBB2_1:
0x10: {  	[spmem:s12], [sflag:s8] =	dma.local [hbm:s6], $0xC38  }
0x11: {  	_ =	swait.ge [sflag:s13], $0xC38  }
0x12: {  	[sflag:s13] =	ssyncset.done $0x0  }
0x13: {  	[sflag:s13] =	ssyncadd.s32 $0xFFFFF3C8  }
0x14: {  	[tilespmem:s14], [sflag:$0x2] =	stream.linear.gather [hbm4b:s5+s2], $0x400, $0x38;
	[tilespmem:$0x68C0] =	vst v63  }
0x15: {  	_ =	swait.ge [sflag:s13], $0x400  }
0x16: {  	[sflag:s13] =	ssyncset.done $0x0  }
0x17: {  	[sflag:s13] =	ssyncadd.s32 $0xFFFFFC00  }
0x18: {  	[bflag:$0x0] =	sbarrier.arrive $0xFFFF  }
0x19: {  	[tilespmem:s15], [sflag:$0x2] =	stream.linear.gather [hbm4b:s9+s2], $0x100, $0x38;
	[tilespmem:$0x68C0] =	vst v63  }
0x1a: {  	_ =	swait.ge [sflag:s13], $0x100  }
0x1b: {  	s22 =	simm.s32 $0x1;
	[sflag:s13] =	ssyncset.done $0x0  }
0x1c: {  	s19 =	simm.s32 $0x0;
	s23 =	simm.s32 $0x0;
	[sflag:s13] =	ssyncadd.s32 $0xFFFFFF00  }
.LBB2_2:
0x1d: {  	p0 =	slt.u32 s23, $0x2  }
0x1e: {  	s21 =	simm.s32 @!p0 $0x1  }
0x1f: {  	_ =	swait.ge @!p0 [sflag:s21], $0x400  }
0x20: {  	[sflag:s21] =	ssyncset.done @!p0 $0x0  }
0x21: {  	[sflag:s21] =	ssyncadd.s32 @!p0 $0xFFFFFC00  }
0x22: {  	_ =	swait.ge @!p0 [sflag:s21], $0x400  }
0x23: {  	p1 =	seq.s32 @!p0 s23, $0x62;
	[sflag:s21] =	ssyncset.done @!p0 $0x0  }
0x24: {  	p1 =	por p0, !p1;
	[sflag:s21] =	ssyncadd.s32 @!p0 $0xFFFFFC00;
	s21 =	simm.s32 @!p0 $0x63  }
0x25: {  	s21 =	sadd.s32 @p1 $0x1, s23  }
0x26: {  	s20 =	smov.u32 s22;
	s22 =	sshll.u32 @p1 s21, $0x8  }
0x27: {  	s23 =	sshll.u32 @p1 s20, $0xA;
	s22 =	sadd.s32 @p1 s22, s7  }
0x28: {  	s23 =	sshra.s32 @p1 s23, $0x2;
	s22 =	sshrl.u32 @p1 s22, $0x3  }
0x29: {  	s23 =	sadd.s32 @p1 $0x61C0, s23;
	s22 =	sadd.s32 @p1 s4, s22  }
0x2a: {  	[tilespmem:s23], [sflag:$0x2] =	stream.linear.gather @p1 [hbm4b:s22+s2], $0x100, $0x38;
	[tilespmem:$0x68C0] =	vst v63  }
0x2b: {  	_ =	swait.ge @p1 [sflag:s13], $0x100  }
0x2c: {  	s19 =	sshll.u32 s19, $0xA;
	[sflag:s13] =	ssyncset.done @p1 $0x0  }
0x2d: {  	s19 =	sshra.s32 s19, $0x2;
	[sflag:s13] =	ssyncadd.s32 @p1 $0xFFFFFF00;
	p1 =	slt.u32 s21, $0x63  }
.Ltmp0:
0x2e: {  	s31 =	sadd.s32 $0x61C0, s19;
	(pc) =	sbr.rel @p1 .LBB2_2-.Ltmp0, $4  }
0x2f: {  	[spmem:s1] =	stream.indirect.scatter.add.f32 [tilespmem:s14], [sflag:$0x1], $0x8, s31, s16, $0xb8;
	[tilespmem:$0x68C0] =	vst v63  }
0x30: {  	s19 =	sadd.s32 $0x6240, s19;
	p0 =	seq.s32 s20, $0x2;
	s22 =	sadd.s32 $0x1, s20  }
0x31: {  	[spmem:s1] =	stream.indirect.scatter.add.f32 [tilespmem:s14], [sflag:$0x1], $0x8, s19, s16, $0xb8;
	[tilespmem:$0x68C0] =	vst v63  }
0x32: {  	s23 =	smov.u32 s21;
	s22 =	simm.s32 @p0 $0x0;
	s19 =	smov.u32 s20  }
0x33: {  	_ =	swait.ge [sflag:s17], $0x400  }
0x34: {  	[sflag:s17] =	ssyncset.done $0x0  }
0x35: {  	[sflag:s17] =	ssyncadd.s32 $0xFFFFFC00  }
0x36: {  	_ =	swait.ge [sflag:s17], $0x400  }
0x37: {  	[sflag:s17] =	ssyncset.done $0x0  }
0x38: {  	[sflag:s17] =	ssyncadd.s32 $0xFFFFFC00  }
0x39: {  	_ =	swait.ge [sflag:s17], $0x400  }
0x3a: {  	[sflag:s17] =	ssyncset.done $0x0  }
0x3b: {  	[sflag:s17] =	ssyncadd.s32 $0xFFFFFC00  }
0x3c: {  	_ =	swait.ge [sflag:s17], $0x400  }
0x3d: {  	s18 =	sadd.s32 $0x1, s18;
	[sflag:s17] =	ssyncset.done $0x0  }
0x3e: {  	p0 =	sne.s32 s18, s11;
	[sflag:s17] =	ssyncadd.s32 $0xFFFFFC00  }
.Ltmp1:
0x3f: {  	[bflag:$0x0] =	sbarrier.arrive $0xFFFF;
	(pc) =	sbr.rel @p0 .LBB2_1-.Ltmp1, $4  }
0x40: {  	[hbm:s10], [sflag:s8] =	dma.local [spmem:s12], $0xC38  }
0x41: {  	_ =	swait.ge [sflag:s13], $0xC38  }
0x42: {  	[sflag:s13] =	ssyncset.done $0x0  }
0x43: {  	[sflag:s13] =	ssyncadd.s32 $0xFFFFF3C8  }
0x44: {  	_ =	sfence.sel $0x180000  }
0x45: {  	[bflag:$0x0] =	sbarrier.arrive $0xFFFF  }
0x46: {  	p0 =	sne.s32 s3, $0x0;
	_ =	strace $0x90000047  }
0x47: {  	s0 =	sadd.s32 @!p0 $0x100000, s0;
	[bflag:$0x2] =	sbarrier.arrive $0xFFFF  }
0x48: {  	[sflag:s0] =	ssyncadd.tile.s32 @!p0 $0x1;
	_ =	shalt  }
.Lfunc_end2:
_tile_overlayer_lowered:
.L_overlay_start_2:
0x49: {  	(tag) =	ssettag $0x2  }
0x4a: {  	s0 =	rddreg [dreg:$0x0];
	s2 =	stileid.u32  }
0x4b: {  	s1 =	rddreg [dreg:$0x1];
	p0 =	sne.s32 s2, $0x0  }
0x4c: {  	s3 =	rddreg [dreg:$0x2];
	[bflag:$0x3] =	sbarrier.arrive $0xFFFF;
	s2 =	simm.s32 @!p0 $0x1C02  }
0x4d: {  	[timem:s3], [sflag:s2] =	dma.local @!p0 [hbm:s0], s1  }
0x4e: {  	s0 =	simm.s32 @!p0 $0x2  }
0x4f: {  	_ =	swait.ge @!p0 [sflag:s0], s1  }
0x50: {  	s1 =	ssub.s32 @!p0 $0x0, s1;
	[sflag:s0] =	ssyncset.done @!p0 $0x0  }
0x51: {  	[sflag:s0] =	ssyncadd.s32 @!p0 s1  }
0x52: {  	[bflag:$0x3] =	sbarrier.arrive $0xFFFF  }
0x53: {  	_ =	shalt  }

</sc_bundles>
